<compile_context>
chip_gen: v7x
topology: tpu7x:2x2x1
jax: 0.10.2.dev20260603
libtpu: 0.0.44.dev20260713+nightly
codegen_flags: <defaults>
</compile_context>

<pallas_src>
import functools

import jax
import jax.numpy as jnp
from jax import lax
from jax.experimental import pallas as pl
from jax.experimental.pallas import tpu as pltpu
from jax.experimental.pallas import tpu_sc as plsc

N = 10000
E = 320000
D = 128
H = 128
ED = 16
G = 32
L = 4

NC = 2
NS = 16
NW = NC * NS
C = 128
NCH = 80
EP = NW * NCH * C
EPW = NCH * C
NP = 10240
RPT = NP // NS

_VMESH = plsc.VectorSubcoreMesh(core_axis_name="c", subcore_axis_name="s")



def _sc_spmm_body(m_hbm, gat_hbm, sct_hbm, zeros_hbm, s_out,
                  idx_g2, idx_s2, rows, acc_sh):
    cid = lax.axis_index("c")
    sid = lax.axis_index("s")
    wid = cid * NS + sid
    r0 = sid * RPT
    pltpu.sync_copy(zeros_hbm, acc_sh.at[pl.ds(r0, RPT)])
    pltpu.sync_copy(gat_hbm.at[wid], idx_g2)
    pltpu.sync_copy(sct_hbm.at[wid], idx_s2)
    plsc.subcore_barrier()

    @pl.loop(0, NCH)
    def _(k):
        pltpu.sync_copy(m_hbm.at[idx_g2.at[k]], rows)
        pltpu.sync_copy(rows, acc_sh.at[idx_s2.at[k]], add=True)

    plsc.subcore_barrier()
    pltpu.sync_copy(acc_sh.at[pl.ds(r0, RPT)], s_out.at[cid, pl.ds(r0, RPT)])


def _sc_spmm(m, gat3, sct3, zeros128):
    f = pl.kernel(
        _sc_spmm_body,
        out_type=jax.ShapeDtypeStruct((NC, NP, D), jnp.float32),
        mesh=_VMESH,
        scratch_types=[
            pltpu.VMEM((NCH, C), jnp.int32),
            pltpu.VMEM((NCH, C), jnp.int32),
            pltpu.VMEM((C, D), jnp.float32),
            pltpu.VMEM_SHARED((NP, D), jnp.float32),
        ],
    )
    return f(m, gat3, sct3, zeros128)



def _dot(a, b):
    return jnp.dot(a, b, preferred_element_type=jnp.float32)


_EW_BLK = 8192


def _tc_ew_body(ea_ref, we_ref, ew_ref):
    ew_ref[...] = _dot(ea_ref[...], we_ref[...])


def _tc_ew(eap, we):
    return pl.pallas_call(
        _tc_ew_body,
        grid=(EP // _EW_BLK,),
        in_specs=[
            pl.BlockSpec((_EW_BLK, ED), lambda i: (i, 0)),
            pl.BlockSpec((ED, H), lambda i: (0, 0)),
        ],
        out_specs=pl.BlockSpec((_EW_BLK, H), lambda i: (i, 0)),
        out_shape=jax.ShapeDtypeStruct((EP, H), jnp.float32),
    )(eap, we)


def _tc_embed_body(x_ref, w0_ref, b0_ref, g0_ref, be0_ref, h_ref):
    t = _dot(x_ref[...], w0_ref[...])
    t = t + b0_ref[...][None, :]
    mu = jnp.mean(t, axis=0, keepdims=True)
    var = jnp.mean((t - mu) ** 2, axis=0, keepdims=True)
    t = (t - mu) / jnp.sqrt(var + 1e-5) * g0_ref[...][None, :] + be0_ref[...][None, :]
    h_ref[...] = jax.nn.relu(t)


def _tc_embed(x, w0, b0, g0, be0):
    return pl.pallas_call(
        _tc_embed_body,
        out_shape=jax.ShapeDtypeStruct((N, H), jnp.float32),
    )(x, w0, b0, g0, be0)


def _tc_deg_body(cr_ref, cd_ref, dinv_out, crb_out):
    cr = cr_ref[0, :N, 0:1] + cr_ref[1, :N, 0:1]
    cd = cd_ref[0, :N, 0:1] + cd_ref[1, :N, 0:1]
    dinv_out[...] = jnp.broadcast_to(lax.rsqrt(cd + 1.0), (N, H))
    crb_out[...] = jnp.broadcast_to(cr, (N, H))


def _tc_deg(s_cr, s_cd):
    return pl.pallas_call(
        _tc_deg_body,
        out_shape=(
            jax.ShapeDtypeStruct((N, H), jnp.float32),
            jax.ShapeDtypeStruct((N, H), jnp.float32),
        ),
    )(s_cr, s_cd)


def _tc_edge_body(sew_ref, crb_ref, be_ref, epart_out):
    esum = sew_ref[0, :N] + sew_ref[1, :N]
    crb = crb_ref[...]
    deg = jnp.maximum(crb, 1.0)
    epart_out[...] = (esum + crb * be_ref[...][None, :]) / deg


def _tc_edge(s_ew, crb, be):
    return pl.pallas_call(
        _tc_edge_body,
        out_shape=jax.ShapeDtypeStruct((N, H), jnp.float32),
    )(s_ew, crb, be)


def _tc_hm_body(he_ref, ep_ref, dinv_ref, wc_ref, h_out, mp_out):
    h = he_ref[...] + ep_ref[...]
    h_out[...] = h
    mp = _dot(h, wc_ref[...])
    mp_out[:N] = dinv_ref[...] * mp
    mp_out[N:] = jnp.zeros((NP - N, H), jnp.float32)


def _tc_hm(h_emb, epart, dinv, wc0):
    return pl.pallas_call(
        _tc_hm_body,
        out_shape=(
            jax.ShapeDtypeStruct((N, H), jnp.float32),
            jax.ShapeDtypeStruct((NP, H), jnp.float32),
        ),
    )(h_emb, epart, dinv, wc0)


def _tc_layer_body(last, *refs):
    s_ref, mp_ref, dinv_ref, h_ref, bc_ref, gc_ref, bb_ref = refs[:7]
    rest = refs[7:]
    if last:
        (h_out,) = rest
        wc_ref = mp_out = None
    else:
        wc_ref, h_out, mp_out = rest
    dinv = dinv_ref[...]
    agg = dinv * (s_ref[0, :N] + s_ref[1, :N] + mp_ref[:N]) + bc_ref[...][None, :]
    mu = jnp.mean(agg, axis=0, keepdims=True)
    var = jnp.mean((agg - mu) ** 2, axis=0, keepdims=True)
    t = (agg - mu) / jnp.sqrt(var + 1e-5) * gc_ref[...][None, :] + bb_ref[...][None, :]
    h = jax.nn.relu(t) + h_ref[...]
    h_out[...] = h
    if not last:
        mp_out[:N] = dinv * _dot(h, wc_ref[...])
        mp_out[N:] = jnp.zeros((NP - N, H), jnp.float32)


def _tc_layer(s, mp, dinv, h, wc_next, bc, gc, bb, last):
    out_shape = [jax.ShapeDtypeStruct((N, H), jnp.float32)]
    if not last:
        out_shape.append(jax.ShapeDtypeStruct((NP, H), jnp.float32))
    args = [s, mp, dinv, h, bc, gc, bb]
    if not last:
        args.append(wc_next)
    return pl.pallas_call(
        functools.partial(_tc_layer_body, last),
        out_shape=tuple(out_shape),
    )(*args)


def _tc_pool_body(h1_ref, h2_ref, h3_ref, h4_ref, b2d_ref, w1_ref, b1_ref,
                  g1_ref, bb1_ref, w2_ref, bias2_ref, out_ref):
    jk = jnp.maximum(jnp.maximum(h1_ref[...], h2_ref[...]),
                     jnp.maximum(h3_ref[...], h4_ref[...]))
    bt = b2d_ref[...]
    gids = lax.broadcasted_iota(jnp.int32, (G, N), 0)
    oh = (bt == gids).astype(jnp.float32)
    cnt = jnp.maximum(jnp.sum(oh, axis=1, keepdims=True), 1.0)
    pooled = jnp.dot(oh, jk, preferred_element_type=jnp.float32,
                     precision=lax.Precision.HIGHEST) / cnt
    t = _dot(pooled, w1_ref[...])
    t = t + b1_ref[...][None, :]
    mu = jnp.mean(t, axis=0, keepdims=True)
    var = jnp.mean((t - mu) ** 2, axis=0, keepdims=True)
    t = (t - mu) / jnp.sqrt(var + 1e-5) * g1_ref[...][None, :] + bb1_ref[...][None, :]
    e = jax.nn.relu(t)
    ebf = e.astype(jnp.bfloat16).astype(jnp.float32)
    w2bf = w2_ref[...][:, 0][None, :].astype(jnp.bfloat16).astype(jnp.float32)
    out = jnp.sum(ebf * w2bf, axis=1, keepdims=True)
    out_ref[...] = out + bias2_ref[...][None, :]


def _tc_pool(hs, batch2d, w1, b1, g1, bb1, w2, b2):
    return pl.pallas_call(
        _tc_pool_body,
        out_shape=jax.ShapeDtypeStruct((G, 1), jnp.float32),
    )(*hs, batch2d, w1, b1, g1, bb1, w2, b2)



def kernel(x, edge_attr, params, edge_index, batch):
    pad = EP - E
    sink = jnp.full((pad,), N, jnp.int32)
    src3 = jnp.concatenate([edge_index[0], sink]).reshape(NW, NCH, C)
    dst3 = jnp.concatenate([edge_index[1], sink]).reshape(NW, NCH, C)
    eap = jnp.concatenate([edge_attr, jnp.zeros((pad, ED), jnp.float32)])
    iota3 = jnp.arange(EP, dtype=jnp.int32).reshape(NW, NCH, C)
    ones_m = jnp.ones((NP, D), jnp.float32)
    zeros128 = jnp.zeros((RPT, D), jnp.float32)

    ew = _tc_ew(eap, params["We"])
    s_ew = _sc_spmm(ew, iota3, src3, zeros128)
    s_cr = _sc_spmm(ones_m, src3, src3, zeros128)
    s_cd = _sc_spmm(ones_m, dst3, dst3, zeros128)
    h_emb = _tc_embed(x, params["W0"], params["b0"], params["g0"], params["be0"])
    dinv, crb = _tc_deg(s_cr, s_cd)
    epart = _tc_edge(s_ew, crb, params["bE"])
    h, mp = _tc_hm(h_emb, epart, dinv, params["Wc"][0])
    hs = []
    for i in range(L):
        s = _sc_spmm(mp, src3, dst3, zeros128)
        last = i == L - 1
        wc_next = None if last else params["Wc"][i + 1]
        outs = _tc_layer(s, mp, dinv, h, wc_next,
                         params["bc"][i], params["gc"][i], params["bbn"][i],
                         last)
        if last:
            (h,) = outs
        else:
            h, mp = outs
        hs.append(h)
    out = _tc_pool(hs, batch.reshape(1, N), params["W1"], params["b1"],
                   params["g1"], params["bbn1"], params["W2"], params["b2"])
    return jnp.squeeze(out, axis=-1)

# --- scband reference (transcript-rebuilt; emitter-appended) ---
"""Pipeline reference for scband-advanced-graph-cnn-83932250898781 (READ-ONLY COPY).

The authoritative reference and input builder live on the scoring server;
editing this copy changes nothing except your own understanding.
"""

import jax, jax.numpy as jnp
import numpy as np

N = 10000
E = 320000
D = 128
H = 128
ED = 16
L = 4
G = 32

def _bn(x, g, b):
    mu = jnp.mean(x, axis=0)
    var = jnp.var(x, axis=0)
    return (x - mu) / jnp.sqrt(var + 1e-5) * g + b

def setup_inputs(seed: int = 0):
    key = jax.random.key(seed)
    def k(i):
        return jax.random.fold_in(key, i)
    x = jax.random.normal(k(0), (N, D), jnp.float32)
    edge_index = jax.random.randint(k(1), (2, E), 0, N, jnp.int32)
    edge_attr = jax.random.normal(k(2), (E, ED), jnp.float32)
    batch = jnp.sort(jax.random.randint(k(3), (N,), 0, G, jnp.int32))
    s = 0.05
    params = {
        "W0": jax.random.normal(k(10), (D, H), jnp.float32) * s,
        "b0": jnp.zeros((H,), jnp.float32),
        "g0": jnp.ones((H,), jnp.float32),
        "be0": jnp.zeros((H,), jnp.float32),
        "We": jax.random.normal(k(11), (ED, H), jnp.float32) * s,
        "bE": jnp.zeros((H,), jnp.float32),
        "Wc": jax.random.normal(k(12), (L, H, H), jnp.float32) * s,
        "bc": jnp.zeros((L, H), jnp.float32),
        "gc": jnp.ones((L, H), jnp.float32),
        "bbn": jnp.zeros((L, H), jnp.float32),
        "W1": jax.random.normal(k(13), (H, H // 2), jnp.float32) * s,
        "b1": jnp.zeros((H // 2,), jnp.float32),
        "g1": jnp.ones((H // 2,), jnp.float32),
        "bbn1": jnp.zeros((H // 2,), jnp.float32),
        "W2": jax.random.normal(k(14), (H // 2, 1), jnp.float32) * s,
        "b2": jnp.zeros((1,), jnp.float32),
    }
    return {"x": x, "edge_attr": edge_attr, "params": params, "edge_index": edge_index, "batch": batch}

def _forward(x, edge_attr, params, edge_index, batch):
    # node_embed: Linear -> BN -> ReLU
    h = jax.nn.relu(_bn(x @ params["W0"] + params["b0"], params["g0"], params["be0"]))
    # edge feature aggregation (index_add on row, degree-normalized)
    row = edge_index[0]
    deg = jax.ops.segment_sum(jnp.ones((E,), jnp.float32), row, num_segments=N)
    deg = jnp.clip(deg, 1.0, None)
    edge_emb = edge_attr @ params["We"] + params["bE"]
    edge_aggr = jax.ops.segment_sum(edge_emb, row, num_segments=N)
    h = h + edge_aggr / deg[:, None]
    # GCN normalization with self-loops (PyG gcn_norm)
    loop = jnp.arange(N, dtype=edge_index.dtype)
    src = jnp.concatenate([edge_index[0], loop])
    dst = jnp.concatenate([edge_index[1], loop])
    dg = jax.ops.segment_sum(jnp.ones((E + N,), jnp.float32), dst, num_segments=N)
    dinv = jnp.where(dg > 0, dg ** -0.5, 0.0)
    norm = dinv[src] * dinv[dst]
    xs = []
    for i in range(L):
        res = h
        m = h @ params["Wc"][i]
        agg = jax.ops.segment_sum(norm[:, None] * m[src], dst, num_segments=N) + params["bc"][i]
        h = jax.nn.relu(_bn(agg, params["gc"][i], params["bbn"][i])) + res
        xs.append(h)
    # JumpingKnowledge mode='max'
    jk = jnp.max(jnp.stack(xs, axis=0), axis=0)
    # global_mean_pool over batch ids
    cnt = jax.ops.segment_sum(jnp.ones((N,), jnp.float32), batch, num_segments=G)
    cnt = jnp.clip(cnt, 1.0, None)
    pooled = jax.ops.segment_sum(jk, batch, num_segments=G) / cnt[:, None]
    # embedder: Linear -> BN -> ReLU
    e = jax.nn.relu(_bn(pooled @ params["W1"] + params["b1"], params["g1"], params["bbn1"]))
    # classifier (dropout = identity in eval)
    out = e @ params["W2"] + params["b2"]
    return jnp.squeeze(out, axis=-1)

def reference(x, edge_attr, params, edge_index, batch):
    return _forward(x, edge_attr, params, edge_index, batch)

if __name__ == "__main__":
    import jax
    _d = setup_inputs()
    print(jax.jit(kernel)(*tuple(_d.values())))

</pallas_src>

<mosaic_0001>
#map = affine_map<(d0, d1) -> (0, 0)>
#map1 = affine_map<(d0, d1) -> (0, 0, 0)>
module attributes {stable_mosaic.version = 14 : i64} {
  func.func @_sc_spmm_body(%arg0: i32, %arg1: i32, %arg2: memref<10240x128xf32, #tpu.memory_space<hbm>>, %arg3: memref<32x80x128xi32, #tpu.memory_space<hbm>>, %arg4: memref<32x80x128xi32, #tpu.memory_space<hbm>>, %arg5: memref<640x128xf32, #tpu.memory_space<hbm>>, %arg6: memref<2x10240x128xf32, #tpu.memory_space<hbm>>, %arg7: memref<80x128xi32, #tpu.memory_space<vmem>>, %arg8: memref<80x128xi32, #tpu.memory_space<vmem>>, %arg9: memref<128x128xf32, #tpu.memory_space<vmem>>, %arg10: memref<10240x128xf32, #tpu.memory_space<vmem_shared>>) attributes {dimension_semantics = [#tpu.dimension_semantics<core_parallel>, #tpu.dimension_semantics<subcore_parallel>], iteration_bounds = array<i64: 2, 16>, scalar_prefetch = 0 : i64, scratch_operands = 4 : i64, tpu.core_type = #tpu.core_type<sc_vector_subcore>, window_params = [{transform_indices = #map}, {transform_indices = #map1}, {transform_indices = #map1}, {transform_indices = #map}, {transform_indices = #map1}]} {
    %mul3A = arith.constant 16 : i32
    %mul3A_0 = arith.muli %arg0, %mul3A : i32
    %add3A = arith.addi %mul3A_0, %arg1 : i32
    %mul3A_1 = arith.constant 640 : i32
    %mul3A_2 = arith.muli %arg1, %mul3A_1 : i32
    "tpu.region"() ({
      %run_scoped3A = tpu.sem_alloc : memref<!tpu.dma_semaphore, #tpu.memory_space<semaphore_mem>>
      %dma_start3A = arith.constant 0 : i32
      %dma_start3A_8 = tpu.memref_slice %arg10[%mul3A_2, %dma_start3A] : memref<10240x128xf32, #tpu.memory_space<vmem_shared>> -> memref<640x128xf32, #tpu.memory_space<vmem_shared>>
      tpu.enqueue_dma source(%arg5 : memref<640x128xf32, #tpu.memory_space<hbm>>) target(%dma_start3A_8 : memref<640x128xf32, #tpu.memory_space<vmem_shared>>) target_semaphore(%run_scoped3A : memref<!tpu.dma_semaphore, #tpu.memory_space<semaphore_mem>>)
      %dma_wait3A = arith.constant 0 : i32
      %dma_wait3A_9 = tpu.memref_slice %arg10[%mul3A_2, %dma_wait3A] : memref<10240x128xf32, #tpu.memory_space<vmem_shared>> -> memref<640x128xf32, #tpu.memory_space<vmem_shared>>
      tpu.wait_dma2 semaphore(%run_scoped3A : memref<!tpu.dma_semaphore, #tpu.memory_space<semaphore_mem>>) src(%arg5 : memref<640x128xf32, #tpu.memory_space<hbm>>) dst(%dma_wait3A_9 : memref<640x128xf32, #tpu.memory_space<vmem_shared>>)
      tpu.yield
    }) : () -> ()
    "tpu.region"() ({
      %run_scoped3A = tpu.sem_alloc : memref<!tpu.dma_semaphore, #tpu.memory_space<semaphore_mem>>
      %dma_start3A = arith.constant 0 : i32
      %dma_start3A_8 = arith.constant 0 : i32
      %dma_start3A_9 = tpu.memref_slice %arg3[%add3A, %dma_start3A, %dma_start3A_8] : memref<32x80x128xi32, #tpu.memory_space<hbm>> -> memref<1x80x128xi32, #tpu.memory_space<hbm>>
      %dma_start3A_10 = tpu.memref_squeeze %dma_start3A_9 : memref<1x80x128xi32, #tpu.memory_space<hbm>> -> memref<80x128xi32, #tpu.memory_space<hbm>>
      %dma_start3A_11 = arith.constant 0 : i32
      %dma_start3A_12 = arith.constant 0 : i32
      %dma_start3A_13 = tpu.memref_slice %arg3[%add3A, %dma_start3A_11, %dma_start3A_12] : memref<32x80x128xi32, #tpu.memory_space<hbm>> -> memref<1x80x128xi32, #tpu.memory_space<hbm>>
      %dma_start3A_14 = tpu.memref_squeeze %dma_start3A_13 : memref<1x80x128xi32, #tpu.memory_space<hbm>> -> memref<80x128xi32, #tpu.memory_space<hbm>>
      tpu.enqueue_dma source(%dma_start3A_14 : memref<80x128xi32, #tpu.memory_space<hbm>>) target(%arg7 : memref<80x128xi32, #tpu.memory_space<vmem>>) target_semaphore(%run_scoped3A : memref<!tpu.dma_semaphore, #tpu.memory_space<semaphore_mem>>)
      %dma_wait3A = arith.constant 0 : i32
      %dma_wait3A_15 = arith.constant 0 : i32
      %dma_wait3A_16 = tpu.memref_slice %arg3[%add3A, %dma_wait3A, %dma_wait3A_15] : memref<32x80x128xi32, #tpu.memory_space<hbm>> -> memref<1x80x128xi32, #tpu.memory_space<hbm>>
      %dma_wait3A_17 = tpu.memref_squeeze %dma_wait3A_16 : memref<1x80x128xi32, #tpu.memory_space<hbm>> -> memref<80x128xi32, #tpu.memory_space<hbm>>
      %dma_wait3A_18 = arith.constant 0 : i32
      %dma_wait3A_19 = arith.constant 0 : i32
      %dma_wait3A_20 = tpu.memref_slice %arg3[%add3A, %dma_wait3A_18, %dma_wait3A_19] : memref<32x80x128xi32, #tpu.memory_space<hbm>> -> memref<1x80x128xi32, #tpu.memory_space<hbm>>
      %dma_wait3A_21 = tpu.memref_squeeze %dma_wait3A_20 : memref<1x80x128xi32, #tpu.memory_space<hbm>> -> memref<80x128xi32, #tpu.memory_space<hbm>>
      tpu.wait_dma2 semaphore(%run_scoped3A : memref<!tpu.dma_semaphore, #tpu.memory_space<semaphore_mem>>) src(%dma_wait3A_21 : memref<80x128xi32, #tpu.memory_space<hbm>>) dst(%arg7 : memref<80x128xi32, #tpu.memory_space<vmem>>)
      tpu.yield
    }) : () -> ()
    "tpu.region"() ({
      %run_scoped3A = tpu.sem_alloc : memref<!tpu.dma_semaphore, #tpu.memory_space<semaphore_mem>>
      %dma_start3A = arith.constant 0 : i32
      %dma_start3A_8 = arith.constant 0 : i32
      %dma_start3A_9 = tpu.memref_slice %arg4[%add3A, %dma_start3A, %dma_start3A_8] : memref<32x80x128xi32, #tpu.memory_space<hbm>> -> memref<1x80x128xi32, #tpu.memory_space<hbm>>
      %dma_start3A_10 = tpu.memref_squeeze %dma_start3A_9 : memref<1x80x128xi32, #tpu.memory_space<hbm>> -> memref<80x128xi32, #tpu.memory_space<hbm>>
      %dma_start3A_11 = arith.constant 0 : i32
      %dma_start3A_12 = arith.constant 0 : i32
      %dma_start3A_13 = tpu.memref_slice %arg4[%add3A, %dma_start3A_11, %dma_start3A_12] : memref<32x80x128xi32, #tpu.memory_space<hbm>> -> memref<1x80x128xi32, #tpu.memory_space<hbm>>
      %dma_start3A_14 = tpu.memref_squeeze %dma_start3A_13 : memref<1x80x128xi32, #tpu.memory_space<hbm>> -> memref<80x128xi32, #tpu.memory_space<hbm>>
      tpu.enqueue_dma source(%dma_start3A_14 : memref<80x128xi32, #tpu.memory_space<hbm>>) target(%arg8 : memref<80x128xi32, #tpu.memory_space<vmem>>) target_semaphore(%run_scoped3A : memref<!tpu.dma_semaphore, #tpu.memory_space<semaphore_mem>>)
      %dma_wait3A = arith.constant 0 : i32
      %dma_wait3A_15 = arith.constant 0 : i32
      %dma_wait3A_16 = tpu.memref_slice %arg4[%add3A, %dma_wait3A, %dma_wait3A_15] : memref<32x80x128xi32, #tpu.memory_space<hbm>> -> memref<1x80x128xi32, #tpu.memory_space<hbm>>
      %dma_wait3A_17 = tpu.memref_squeeze %dma_wait3A_16 : memref<1x80x128xi32, #tpu.memory_space<hbm>> -> memref<80x128xi32, #tpu.memory_space<hbm>>
      %dma_wait3A_18 = arith.constant 0 : i32
      %dma_wait3A_19 = arith.constant 0 : i32
      %dma_wait3A_20 = tpu.memref_slice %arg4[%add3A, %dma_wait3A_18, %dma_wait3A_19] : memref<32x80x128xi32, #tpu.memory_space<hbm>> -> memref<1x80x128xi32, #tpu.memory_space<hbm>>
      %dma_wait3A_21 = tpu.memref_squeeze %dma_wait3A_20 : memref<1x80x128xi32, #tpu.memory_space<hbm>> -> memref<80x128xi32, #tpu.memory_space<hbm>>
      tpu.wait_dma2 semaphore(%run_scoped3A : memref<!tpu.dma_semaphore, #tpu.memory_space<semaphore_mem>>) src(%dma_wait3A_21 : memref<80x128xi32, #tpu.memory_space<hbm>>) dst(%arg8 : memref<80x128xi32, #tpu.memory_space<vmem>>)
      tpu.yield
    }) : () -> ()
    %barrier3A = arith.constant 0 : index
    tpu.barrier barrier_id(%barrier3A)
    %scan3A = arith.constant 0 : i32
    %scan3A_3 = arith.constant 80 : i32
    %scan3A_4 = arith.addi %scan3A, %scan3A_3 : i32
    %scan3A_5 = arith.constant 1 : i32
    scf.for %scan3A_8 = %scan3A to %scan3A_4 step %scan3A_5  : i32 {
      %mul3A_9 = arith.constant 1 : i32
      %mul3A_10 = arith.muli %scan3A_8, %mul3A_9 : i32
      %add3A_11 = arith.constant 0 : i32
      %add3A_12 = arith.addi %add3A_11, %mul3A_10 : i32
      "tpu.region"() ({
        %run_scoped3A = tpu.sem_alloc : memref<!tpu.dma_semaphore, #tpu.memory_space<semaphore_mem>>
        %dma_start3A = arith.constant 0 : i32
        %dma_start3A_13 = tpu.memref_slice %arg7[%add3A_12, %dma_start3A] : memref<80x128xi32, #tpu.memory_space<vmem>> -> memref<1x128xi32, #tpu.memory_space<vmem>>
        %dma_start3A_14 = tpu.memref_squeeze %dma_start3A_13 : memref<1x128xi32, #tpu.memory_space<vmem>> -> memref<128xi32, #tpu.memory_space<vmem>>
        %dma_start3A_15 = arith.constant 0 : i32
        %dma_start3A_16 = arith.constant 0 : i32
        %dma_start3A_17 = tpu.memref_slice %arg2[%dma_start3A_15, %dma_start3A_16] : memref<10240x128xf32, #tpu.memory_space<hbm>> -> memref<10240x128xf32, #tpu.memory_space<hbm>>
        tpu.enqueue_indirect_dma source(%dma_start3A_17 : memref<10240x128xf32, #tpu.memory_space<hbm>>) target(%arg9 : memref<128x128xf32, #tpu.memory_space<vmem>>) offsets(%dma_start3A_14 : memref<128xi32, #tpu.memory_space<vmem>>) semaphore(%run_scoped3A : memref<!tpu.dma_semaphore, #tpu.memory_space<semaphore_mem>>)
        %dma_wait3A = arith.constant 0 : i32
        %dma_wait3A_18 = tpu.memref_slice %arg7[%add3A_12, %dma_wait3A] : memref<80x128xi32, #tpu.memory_space<vmem>> -> memref<1x128xi32, #tpu.memory_space<vmem>>
        %dma_wait3A_19 = tpu.memref_squeeze %dma_wait3A_18 : memref<1x128xi32, #tpu.memory_space<vmem>> -> memref<128xi32, #tpu.memory_space<vmem>>
        %dma_wait3A_20 = arith.constant 0 : i32
        %dma_wait3A_21 = arith.constant 0 : i32
        %dma_wait3A_22 = tpu.memref_slice %arg2[%dma_wait3A_20, %dma_wait3A_21] : memref<10240x128xf32, #tpu.memory_space<hbm>> -> memref<10240x128xf32, #tpu.memory_space<hbm>>
        tpu.wait_indirect_dma semaphore(%run_scoped3A : memref<!tpu.dma_semaphore, #tpu.memory_space<semaphore_mem>>) src(%dma_wait3A_22 : memref<10240x128xf32, #tpu.memory_space<hbm>>) dst(%arg9 : memref<128x128xf32, #tpu.memory_space<vmem>>)
        tpu.yield
      }) : () -> ()
      "tpu.region"() ({
        %run_scoped3A = tpu.sem_alloc : memref<!tpu.dma_semaphore, #tpu.memory_space<semaphore_mem>>
        %dma_start3A = arith.constant 0 : i32
        %dma_start3A_13 = tpu.memref_slice %arg8[%add3A_12, %dma_start3A] : memref<80x128xi32, #tpu.memory_space<vmem>> -> memref<1x128xi32, #tpu.memory_space<vmem>>
        %dma_start3A_14 = tpu.memref_squeeze %dma_start3A_13 : memref<1x128xi32, #tpu.memory_space<vmem>> -> memref<128xi32, #tpu.memory_space<vmem>>
        %dma_start3A_15 = arith.constant 0 : i32
        %dma_start3A_16 = arith.constant 0 : i32
        %dma_start3A_17 = tpu.memref_slice %arg10[%dma_start3A_15, %dma_start3A_16] : memref<10240x128xf32, #tpu.memory_space<vmem_shared>> -> memref<10240x128xf32, #tpu.memory_space<vmem_shared>>
        tpu.enqueue_indirect_dma source(%arg9 : memref<128x128xf32, #tpu.memory_space<vmem>>) target(%dma_start3A_17 : memref<10240x128xf32, #tpu.memory_space<vmem_shared>>) offsets(%dma_start3A_14 : memref<128xi32, #tpu.memory_space<vmem>>) semaphore(%run_scoped3A : memref<!tpu.dma_semaphore, #tpu.memory_space<semaphore_mem>>) {add = true}
        %dma_wait3A = arith.constant 0 : i32
        %dma_wait3A_18 = tpu.memref_slice %arg8[%add3A_12, %dma_wait3A] : memref<80x128xi32, #tpu.memory_space<vmem>> -> memref<1x128xi32, #tpu.memory_space<vmem>>
        %dma_wait3A_19 = tpu.memref_squeeze %dma_wait3A_18 : memref<1x128xi32, #tpu.memory_space<vmem>> -> memref<128xi32, #tpu.memory_space<vmem>>
        %dma_wait3A_20 = arith.constant 0 : i32
        %dma_wait3A_21 = arith.constant 0 : i32
        %dma_wait3A_22 = tpu.memref_slice %arg10[%dma_wait3A_20, %dma_wait3A_21] : memref<10240x128xf32, #tpu.memory_space<vmem_shared>> -> memref<10240x128xf32, #tpu.memory_space<vmem_shared>>
        tpu.wait_indirect_dma semaphore(%run_scoped3A : memref<!tpu.dma_semaphore, #tpu.memory_space<semaphore_mem>>) src(%arg9 : memref<128x128xf32, #tpu.memory_space<vmem>>) dst(%dma_wait3A_22 : memref<10240x128xf32, #tpu.memory_space<vmem_shared>>)
        tpu.yield
      }) : () -> ()
    }
    %scan3A_6 = arith.constant 80 : i32
    %barrier3A_7 = arith.constant 0 : index
    tpu.barrier barrier_id(%barrier3A_7)
    "tpu.region"() ({
      %run_scoped3A = tpu.sem_alloc : memref<!tpu.dma_semaphore, #tpu.memory_space<semaphore_mem>>
      %dma_start3A = arith.constant 0 : i32
      %dma_start3A_8 = tpu.memref_slice %arg6[%arg0, %mul3A_2, %dma_start3A] : memref<2x10240x128xf32, #tpu.memory_space<hbm>> -> memref<1x640x128xf32, #tpu.memory_space<hbm>>
      %dma_start3A_9 = tpu.memref_squeeze %dma_start3A_8 : memref<1x640x128xf32, #tpu.memory_space<hbm>> -> memref<640x128xf32, #tpu.memory_space<hbm>>
      %dma_start3A_10 = arith.constant 0 : i32
      %dma_start3A_11 = tpu.memref_slice %arg10[%mul3A_2, %dma_start3A_10] : memref<10240x128xf32, #tpu.memory_space<vmem_shared>> -> memref<640x128xf32, #tpu.memory_space<vmem_shared>>
      tpu.enqueue_dma source(%dma_start3A_11 : memref<640x128xf32, #tpu.memory_space<vmem_shared>>) target(%dma_start3A_9 : memref<640x128xf32, #tpu.memory_space<hbm>>) target_semaphore(%run_scoped3A : memref<!tpu.dma_semaphore, #tpu.memory_space<semaphore_mem>>)
      %dma_wait3A = arith.constant 0 : i32
      %dma_wait3A_12 = tpu.memref_slice %arg6[%arg0, %mul3A_2, %dma_wait3A] : memref<2x10240x128xf32, #tpu.memory_space<hbm>> -> memref<1x640x128xf32, #tpu.memory_space<hbm>>
      %dma_wait3A_13 = tpu.memref_squeeze %dma_wait3A_12 : memref<1x640x128xf32, #tpu.memory_space<hbm>> -> memref<640x128xf32, #tpu.memory_space<hbm>>
      %dma_wait3A_14 = arith.constant 0 : i32
      %dma_wait3A_15 = tpu.memref_slice %arg10[%mul3A_2, %dma_wait3A_14] : memref<10240x128xf32, #tpu.memory_space<vmem_shared>> -> memref<640x128xf32, #tpu.memory_space<vmem_shared>>
      tpu.wait_dma2 semaphore(%run_scoped3A : memref<!tpu.dma_semaphore, #tpu.memory_space<semaphore_mem>>) src(%dma_wait3A_15 : memref<640x128xf32, #tpu.memory_space<vmem_shared>>) dst(%dma_wait3A_13 : memref<640x128xf32, #tpu.memory_space<hbm>>)
      tpu.yield
    }) : () -> ()
    return
  }
}

#map = affine_map<(d0, d1) -> (0, 0)>
#map1 = affine_map<(d0, d1) -> (0, 0, 0)>
module attributes {stable_mosaic.version = 14 : i64} {
  func.func @_sc_spmm_body(%arg0: i32, %arg1: i32, %arg2: memref<327680x128xf32, #tpu.memory_space<hbm>>, %arg3: memref<32x80x128xi32, #tpu.memory_space<hbm>>, %arg4: memref<32x80x128xi32, #tpu.memory_space<hbm>>, %arg5: memref<640x128xf32, #tpu.memory_space<hbm>>, %arg6: memref<2x10240x128xf32, #tpu.memory_space<hbm>>, %arg7: memref<80x128xi32, #tpu.memory_space<vmem>>, %arg8: memref<80x128xi32, #tpu.memory_space<vmem>>, %arg9: memref<128x128xf32, #tpu.memory_space<vmem>>, %arg10: memref<10240x128xf32, #tpu.memory_space<vmem_shared>>) attributes {dimension_semantics = [#tpu.dimension_semantics<core_parallel>, #tpu.dimension_semantics<subcore_parallel>], iteration_bounds = array<i64: 2, 16>, scalar_prefetch = 0 : i64, scratch_operands = 4 : i64, tpu.core_type = #tpu.core_type<sc_vector_subcore>, window_params = [{transform_indices = #map}, {transform_indices = #map1}, {transform_indices = #map1}, {transform_indices = #map}, {transform_indices = #map1}]} {
    %mul3A = arith.constant 16 : i32
    %mul3A_0 = arith.muli %arg0, %mul3A : i32
    %add3A = arith.addi %mul3A_0, %arg1 : i32
    %mul3A_1 = arith.constant 640 : i32
    %mul3A_2 = arith.muli %arg1, %mul3A_1 : i32
    "tpu.region"() ({
      %run_scoped3A = tpu.sem_alloc : memref<!tpu.dma_semaphore, #tpu.memory_space<semaphore_mem>>
      %dma_start3A = arith.constant 0 : i32
      %dma_start3A_8 = tpu.memref_slice %arg10[%mul3A_2, %dma_start3A] : memref<10240x128xf32, #tpu.memory_space<vmem_shared>> -> memref<640x128xf32, #tpu.memory_space<vmem_shared>>
      tpu.enqueue_dma source(%arg5 : memref<640x128xf32, #tpu.memory_space<hbm>>) target(%dma_start3A_8 : memref<640x128xf32, #tpu.memory_space<vmem_shared>>) target_semaphore(%run_scoped3A : memref<!tpu.dma_semaphore, #tpu.memory_space<semaphore_mem>>)
      %dma_wait3A = arith.constant 0 : i32
      %dma_wait3A_9 = tpu.memref_slice %arg10[%mul3A_2, %dma_wait3A] : memref<10240x128xf32, #tpu.memory_space<vmem_shared>> -> memref<640x128xf32, #tpu.memory_space<vmem_shared>>
      tpu.wait_dma2 semaphore(%run_scoped3A : memref<!tpu.dma_semaphore, #tpu.memory_space<semaphore_mem>>) src(%arg5 : memref<640x128xf32, #tpu.memory_space<hbm>>) dst(%dma_wait3A_9 : memref<640x128xf32, #tpu.memory_space<vmem_shared>>)
      tpu.yield
    }) : () -> ()
    "tpu.region"() ({
      %run_scoped3A = tpu.sem_alloc : memref<!tpu.dma_semaphore, #tpu.memory_space<semaphore_mem>>
      %dma_start3A = arith.constant 0 : i32
      %dma_start3A_8 = arith.constant 0 : i32
      %dma_start3A_9 = tpu.memref_slice %arg3[%add3A, %dma_start3A, %dma_start3A_8] : memref<32x80x128xi32, #tpu.memory_space<hbm>> -> memref<1x80x128xi32, #tpu.memory_space<hbm>>
      %dma_start3A_10 = tpu.memref_squeeze %dma_start3A_9 : memref<1x80x128xi32, #tpu.memory_space<hbm>> -> memref<80x128xi32, #tpu.memory_space<hbm>>
      %dma_start3A_11 = arith.constant 0 : i32
      %dma_start3A_12 = arith.constant 0 : i32
      %dma_start3A_13 = tpu.memref_slice %arg3[%add3A, %dma_start3A_11, %dma_start3A_12] : memref<32x80x128xi32, #tpu.memory_space<hbm>> -> memref<1x80x128xi32, #tpu.memory_space<hbm>>
      %dma_start3A_14 = tpu.memref_squeeze %dma_start3A_13 : memref<1x80x128xi32, #tpu.memory_space<hbm>> -> memref<80x128xi32, #tpu.memory_space<hbm>>
      tpu.enqueue_dma source(%dma_start3A_14 : memref<80x128xi32, #tpu.memory_space<hbm>>) target(%arg7 : memref<80x128xi32, #tpu.memory_space<vmem>>) target_semaphore(%run_scoped3A : memref<!tpu.dma_semaphore, #tpu.memory_space<semaphore_mem>>)
      %dma_wait3A = arith.constant 0 : i32
      %dma_wait3A_15 = arith.constant 0 : i32
      %dma_wait3A_16 = tpu.memref_slice %arg3[%add3A, %dma_wait3A, %dma_wait3A_15] : memref<32x80x128xi32, #tpu.memory_space<hbm>> -> memref<1x80x128xi32, #tpu.memory_space<hbm>>
      %dma_wait3A_17 = tpu.memref_squeeze %dma_wait3A_16 : memref<1x80x128xi32, #tpu.memory_space<hbm>> -> memref<80x128xi32, #tpu.memory_space<hbm>>
      %dma_wait3A_18 = arith.constant 0 : i32
      %dma_wait3A_19 = arith.constant 0 : i32
      %dma_wait3A_20 = tpu.memref_slice %arg3[%add3A, %dma_wait3A_18, %dma_wait3A_19] : memref<32x80x128xi32, #tpu.memory_space<hbm>> -> memref<1x80x128xi32, #tpu.memory_space<hbm>>
      %dma_wait3A_21 = tpu.memref_squeeze %dma_wait3A_20 : memref<1x80x128xi32, #tpu.memory_space<hbm>> -> memref<80x128xi32, #tpu.memory_space<hbm>>
      tpu.wait_dma2 semaphore(%run_scoped3A : memref<!tpu.dma_semaphore, #tpu.memory_space<semaphore_mem>>) src(%dma_wait3A_21 : memref<80x128xi32, #tpu.memory_space<hbm>>) dst(%arg7 : memref<80x128xi32, #tpu.memory_space<vmem>>)
      tpu.yield
    }) : () -> ()
    "tpu.region"() ({
      %run_scoped3A = tpu.sem_alloc : memref<!tpu.dma_semaphore, #tpu.memory_space<semaphore_mem>>
      %dma_start3A = arith.constant 0 : i32
      %dma_start3A_8 = arith.constant 0 : i32
      %dma_start3A_9 = tpu.memref_slice %arg4[%add3A, %dma_start3A, %dma_start3A_8] : memref<32x80x128xi32, #tpu.memory_space<hbm>> -> memref<1x80x128xi32, #tpu.memory_space<hbm>>
      %dma_start3A_10 = tpu.memref_squeeze %dma_start3A_9 : memref<1x80x128xi32, #tpu.memory_space<hbm>> -> memref<80x128xi32, #tpu.memory_space<hbm>>
      %dma_start3A_11 = arith.constant 0 : i32
      %dma_start3A_12 = arith.constant 0 : i32
      %dma_start3A_13 = tpu.memref_slice %arg4[%add3A, %dma_start3A_11, %dma_start3A_12] : memref<32x80x128xi32, #tpu.memory_space<hbm>> -> memref<1x80x128xi32, #tpu.memory_space<hbm>>
      %dma_start3A_14 = tpu.memref_squeeze %dma_start3A_13 : memref<1x80x128xi32, #tpu.memory_space<hbm>> -> memref<80x128xi32, #tpu.memory_space<hbm>>
      tpu.enqueue_dma source(%dma_start3A_14 : memref<80x128xi32, #tpu.memory_space<hbm>>) target(%arg8 : memref<80x128xi32, #tpu.memory_space<vmem>>) target_semaphore(%run_scoped3A : memref<!tpu.dma_semaphore, #tpu.memory_space<semaphore_mem>>)
      %dma_wait3A = arith.constant 0 : i32
      %dma_wait3A_15 = arith.constant 0 : i32
      %dma_wait3A_16 = tpu.memref_slice %arg4[%add3A, %dma_wait3A, %dma_wait3A_15] : memref<32x80x128xi32, #tpu.memory_space<hbm>> -> memref<1x80x128xi32, #tpu.memory_space<hbm>>
      %dma_wait3A_17 = tpu.memref_squeeze %dma_wait3A_16 : memref<1x80x128xi32, #tpu.memory_space<hbm>> -> memref<80x128xi32, #tpu.memory_space<hbm>>
      %dma_wait3A_18 = arith.constant 0 : i32
      %dma_wait3A_19 = arith.constant 0 : i32
      %dma_wait3A_20 = tpu.memref_slice %arg4[%add3A, %dma_wait3A_18, %dma_wait3A_19] : memref<32x80x128xi32, #tpu.memory_space<hbm>> -> memref<1x80x128xi32, #tpu.memory_space<hbm>>
      %dma_wait3A_21 = tpu.memref_squeeze %dma_wait3A_20 : memref<1x80x128xi32, #tpu.memory_space<hbm>> -> memref<80x128xi32, #tpu.memory_space<hbm>>
      tpu.wait_dma2 semaphore(%run_scoped3A : memref<!tpu.dma_semaphore, #tpu.memory_space<semaphore_mem>>) src(%dma_wait3A_21 : memref<80x128xi32, #tpu.memory_space<hbm>>) dst(%arg8 : memref<80x128xi32, #tpu.memory_space<vmem>>)
      tpu.yield
    }) : () -> ()
    %barrier3A = arith.constant 0 : index
    tpu.barrier barrier_id(%barrier3A)
    %scan3A = arith.constant 0 : i32
    %scan3A_3 = arith.constant 80 : i32
    %scan3A_4 = arith.addi %scan3A, %scan3A_3 : i32
    %scan3A_5 = arith.constant 1 : i32
    scf.for %scan3A_8 = %scan3A to %scan3A_4 step %scan3A_5  : i32 {
      %mul3A_9 = arith.constant 1 : i32
      %mul3A_10 = arith.muli %scan3A_8, %mul3A_9 : i32
      %add3A_11 = arith.constant 0 : i32
      %add3A_12 = arith.addi %add3A_11, %mul3A_10 : i32
      "tpu.region"() ({
        %run_scoped3A = tpu.sem_alloc : memref<!tpu.dma_semaphore, #tpu.memory_space<semaphore_mem>>
        %dma_start3A = arith.constant 0 : i32
        %dma_start3A_13 = tpu.memref_slice %arg7[%add3A_12, %dma_start3A] : memref<80x128xi32, #tpu.memory_space<vmem>> -> memref<1x128xi32, #tpu.memory_space<vmem>>
        %dma_start3A_14 = tpu.memref_squeeze %dma_start3A_13 : memref<1x128xi32, #tpu.memory_space<vmem>> -> memref<128xi32, #tpu.memory_space<vmem>>
        %dma_start3A_15 = arith.constant 0 : i32
        %dma_start3A_16 = arith.constant 0 : i32
        %dma_start3A_17 = tpu.memref_slice %arg2[%dma_start3A_15, %dma_start3A_16] : memref<327680x128xf32, #tpu.memory_space<hbm>> -> memref<327680x128xf32, #tpu.memory_space<hbm>>
        tpu.enqueue_indirect_dma source(%dma_start3A_17 : memref<327680x128xf32, #tpu.memory_space<hbm>>) target(%arg9 : memref<128x128xf32, #tpu.memory_space<vmem>>) offsets(%dma_start3A_14 : memref<128xi32, #tpu.memory_space<vmem>>) semaphore(%run_scoped3A : memref<!tpu.dma_semaphore, #tpu.memory_space<semaphore_mem>>)
        %dma_wait3A = arith.constant 0 : i32
        %dma_wait3A_18 = tpu.memref_slice %arg7[%add3A_12, %dma_wait3A] : memref<80x128xi32, #tpu.memory_space<vmem>> -> memref<1x128xi32, #tpu.memory_space<vmem>>
        %dma_wait3A_19 = tpu.memref_squeeze %dma_wait3A_18 : memref<1x128xi32, #tpu.memory_space<vmem>> -> memref<128xi32, #tpu.memory_space<vmem>>
        %dma_wait3A_20 = arith.constant 0 : i32
        %dma_wait3A_21 = arith.constant 0 : i32
        %dma_wait3A_22 = tpu.memref_slice %arg2[%dma_wait3A_20, %dma_wait3A_21] : memref<327680x128xf32, #tpu.memory_space<hbm>> -> memref<327680x128xf32, #tpu.memory_space<hbm>>
        tpu.wait_indirect_dma semaphore(%run_scoped3A : memref<!tpu.dma_semaphore, #tpu.memory_space<semaphore_mem>>) src(%dma_wait3A_22 : memref<327680x128xf32, #tpu.memory_space<hbm>>) dst(%arg9 : memref<128x128xf32, #tpu.memory_space<vmem>>)
        tpu.yield
      }) : () -> ()
      "tpu.region"() ({
        %run_scoped3A = tpu.sem_alloc : memref<!tpu.dma_semaphore, #tpu.memory_space<semaphore_mem>>
        %dma_start3A = arith.constant 0 : i32
        %dma_start3A_13 = tpu.memref_slice %arg8[%add3A_12, %dma_start3A] : memref<80x128xi32, #tpu.memory_space<vmem>> -> memref<1x128xi32, #tpu.memory_space<vmem>>
        %dma_start3A_14 = tpu.memref_squeeze %dma_start3A_13 : memref<1x128xi32, #tpu.memory_space<vmem>> -> memref<128xi32, #tpu.memory_space<vmem>>
        %dma_start3A_15 = arith.constant 0 : i32
        %dma_start3A_16 = arith.constant 0 : i32
        %dma_start3A_17 = tpu.memref_slice %arg10[%dma_start3A_15, %dma_start3A_16] : memref<10240x128xf32, #tpu.memory_space<vmem_shared>> -> memref<10240x128xf32, #tpu.memory_space<vmem_shared>>
        tpu.enqueue_indirect_dma source(%arg9 : memref<128x128xf32, #tpu.memory_space<vmem>>) target(%dma_start3A_17 : memref<10240x128xf32, #tpu.memory_space<vmem_shared>>) offsets(%dma_start3A_14 : memref<128xi32, #tpu.memory_space<vmem>>) semaphore(%run_scoped3A : memref<!tpu.dma_semaphore, #tpu.memory_space<semaphore_mem>>) {add = true}
        %dma_wait3A = arith.constant 0 : i32
        %dma_wait3A_18 = tpu.memref_slice %arg8[%add3A_12, %dma_wait3A] : memref<80x128xi32, #tpu.memory_space<vmem>> -> memref<1x128xi32, #tpu.memory_space<vmem>>
        %dma_wait3A_19 = tpu.memref_squeeze %dma_wait3A_18 : memref<1x128xi32, #tpu.memory_space<vmem>> -> memref<128xi32, #tpu.memory_space<vmem>>
        %dma_wait3A_20 = arith.constant 0 : i32
        %dma_wait3A_21 = arith.constant 0 : i32
        %dma_wait3A_22 = tpu.memref_slice %arg10[%dma_wait3A_20, %dma_wait3A_21] : memref<10240x128xf32, #tpu.memory_space<vmem_shared>> -> memref<10240x128xf32, #tpu.memory_space<vmem_shared>>
        tpu.wait_indirect_dma semaphore(%run_scoped3A : memref<!tpu.dma_semaphore, #tpu.memory_space<semaphore_mem>>) src(%arg9 : memref<128x128xf32, #tpu.memory_space<vmem>>) dst(%dma_wait3A_22 : memref<10240x128xf32, #tpu.memory_space<vmem_shared>>)
        tpu.yield
      }) : () -> ()
    }
    %scan3A_6 = arith.constant 80 : i32
    %barrier3A_7 = arith.constant 0 : index
    tpu.barrier barrier_id(%barrier3A_7)
    "tpu.region"() ({
      %run_scoped3A = tpu.sem_alloc : memref<!tpu.dma_semaphore, #tpu.memory_space<semaphore_mem>>
      %dma_start3A = arith.constant 0 : i32
      %dma_start3A_8 = tpu.memref_slice %arg6[%arg0, %mul3A_2, %dma_start3A] : memref<2x10240x128xf32, #tpu.memory_space<hbm>> -> memref<1x640x128xf32, #tpu.memory_space<hbm>>
      %dma_start3A_9 = tpu.memref_squeeze %dma_start3A_8 : memref<1x640x128xf32, #tpu.memory_space<hbm>> -> memref<640x128xf32, #tpu.memory_space<hbm>>
      %dma_start3A_10 = arith.constant 0 : i32
      %dma_start3A_11 = tpu.memref_slice %arg10[%mul3A_2, %dma_start3A_10] : memref<10240x128xf32, #tpu.memory_space<vmem_shared>> -> memref<640x128xf32, #tpu.memory_space<vmem_shared>>
      tpu.enqueue_dma source(%dma_start3A_11 : memref<640x128xf32, #tpu.memory_space<vmem_shared>>) target(%dma_start3A_9 : memref<640x128xf32, #tpu.memory_space<hbm>>) target_semaphore(%run_scoped3A : memref<!tpu.dma_semaphore, #tpu.memory_space<semaphore_mem>>)
      %dma_wait3A = arith.constant 0 : i32
      %dma_wait3A_12 = tpu.memref_slice %arg6[%arg0, %mul3A_2, %dma_wait3A] : memref<2x10240x128xf32, #tpu.memory_space<hbm>> -> memref<1x640x128xf32, #tpu.memory_space<hbm>>
      %dma_wait3A_13 = tpu.memref_squeeze %dma_wait3A_12 : memref<1x640x128xf32, #tpu.memory_space<hbm>> -> memref<640x128xf32, #tpu.memory_space<hbm>>
      %dma_wait3A_14 = arith.constant 0 : i32
      %dma_wait3A_15 = tpu.memref_slice %arg10[%mul3A_2, %dma_wait3A_14] : memref<10240x128xf32, #tpu.memory_space<vmem_shared>> -> memref<640x128xf32, #tpu.memory_space<vmem_shared>>
      tpu.wait_dma2 semaphore(%run_scoped3A : memref<!tpu.dma_semaphore, #tpu.memory_space<semaphore_mem>>) src(%dma_wait3A_15 : memref<640x128xf32, #tpu.memory_space<vmem_shared>>) dst(%dma_wait3A_13 : memref<640x128xf32, #tpu.memory_space<hbm>>)
      tpu.yield
    }) : () -> ()
    return
  }
}

#map = affine_map<(d0, d1) -> (0, 0)>
#map1 = affine_map<(d0, d1) -> (0, 0, 0)>
module attributes {stable_mosaic.version = 14 : i64} {
  func.func @_sc_spmm_body(%arg0: i32, %arg1: i32, %arg2: memref<10240x128xf32, #tpu.memory_space<hbm>>, %arg3: memref<32x80x128xi32, #tpu.memory_space<hbm>>, %arg4: memref<32x80x128xi32, #tpu.memory_space<hbm>>, %arg5: memref<640x128xf32, #tpu.memory_space<hbm>>, %arg6: memref<2x10240x128xf32, #tpu.memory_space<hbm>>, %arg7: memref<80x128xi32, #tpu.memory_space<vmem>>, %arg8: memref<80x128xi32, #tpu.memory_space<vmem>>, %arg9: memref<128x128xf32, #tpu.memory_space<vmem>>, %arg10: memref<10240x128xf32, #tpu.memory_space<vmem_shared>>) attributes {dimension_semantics = [#tpu.dimension_semantics<core_parallel>, #tpu.dimension_semantics<subcore_parallel>], iteration_bounds = array<i64: 2, 16>, scalar_prefetch = 0 : i64, scratch_operands = 4 : i64, tpu.core_type = #tpu.core_type<sc_vector_subcore>, window_params = [{transform_indices = #map}, {transform_indices = #map1}, {transform_indices = #map1}, {transform_indices = #map}, {transform_indices = #map1}]} {
    %mul3A = arith.constant 16 : i32
    %mul3A_0 = arith.muli %arg0, %mul3A : i32
    %add3A = arith.addi %mul3A_0, %arg1 : i32
    %mul3A_1 = arith.constant 640 : i32
    %mul3A_2 = arith.muli %arg1, %mul3A_1 : i32
    "tpu.region"() ({
      %run_scoped3A = tpu.sem_alloc : memref<!tpu.dma_semaphore, #tpu.memory_space<semaphore_mem>>
      %dma_start3A = arith.constant 0 : i32
      %dma_start3A_8 = tpu.memref_slice %arg10[%mul3A_2, %dma_start3A] : memref<10240x128xf32, #tpu.memory_space<vmem_shared>> -> memref<640x128xf32, #tpu.memory_space<vmem_shared>>
      tpu.enqueue_dma source(%arg5 : memref<640x128xf32, #tpu.memory_space<hbm>>) target(%dma_start3A_8 : memref<640x128xf32, #tpu.memory_space<vmem_shared>>) target_semaphore(%run_scoped3A : memref<!tpu.dma_semaphore, #tpu.memory_space<semaphore_mem>>)
      %dma_wait3A = arith.constant 0 : i32
      %dma_wait3A_9 = tpu.memref_slice %arg10[%mul3A_2, %dma_wait3A] : memref<10240x128xf32, #tpu.memory_space<vmem_shared>> -> memref<640x128xf32, #tpu.memory_space<vmem_shared>>
      tpu.wait_dma2 semaphore(%run_scoped3A : memref<!tpu.dma_semaphore, #tpu.memory_space<semaphore_mem>>) src(%arg5 : memref<640x128xf32, #tpu.memory_space<hbm>>) dst(%dma_wait3A_9 : memref<640x128xf32, #tpu.memory_space<vmem_shared>>)
      tpu.yield
    }) : () -> ()
    "tpu.region"() ({
      %run_scoped3A = tpu.sem_alloc : memref<!tpu.dma_semaphore, #tpu.memory_space<semaphore_mem>>
      %dma_start3A = arith.constant 0 : i32
      %dma_start3A_8 = arith.constant 0 : i32
      %dma_start3A_9 = tpu.memref_slice %arg3[%add3A, %dma_start3A, %dma_start3A_8] : memref<32x80x128xi32, #tpu.memory_space<hbm>> -> memref<1x80x128xi32, #tpu.memory_space<hbm>>
      %dma_start3A_10 = tpu.memref_squeeze %dma_start3A_9 : memref<1x80x128xi32, #tpu.memory_space<hbm>> -> memref<80x128xi32, #tpu.memory_space<hbm>>
      %dma_start3A_11 = arith.constant 0 : i32
      %dma_start3A_12 = arith.constant 0 : i32
      %dma_start3A_13 = tpu.memref_slice %arg3[%add3A, %dma_start3A_11, %dma_start3A_12] : memref<32x80x128xi32, #tpu.memory_space<hbm>> -> memref<1x80x128xi32, #tpu.memory_space<hbm>>
      %dma_start3A_14 = tpu.memref_squeeze %dma_start3A_13 : memref<1x80x128xi32, #tpu.memory_space<hbm>> -> memref<80x128xi32, #tpu.memory_space<hbm>>
      tpu.enqueue_dma source(%dma_start3A_14 : memref<80x128xi32, #tpu.memory_space<hbm>>) target(%arg7 : memref<80x128xi32, #tpu.memory_space<vmem>>) target_semaphore(%run_scoped3A : memref<!tpu.dma_semaphore, #tpu.memory_space<semaphore_mem>>)
      %dma_wait3A = arith.constant 0 : i32
      %dma_wait3A_15 = arith.constant 0 : i32
      %dma_wait3A_16 = tpu.memref_slice %arg3[%add3A, %dma_wait3A, %dma_wait3A_15] : memref<32x80x128xi32, #tpu.memory_space<hbm>> -> memref<1x80x128xi32, #tpu.memory_space<hbm>>
      %dma_wait3A_17 = tpu.memref_squeeze %dma_wait3A_16 : memref<1x80x128xi32, #tpu.memory_space<hbm>> -> memref<80x128xi32, #tpu.memory_space<hbm>>
      %dma_wait3A_18 = arith.constant 0 : i32
      %dma_wait3A_19 = arith.constant 0 : i32
      %dma_wait3A_20 = tpu.memref_slice %arg3[%add3A, %dma_wait3A_18, %dma_wait3A_19] : memref<32x80x128xi32, #tpu.memory_space<hbm>> -> memref<1x80x128xi32, #tpu.memory_space<hbm>>
      %dma_wait3A_21 = tpu.memref_squeeze %dma_wait3A_20 : memref<1x80x128xi32, #tpu.memory_space<hbm>> -> memref<80x128xi32, #tpu.memory_space<hbm>>
      tpu.wait_dma2 semaphore(%run_scoped3A : memref<!tpu.dma_semaphore, #tpu.memory_space<semaphore_mem>>) src(%dma_wait3A_21 : memref<80x128xi32, #tpu.memory_space<hbm>>) dst(%arg7 : memref<80x128xi32, #tpu.memory_space<vmem>>)
      tpu.yield
    }) : () -> ()
    "tpu.region"() ({
      %run_scoped3A = tpu.sem_alloc : memref<!tpu.dma_semaphore, #tpu.memory_space<semaphore_mem>>
      %dma_start3A = arith.constant 0 : i32
      %dma_start3A_8 = arith.constant 0 : i32
      %dma_start3A_9 = tpu.memref_slice %arg4[%add3A, %dma_start3A, %dma_start3A_8] : memref<32x80x128xi32, #tpu.memory_space<hbm>> -> memref<1x80x128xi32, #tpu.memory_space<hbm>>
      %dma_start3A_10 = tpu.memref_squeeze %dma_start3A_9 : memref<1x80x128xi32, #tpu.memory_space<hbm>> -> memref<80x128xi32, #tpu.memory_space<hbm>>
      %dma_start3A_11 = arith.constant 0 : i32
      %dma_start3A_12 = arith.constant 0 : i32
      %dma_start3A_13 = tpu.memref_slice %arg4[%add3A, %dma_start3A_11, %dma_start3A_12] : memref<32x80x128xi32, #tpu.memory_space<hbm>> -> memref<1x80x128xi32, #tpu.memory_space<hbm>>
      %dma_start3A_14 = tpu.memref_squeeze %dma_start3A_13 : memref<1x80x128xi32, #tpu.memory_space<hbm>> -> memref<80x128xi32, #tpu.memory_space<hbm>>
      tpu.enqueue_dma source(%dma_start3A_14 : memref<80x128xi32, #tpu.memory_space<hbm>>) target(%arg8 : memref<80x128xi32, #tpu.memory_space<vmem>>) target_semaphore(%run_scoped3A : memref<!tpu.dma_semaphore, #tpu.memory_space<semaphore_mem>>)
      %dma_wait3A = arith.constant 0 : i32
      %dma_wait3A_15 = arith.constant 0 : i32
      %dma_wait3A_16 = tpu.memref_slice %arg4[%add3A, %dma_wait3A, %dma_wait3A_15] : memref<32x80x128xi32, #tpu.memory_space<hbm>> -> memref<1x80x128xi32, #tpu.memory_space<hbm>>
      %dma_wait3A_17 = tpu.memref_squeeze %dma_wait3A_16 : memref<1x80x128xi32, #tpu.memory_space<hbm>> -> memref<80x128xi32, #tpu.memory_space<hbm>>
      %dma_wait3A_18 = arith.constant 0 : i32
      %dma_wait3A_19 = arith.constant 0 : i32
      %dma_wait3A_20 = tpu.memref_slice %arg4[%add3A, %dma_wait3A_18, %dma_wait3A_19] : memref<32x80x128xi32, #tpu.memory_space<hbm>> -> memref<1x80x128xi32, #tpu.memory_space<hbm>>
      %dma_wait3A_21 = tpu.memref_squeeze %dma_wait3A_20 : memref<1x80x128xi32, #tpu.memory_space<hbm>> -> memref<80x128xi32, #tpu.memory_space<hbm>>
      tpu.wait_dma2 semaphore(%run_scoped3A : memref<!tpu.dma_semaphore, #tpu.memory_space<semaphore_mem>>) src(%dma_wait3A_21 : memref<80x128xi32, #tpu.memory_space<hbm>>) dst(%arg8 : memref<80x128xi32, #tpu.memory_space<vmem>>)
      tpu.yield
    }) : () -> ()
    %barrier3A = arith.constant 0 : index
    tpu.barrier barrier_id(%barrier3A)
    %scan3A = arith.constant 0 : i32
    %scan3A_3 = arith.constant 80 : i32
    %scan3A_4 = arith.addi %scan3A, %scan3A_3 : i32
    %scan3A_5 = arith.constant 1 : i32
    scf.for %scan3A_8 = %scan3A to %scan3A_4 step %scan3A_5  : i32 {
      %mul3A_9 = arith.constant 1 : i32
      %mul3A_10 = arith.muli %scan3A_8, %mul3A_9 : i32
      %add3A_11 = arith.constant 0 : i32
      %add3A_12 = arith.addi %add3A_11, %mul3A_10 : i32
      "tpu.region"() ({
        %run_scoped3A = tpu.sem_alloc : memref<!tpu.dma_semaphore, #tpu.memory_space<semaphore_mem>>
        %dma_start3A = arith.constant 0 : i32
        %dma_start3A_13 = tpu.memref_slice %arg7[%add3A_12, %dma_start3A] : memref<80x128xi32, #tpu.memory_space<vmem>> -> memref<1x128xi32, #tpu.memory_space<vmem>>
        %dma_start3A_14 = tpu.memref_squeeze %dma_start3A_13 : memref<1x128xi32, #tpu.memory_space<vmem>> -> memref<128xi32, #tpu.memory_space<vmem>>
        %dma_start3A_15 = arith.constant 0 : i32
        %dma_start3A_16 = arith.constant 0 : i32
        %dma_start3A_17 = tpu.memref_slice %arg2[%dma_start3A_15, %dma_start3A_16] : memref<10240x128xf32, #tpu.memory_space<hbm>> -> memref<10240x128xf32, #tpu.memory_space<hbm>>
        tpu.enqueue_indirect_dma source(%dma_start3A_17 : memref<10240x128xf32, #tpu.memory_space<hbm>>) target(%arg9 : memref<128x128xf32, #tpu.memory_space<vmem>>) offsets(%dma_start3A_14 : memref<128xi32, #tpu.memory_space<vmem>>) semaphore(%run_scoped3A : memref<!tpu.dma_semaphore, #tpu.memory_space<semaphore_mem>>)
        %dma_wait3A = arith.constant 0 : i32
        %dma_wait3A_18 = tpu.memref_slice %arg7[%add3A_12, %dma_wait3A] : memref<80x128xi32, #tpu.memory_space<vmem>> -> memref<1x128xi32, #tpu.memory_space<vmem>>
        %dma_wait3A_19 = tpu.memref_squeeze %dma_wait3A_18 : memref<1x128xi32, #tpu.memory_space<vmem>> -> memref<128xi32, #tpu.memory_space<vmem>>
        %dma_wait3A_20 = arith.constant 0 : i32
        %dma_wait3A_21 = arith.constant 0 : i32
        %dma_wait3A_22 = tpu.memref_slice %arg2[%dma_wait3A_20, %dma_wait3A_21] : memref<10240x128xf32, #tpu.memory_space<hbm>> -> memref<10240x128xf32, #tpu.memory_space<hbm>>
        tpu.wait_indirect_dma semaphore(%run_scoped3A : memref<!tpu.dma_semaphore, #tpu.memory_space<semaphore_mem>>) src(%dma_wait3A_22 : memref<10240x128xf32, #tpu.memory_space<hbm>>) dst(%arg9 : memref<128x128xf32, #tpu.memory_space<vmem>>)
        tpu.yield
      }) : () -> ()
      "tpu.region"() ({
        %run_scoped3A = tpu.sem_alloc : memref<!tpu.dma_semaphore, #tpu.memory_space<semaphore_mem>>
        %dma_start3A = arith.constant 0 : i32
        %dma_start3A_13 = tpu.memref_slice %arg8[%add3A_12, %dma_start3A] : memref<80x128xi32, #tpu.memory_space<vmem>> -> memref<1x128xi32, #tpu.memory_space<vmem>>
        %dma_start3A_14 = tpu.memref_squeeze %dma_start3A_13 : memref<1x128xi32, #tpu.memory_space<vmem>> -> memref<128xi32, #tpu.memory_space<vmem>>
        %dma_start3A_15 = arith.constant 0 : i32
        %dma_start3A_16 = arith.constant 0 : i32
        %dma_start3A_17 = tpu.memref_slice %arg10[%dma_start3A_15, %dma_start3A_16] : memref<10240x128xf32, #tpu.memory_space<vmem_shared>> -> memref<10240x128xf32, #tpu.memory_space<vmem_shared>>
        tpu.enqueue_indirect_dma source(%arg9 : memref<128x128xf32, #tpu.memory_space<vmem>>) target(%dma_start3A_17 : memref<10240x128xf32, #tpu.memory_space<vmem_shared>>) offsets(%dma_start3A_14 : memref<128xi32, #tpu.memory_space<vmem>>) semaphore(%run_scoped3A : memref<!tpu.dma_semaphore, #tpu.memory_space<semaphore_mem>>) {add = true}
        %dma_wait3A = arith.constant 0 : i32
        %dma_wait3A_18 = tpu.memref_slice %arg8[%add3A_12, %dma_wait3A] : memref<80x128xi32, #tpu.memory_space<vmem>> -> memref<1x128xi32, #tpu.memory_space<vmem>>
        %dma_wait3A_19 = tpu.memref_squeeze %dma_wait3A_18 : memref<1x128xi32, #tpu.memory_space<vmem>> -> memref<128xi32, #tpu.memory_space<vmem>>
        %dma_wait3A_20 = arith.constant 0 : i32
        %dma_wait3A_21 = arith.constant 0 : i32
        %dma_wait3A_22 = tpu.memref_slice %arg10[%dma_wait3A_20, %dma_wait3A_21] : memref<10240x128xf32, #tpu.memory_space<vmem_shared>> -> memref<10240x128xf32, #tpu.memory_space<vmem_shared>>
        tpu.wait_indirect_dma semaphore(%run_scoped3A : memref<!tpu.dma_semaphore, #tpu.memory_space<semaphore_mem>>) src(%arg9 : memref<128x128xf32, #tpu.memory_space<vmem>>) dst(%dma_wait3A_22 : memref<10240x128xf32, #tpu.memory_space<vmem_shared>>)
        tpu.yield
      }) : () -> ()
    }
    %scan3A_6 = arith.constant 80 : i32
    %barrier3A_7 = arith.constant 0 : index
    tpu.barrier barrier_id(%barrier3A_7)
    "tpu.region"() ({
      %run_scoped3A = tpu.sem_alloc : memref<!tpu.dma_semaphore, #tpu.memory_space<semaphore_mem>>
      %dma_start3A = arith.constant 0 : i32
      %dma_start3A_8 = tpu.memref_slice %arg6[%arg0, %mul3A_2, %dma_start3A] : memref<2x10240x128xf32, #tpu.memory_space<hbm>> -> memref<1x640x128xf32, #tpu.memory_space<hbm>>
      %dma_start3A_9 = tpu.memref_squeeze %dma_start3A_8 : memref<1x640x128xf32, #tpu.memory_space<hbm>> -> memref<640x128xf32, #tpu.memory_space<hbm>>
      %dma_start3A_10 = arith.constant 0 : i32
      %dma_start3A_11 = tpu.memref_slice %arg10[%mul3A_2, %dma_start3A_10] : memref<10240x128xf32, #tpu.memory_space<vmem_shared>> -> memref<640x128xf32, #tpu.memory_space<vmem_shared>>
      tpu.enqueue_dma source(%dma_start3A_11 : memref<640x128xf32, #tpu.memory_space<vmem_shared>>) target(%dma_start3A_9 : memref<640x128xf32, #tpu.memory_space<hbm>>) target_semaphore(%run_scoped3A : memref<!tpu.dma_semaphore, #tpu.memory_space<semaphore_mem>>)
      %dma_wait3A = arith.constant 0 : i32
      %dma_wait3A_12 = tpu.memref_slice %arg6[%arg0, %mul3A_2, %dma_wait3A] : memref<2x10240x128xf32, #tpu.memory_space<hbm>> -> memref<1x640x128xf32, #tpu.memory_space<hbm>>
      %dma_wait3A_13 = tpu.memref_squeeze %dma_wait3A_12 : memref<1x640x128xf32, #tpu.memory_space<hbm>> -> memref<640x128xf32, #tpu.memory_space<hbm>>
      %dma_wait3A_14 = arith.constant 0 : i32
      %dma_wait3A_15 = tpu.memref_slice %arg10[%mul3A_2, %dma_wait3A_14] : memref<10240x128xf32, #tpu.memory_space<vmem_shared>> -> memref<640x128xf32, #tpu.memory_space<vmem_shared>>
      tpu.wait_dma2 semaphore(%run_scoped3A : memref<!tpu.dma_semaphore, #tpu.memory_space<semaphore_mem>>) src(%dma_wait3A_15 : memref<640x128xf32, #tpu.memory_space<vmem_shared>>) dst(%dma_wait3A_13 : memref<640x128xf32, #tpu.memory_space<hbm>>)
      tpu.yield
    }) : () -> ()
    return
  }
}

#map = affine_map<(d0, d1) -> (0, 0)>
#map1 = affine_map<(d0, d1) -> (0, 0, 0)>
module attributes {stable_mosaic.version = 14 : i64} {
  func.func @_sc_spmm_body(%arg0: i32, %arg1: i32, %arg2: memref<10240x128xf32, #tpu.memory_space<hbm>>, %arg3: memref<32x80x128xi32, #tpu.memory_space<hbm>>, %arg4: memref<32x80x128xi32, #tpu.memory_space<hbm>>, %arg5: memref<640x128xf32, #tpu.memory_space<hbm>>, %arg6: memref<2x10240x128xf32, #tpu.memory_space<hbm>>, %arg7: memref<80x128xi32, #tpu.memory_space<vmem>>, %arg8: memref<80x128xi32, #tpu.memory_space<vmem>>, %arg9: memref<128x128xf32, #tpu.memory_space<vmem>>, %arg10: memref<10240x128xf32, #tpu.memory_space<vmem_shared>>) attributes {dimension_semantics = [#tpu.dimension_semantics<core_parallel>, #tpu.dimension_semantics<subcore_parallel>], iteration_bounds = array<i64: 2, 16>, scalar_prefetch = 0 : i64, scratch_operands = 4 : i64, tpu.core_type = #tpu.core_type<sc_vector_subcore>, window_params = [{transform_indices = #map}, {transform_indices = #map1}, {transform_indices = #map1}, {transform_indices = #map}, {transform_indices = #map1}]} {
    %mul3A = arith.constant 16 : i32
    %mul3A_0 = arith.muli %arg0, %mul3A : i32
    %add3A = arith.addi %mul3A_0, %arg1 : i32
    %mul3A_1 = arith.constant 640 : i32
    %mul3A_2 = arith.muli %arg1, %mul3A_1 : i32
    "tpu.region"() ({
      %run_scoped3A = tpu.sem_alloc : memref<!tpu.dma_semaphore, #tpu.memory_space<semaphore_mem>>
      %dma_start3A = arith.constant 0 : i32
      %dma_start3A_8 = tpu.memref_slice %arg10[%mul3A_2, %dma_start3A] : memref<10240x128xf32, #tpu.memory_space<vmem_shared>> -> memref<640x128xf32, #tpu.memory_space<vmem_shared>>
      tpu.enqueue_dma source(%arg5 : memref<640x128xf32, #tpu.memory_space<hbm>>) target(%dma_start3A_8 : memref<640x128xf32, #tpu.memory_space<vmem_shared>>) target_semaphore(%run_scoped3A : memref<!tpu.dma_semaphore, #tpu.memory_space<semaphore_mem>>)
      %dma_wait3A = arith.constant 0 : i32
      %dma_wait3A_9 = tpu.memref_slice %arg10[%mul3A_2, %dma_wait3A] : memref<10240x128xf32, #tpu.memory_space<vmem_shared>> -> memref<640x128xf32, #tpu.memory_space<vmem_shared>>
      tpu.wait_dma2 semaphore(%run_scoped3A : memref<!tpu.dma_semaphore, #tpu.memory_space<semaphore_mem>>) src(%arg5 : memref<640x128xf32, #tpu.memory_space<hbm>>) dst(%dma_wait3A_9 : memref<640x128xf32, #tpu.memory_space<vmem_shared>>)
      tpu.yield
    }) : () -> ()
    "tpu.region"() ({
      %run_scoped3A = tpu.sem_alloc : memref<!tpu.dma_semaphore, #tpu.memory_space<semaphore_mem>>
      %dma_start3A = arith.constant 0 : i32
      %dma_start3A_8 = arith.constant 0 : i32
      %dma_start3A_9 = tpu.memref_slice %arg3[%add3A, %dma_start3A, %dma_start3A_8] : memref<32x80x128xi32, #tpu.memory_space<hbm>> -> memref<1x80x128xi32, #tpu.memory_space<hbm>>
      %dma_start3A_10 = tpu.memref_squeeze %dma_start3A_9 : memref<1x80x128xi32, #tpu.memory_space<hbm>> -> memref<80x128xi32, #tpu.memory_space<hbm>>
      %dma_start3A_11 = arith.constant 0 : i32
      %dma_start3A_12 = arith.constant 0 : i32
      %dma_start3A_13 = tpu.memref_slice %arg3[%add3A, %dma_start3A_11, %dma_start3A_12] : memref<32x80x128xi32, #tpu.memory_space<hbm>> -> memref<1x80x128xi32, #tpu.memory_space<hbm>>
      %dma_start3A_14 = tpu.memref_squeeze %dma_start3A_13 : memref<1x80x128xi32, #tpu.memory_space<hbm>> -> memref<80x128xi32, #tpu.memory_space<hbm>>
      tpu.enqueue_dma source(%dma_start3A_14 : memref<80x128xi32, #tpu.memory_space<hbm>>) target(%arg7 : memref<80x128xi32, #tpu.memory_space<vmem>>) target_semaphore(%run_scoped3A : memref<!tpu.dma_semaphore, #tpu.memory_space<semaphore_mem>>)
      %dma_wait3A = arith.constant 0 : i32
      %dma_wait3A_15 = arith.constant 0 : i32
      %dma_wait3A_16 = tpu.memref_slice %arg3[%add3A, %dma_wait3A, %dma_wait3A_15] : memref<32x80x128xi32, #tpu.memory_space<hbm>> -> memref<1x80x128xi32, #tpu.memory_space<hbm>>
      %dma_wait3A_17 = tpu.memref_squeeze %dma_wait3A_16 : memref<1x80x128xi32, #tpu.memory_space<hbm>> -> memref<80x128xi32, #tpu.memory_space<hbm>>
      %dma_wait3A_18 = arith.constant 0 : i32
      %dma_wait3A_19 = arith.constant 0 : i32
      %dma_wait3A_20 = tpu.memref_slice %arg3[%add3A, %dma_wait3A_18, %dma_wait3A_19] : memref<32x80x128xi32, #tpu.memory_space<hbm>> -> memref<1x80x128xi32, #tpu.memory_space<hbm>>
      %dma_wait3A_21 = tpu.memref_squeeze %dma_wait3A_20 : memref<1x80x128xi32, #tpu.memory_space<hbm>> -> memref<80x128xi32, #tpu.memory_space<hbm>>
      tpu.wait_dma2 semaphore(%run_scoped3A : memref<!tpu.dma_semaphore, #tpu.memory_space<semaphore_mem>>) src(%dma_wait3A_21 : memref<80x128xi32, #tpu.memory_space<hbm>>) dst(%arg7 : memref<80x128xi32, #tpu.memory_space<vmem>>)
      tpu.yield
    }) : () -> ()
    "tpu.region"() ({
      %run_scoped3A = tpu.sem_alloc : memref<!tpu.dma_semaphore, #tpu.memory_space<semaphore_mem>>
      %dma_start3A = arith.constant 0 : i32
      %dma_start3A_8 = arith.constant 0 : i32
      %dma_start3A_9 = tpu.memref_slice %arg4[%add3A, %dma_start3A, %dma_start3A_8] : memref<32x80x128xi32, #tpu.memory_space<hbm>> -> memref<1x80x128xi32, #tpu.memory_space<hbm>>
      %dma_start3A_10 = tpu.memref_squeeze %dma_start3A_9 : memref<1x80x128xi32, #tpu.memory_space<hbm>> -> memref<80x128xi32, #tpu.memory_space<hbm>>
      %dma_start3A_11 = arith.constant 0 : i32
      %dma_start3A_12 = arith.constant 0 : i32
      %dma_start3A_13 = tpu.memref_slice %arg4[%add3A, %dma_start3A_11, %dma_start3A_12] : memref<32x80x128xi32, #tpu.memory_space<hbm>> -> memref<1x80x128xi32, #tpu.memory_space<hbm>>
      %dma_start3A_14 = tpu.memref_squeeze %dma_start3A_13 : memref<1x80x128xi32, #tpu.memory_space<hbm>> -> memref<80x128xi32, #tpu.memory_space<hbm>>
      tpu.enqueue_dma source(%dma_start3A_14 : memref<80x128xi32, #tpu.memory_space<hbm>>) target(%arg8 : memref<80x128xi32, #tpu.memory_space<vmem>>) target_semaphore(%run_scoped3A : memref<!tpu.dma_semaphore, #tpu.memory_space<semaphore_mem>>)
      %dma_wait3A = arith.constant 0 : i32
      %dma_wait3A_15 = arith.constant 0 : i32
      %dma_wait3A_16 = tpu.memref_slice %arg4[%add3A, %dma_wait3A, %dma_wait3A_15] : memref<32x80x128xi32, #tpu.memory_space<hbm>> -> memref<1x80x128xi32, #tpu.memory_space<hbm>>
      %dma_wait3A_17 = tpu.memref_squeeze %dma_wait3A_16 : memref<1x80x128xi32, #tpu.memory_space<hbm>> -> memref<80x128xi32, #tpu.memory_space<hbm>>
      %dma_wait3A_18 = arith.constant 0 : i32
      %dma_wait3A_19 = arith.constant 0 : i32
      %dma_wait3A_20 = tpu.memref_slice %arg4[%add3A, %dma_wait3A_18, %dma_wait3A_19] : memref<32x80x128xi32, #tpu.memory_space<hbm>> -> memref<1x80x128xi32, #tpu.memory_space<hbm>>
      %dma_wait3A_21 = tpu.memref_squeeze %dma_wait3A_20 : memref<1x80x128xi32, #tpu.memory_space<hbm>> -> memref<80x128xi32, #tpu.memory_space<hbm>>
      tpu.wait_dma2 semaphore(%run_scoped3A : memref<!tpu.dma_semaphore, #tpu.memory_space<semaphore_mem>>) src(%dma_wait3A_21 : memref<80x128xi32, #tpu.memory_space<hbm>>) dst(%arg8 : memref<80x128xi32, #tpu.memory_space<vmem>>)
      tpu.yield
    }) : () -> ()
    %barrier3A = arith.constant 0 : index
    tpu.barrier barrier_id(%barrier3A)
    %scan3A = arith.constant 0 : i32
    %scan3A_3 = arith.constant 80 : i32
    %scan3A_4 = arith.addi %scan3A, %scan3A_3 : i32
    %scan3A_5 = arith.constant 1 : i32
    scf.for %scan3A_8 = %scan3A to %scan3A_4 step %scan3A_5  : i32 {
      %mul3A_9 = arith.constant 1 : i32
      %mul3A_10 = arith.muli %scan3A_8, %mul3A_9 : i32
      %add3A_11 = arith.constant 0 : i32
      %add3A_12 = arith.addi %add3A_11, %mul3A_10 : i32
      "tpu.region"() ({
        %run_scoped3A = tpu.sem_alloc : memref<!tpu.dma_semaphore, #tpu.memory_space<semaphore_mem>>
        %dma_start3A = arith.constant 0 : i32
        %dma_start3A_13 = tpu.memref_slice %arg7[%add3A_12, %dma_start3A] : memref<80x128xi32, #tpu.memory_space<vmem>> -> memref<1x128xi32, #tpu.memory_space<vmem>>
        %dma_start3A_14 = tpu.memref_squeeze %dma_start3A_13 : memref<1x128xi32, #tpu.memory_space<vmem>> -> memref<128xi32, #tpu.memory_space<vmem>>
        %dma_start3A_15 = arith.constant 0 : i32
        %dma_start3A_16 = arith.constant 0 : i32
        %dma_start3A_17 = tpu.memref_slice %arg2[%dma_start3A_15, %dma_start3A_16] : memref<10240x128xf32, #tpu.memory_space<hbm>> -> memref<10240x128xf32, #tpu.memory_space<hbm>>
        tpu.enqueue_indirect_dma source(%dma_start3A_17 : memref<10240x128xf32, #tpu.memory_space<hbm>>) target(%arg9 : memref<128x128xf32, #tpu.memory_space<vmem>>) offsets(%dma_start3A_14 : memref<128xi32, #tpu.memory_space<vmem>>) semaphore(%run_scoped3A : memref<!tpu.dma_semaphore, #tpu.memory_space<semaphore_mem>>)
        %dma_wait3A = arith.constant 0 : i32
        %dma_wait3A_18 = tpu.memref_slice %arg7[%add3A_12, %dma_wait3A] : memref<80x128xi32, #tpu.memory_space<vmem>> -> memref<1x128xi32, #tpu.memory_space<vmem>>
        %dma_wait3A_19 = tpu.memref_squeeze %dma_wait3A_18 : memref<1x128xi32, #tpu.memory_space<vmem>> -> memref<128xi32, #tpu.memory_space<vmem>>
        %dma_wait3A_20 = arith.constant 0 : i32
        %dma_wait3A_21 = arith.constant 0 : i32
        %dma_wait3A_22 = tpu.memref_slice %arg2[%dma_wait3A_20, %dma_wait3A_21] : memref<10240x128xf32, #tpu.memory_space<hbm>> -> memref<10240x128xf32, #tpu.memory_space<hbm>>
        tpu.wait_indirect_dma semaphore(%run_scoped3A : memref<!tpu.dma_semaphore, #tpu.memory_space<semaphore_mem>>) src(%dma_wait3A_22 : memref<10240x128xf32, #tpu.memory_space<hbm>>) dst(%arg9 : memref<128x128xf32, #tpu.memory_space<vmem>>)
        tpu.yield
      }) : () -> ()
      "tpu.region"() ({
        %run_scoped3A = tpu.sem_alloc : memref<!tpu.dma_semaphore, #tpu.memory_space<semaphore_mem>>
        %dma_start3A = arith.constant 0 : i32
        %dma_start3A_13 = tpu.memref_slice %arg8[%add3A_12, %dma_start3A] : memref<80x128xi32, #tpu.memory_space<vmem>> -> memref<1x128xi32, #tpu.memory_space<vmem>>
        %dma_start3A_14 = tpu.memref_squeeze %dma_start3A_13 : memref<1x128xi32, #tpu.memory_space<vmem>> -> memref<128xi32, #tpu.memory_space<vmem>>
        %dma_start3A_15 = arith.constant 0 : i32
        %dma_start3A_16 = arith.constant 0 : i32
        %dma_start3A_17 = tpu.memref_slice %arg10[%dma_start3A_15, %dma_start3A_16] : memref<10240x128xf32, #tpu.memory_space<vmem_shared>> -> memref<10240x128xf32, #tpu.memory_space<vmem_shared>>
        tpu.enqueue_indirect_dma source(%arg9 : memref<128x128xf32, #tpu.memory_space<vmem>>) target(%dma_start3A_17 : memref<10240x128xf32, #tpu.memory_space<vmem_shared>>) offsets(%dma_start3A_14 : memref<128xi32, #tpu.memory_space<vmem>>) semaphore(%run_scoped3A : memref<!tpu.dma_semaphore, #tpu.memory_space<semaphore_mem>>) {add = true}
        %dma_wait3A = arith.constant 0 : i32
        %dma_wait3A_18 = tpu.memref_slice %arg8[%add3A_12, %dma_wait3A] : memref<80x128xi32, #tpu.memory_space<vmem>> -> memref<1x128xi32, #tpu.memory_space<vmem>>
        %dma_wait3A_19 = tpu.memref_squeeze %dma_wait3A_18 : memref<1x128xi32, #tpu.memory_space<vmem>> -> memref<128xi32, #tpu.memory_space<vmem>>
        %dma_wait3A_20 = arith.constant 0 : i32
        %dma_wait3A_21 = arith.constant 0 : i32
        %dma_wait3A_22 = tpu.memref_slice %arg10[%dma_wait3A_20, %dma_wait3A_21] : memref<10240x128xf32, #tpu.memory_space<vmem_shared>> -> memref<10240x128xf32, #tpu.memory_space<vmem_shared>>
        tpu.wait_indirect_dma semaphore(%run_scoped3A : memref<!tpu.dma_semaphore, #tpu.memory_space<semaphore_mem>>) src(%arg9 : memref<128x128xf32, #tpu.memory_space<vmem>>) dst(%dma_wait3A_22 : memref<10240x128xf32, #tpu.memory_space<vmem_shared>>)
        tpu.yield
      }) : () -> ()
    }
    %scan3A_6 = arith.constant 80 : i32
    %barrier3A_7 = arith.constant 0 : index
    tpu.barrier barrier_id(%barrier3A_7)
    "tpu.region"() ({
      %run_scoped3A = tpu.sem_alloc : memref<!tpu.dma_semaphore, #tpu.memory_space<semaphore_mem>>
      %dma_start3A = arith.constant 0 : i32
      %dma_start3A_8 = tpu.memref_slice %arg6[%arg0, %mul3A_2, %dma_start3A] : memref<2x10240x128xf32, #tpu.memory_space<hbm>> -> memref<1x640x128xf32, #tpu.memory_space<hbm>>
      %dma_start3A_9 = tpu.memref_squeeze %dma_start3A_8 : memref<1x640x128xf32, #tpu.memory_space<hbm>> -> memref<640x128xf32, #tpu.memory_space<hbm>>
      %dma_start3A_10 = arith.constant 0 : i32
      %dma_start3A_11 = tpu.memref_slice %arg10[%mul3A_2, %dma_start3A_10] : memref<10240x128xf32, #tpu.memory_space<vmem_shared>> -> memref<640x128xf32, #tpu.memory_space<vmem_shared>>
      tpu.enqueue_dma source(%dma_start3A_11 : memref<640x128xf32, #tpu.memory_space<vmem_shared>>) target(%dma_start3A_9 : memref<640x128xf32, #tpu.memory_space<hbm>>) target_semaphore(%run_scoped3A : memref<!tpu.dma_semaphore, #tpu.memory_space<semaphore_mem>>)
      %dma_wait3A = arith.constant 0 : i32
      %dma_wait3A_12 = tpu.memref_slice %arg6[%arg0, %mul3A_2, %dma_wait3A] : memref<2x10240x128xf32, #tpu.memory_space<hbm>> -> memref<1x640x128xf32, #tpu.memory_space<hbm>>
      %dma_wait3A_13 = tpu.memref_squeeze %dma_wait3A_12 : memref<1x640x128xf32, #tpu.memory_space<hbm>> -> memref<640x128xf32, #tpu.memory_space<hbm>>
      %dma_wait3A_14 = arith.constant 0 : i32
      %dma_wait3A_15 = tpu.memref_slice %arg10[%mul3A_2, %dma_wait3A_14] : memref<10240x128xf32, #tpu.memory_space<vmem_shared>> -> memref<640x128xf32, #tpu.memory_space<vmem_shared>>
      tpu.wait_dma2 semaphore(%run_scoped3A : memref<!tpu.dma_semaphore, #tpu.memory_space<semaphore_mem>>) src(%dma_wait3A_15 : memref<640x128xf32, #tpu.memory_space<vmem_shared>>) dst(%dma_wait3A_13 : memref<640x128xf32, #tpu.memory_space<hbm>>)
      tpu.yield
    }) : () -> ()
    return
  }
}

#map = affine_map<(d0, d1) -> (0, 0)>
#map1 = affine_map<(d0, d1) -> (0, 0, 0)>
module attributes {stable_mosaic.version = 14 : i64} {
  func.func @_sc_spmm_body(%arg0: i32, %arg1: i32, %arg2: memref<10240x128xf32, #tpu.memory_space<hbm>>, %arg3: memref<32x80x128xi32, #tpu.memory_space<hbm>>, %arg4: memref<32x80x128xi32, #tpu.memory_space<hbm>>, %arg5: memref<640x128xf32, #tpu.memory_space<hbm>>, %arg6: memref<2x10240x128xf32, #tpu.memory_space<hbm>>, %arg7: memref<80x128xi32, #tpu.memory_space<vmem>>, %arg8: memref<80x128xi32, #tpu.memory_space<vmem>>, %arg9: memref<128x128xf32, #tpu.memory_space<vmem>>, %arg10: memref<10240x128xf32, #tpu.memory_space<vmem_shared>>) attributes {dimension_semantics = [#tpu.dimension_semantics<core_parallel>, #tpu.dimension_semantics<subcore_parallel>], iteration_bounds = array<i64: 2, 16>, scalar_prefetch = 0 : i64, scratch_operands = 4 : i64, tpu.core_type = #tpu.core_type<sc_vector_subcore>, window_params = [{transform_indices = #map}, {transform_indices = #map1}, {transform_indices = #map1}, {transform_indices = #map}, {transform_indices = #map1}]} {
    %mul3A = arith.constant 16 : i32
    %mul3A_0 = arith.muli %arg0, %mul3A : i32
    %add3A = arith.addi %mul3A_0, %arg1 : i32
    %mul3A_1 = arith.constant 640 : i32
    %mul3A_2 = arith.muli %arg1, %mul3A_1 : i32
    "tpu.region"() ({
      %run_scoped3A = tpu.sem_alloc : memref<!tpu.dma_semaphore, #tpu.memory_space<semaphore_mem>>
      %dma_start3A = arith.constant 0 : i32
      %dma_start3A_8 = tpu.memref_slice %arg10[%mul3A_2, %dma_start3A] : memref<10240x128xf32, #tpu.memory_space<vmem_shared>> -> memref<640x128xf32, #tpu.memory_space<vmem_shared>>
      tpu.enqueue_dma source(%arg5 : memref<640x128xf32, #tpu.memory_space<hbm>>) target(%dma_start3A_8 : memref<640x128xf32, #tpu.memory_space<vmem_shared>>) target_semaphore(%run_scoped3A : memref<!tpu.dma_semaphore, #tpu.memory_space<semaphore_mem>>)
      %dma_wait3A = arith.constant 0 : i32
      %dma_wait3A_9 = tpu.memref_slice %arg10[%mul3A_2, %dma_wait3A] : memref<10240x128xf32, #tpu.memory_space<vmem_shared>> -> memref<640x128xf32, #tpu.memory_space<vmem_shared>>
      tpu.wait_dma2 semaphore(%run_scoped3A : memref<!tpu.dma_semaphore, #tpu.memory_space<semaphore_mem>>) src(%arg5 : memref<640x128xf32, #tpu.memory_space<hbm>>) dst(%dma_wait3A_9 : memref<640x128xf32, #tpu.memory_space<vmem_shared>>)
      tpu.yield
    }) : () -> ()
    "tpu.region"() ({
      %run_scoped3A = tpu.sem_alloc : memref<!tpu.dma_semaphore, #tpu.memory_space<semaphore_mem>>
      %dma_start3A = arith.constant 0 : i32
      %dma_start3A_8 = arith.constant 0 : i32
      %dma_start3A_9 = tpu.memref_slice %arg3[%add3A, %dma_start3A, %dma_start3A_8] : memref<32x80x128xi32, #tpu.memory_space<hbm>> -> memref<1x80x128xi32, #tpu.memory_space<hbm>>
      %dma_start3A_10 = tpu.memref_squeeze %dma_start3A_9 : memref<1x80x128xi32, #tpu.memory_space<hbm>> -> memref<80x128xi32, #tpu.memory_space<hbm>>
      %dma_start3A_11 = arith.constant 0 : i32
      %dma_start3A_12 = arith.constant 0 : i32
      %dma_start3A_13 = tpu.memref_slice %arg3[%add3A, %dma_start3A_11, %dma_start3A_12] : memref<32x80x128xi32, #tpu.memory_space<hbm>> -> memref<1x80x128xi32, #tpu.memory_space<hbm>>
      %dma_start3A_14 = tpu.memref_squeeze %dma_start3A_13 : memref<1x80x128xi32, #tpu.memory_space<hbm>> -> memref<80x128xi32, #tpu.memory_space<hbm>>
      tpu.enqueue_dma source(%dma_start3A_14 : memref<80x128xi32, #tpu.memory_space<hbm>>) target(%arg7 : memref<80x128xi32, #tpu.memory_space<vmem>>) target_semaphore(%run_scoped3A : memref<!tpu.dma_semaphore, #tpu.memory_space<semaphore_mem>>)
      %dma_wait3A = arith.constant 0 : i32
      %dma_wait3A_15 = arith.constant 0 : i32
      %dma_wait3A_16 = tpu.memref_slice %arg3[%add3A, %dma_wait3A, %dma_wait3A_15] : memref<32x80x128xi32, #tpu.memory_space<hbm>> -> memref<1x80x128xi32, #tpu.memory_space<hbm>>
      %dma_wait3A_17 = tpu.memref_squeeze %dma_wait3A_16 : memref<1x80x128xi32, #tpu.memory_space<hbm>> -> memref<80x128xi32, #tpu.memory_space<hbm>>
      %dma_wait3A_18 = arith.constant 0 : i32
      %dma_wait3A_19 = arith.constant 0 : i32
      %dma_wait3A_20 = tpu.memref_slice %arg3[%add3A, %dma_wait3A_18, %dma_wait3A_19] : memref<32x80x128xi32, #tpu.memory_space<hbm>> -> memref<1x80x128xi32, #tpu.memory_space<hbm>>
      %dma_wait3A_21 = tpu.memref_squeeze %dma_wait3A_20 : memref<1x80x128xi32, #tpu.memory_space<hbm>> -> memref<80x128xi32, #tpu.memory_space<hbm>>
      tpu.wait_dma2 semaphore(%run_scoped3A : memref<!tpu.dma_semaphore, #tpu.memory_space<semaphore_mem>>) src(%dma_wait3A_21 : memref<80x128xi32, #tpu.memory_space<hbm>>) dst(%arg7 : memref<80x128xi32, #tpu.memory_space<vmem>>)
      tpu.yield
    }) : () -> ()
    "tpu.region"() ({
      %run_scoped3A = tpu.sem_alloc : memref<!tpu.dma_semaphore, #tpu.memory_space<semaphore_mem>>
      %dma_start3A = arith.constant 0 : i32
      %dma_start3A_8 = arith.constant 0 : i32
      %dma_start3A_9 = tpu.memref_slice %arg4[%add3A, %dma_start3A, %dma_start3A_8] : memref<32x80x128xi32, #tpu.memory_space<hbm>> -> memref<1x80x128xi32, #tpu.memory_space<hbm>>
      %dma_start3A_10 = tpu.memref_squeeze %dma_start3A_9 : memref<1x80x128xi32, #tpu.memory_space<hbm>> -> memref<80x128xi32, #tpu.memory_space<hbm>>
      %dma_start3A_11 = arith.constant 0 : i32
      %dma_start3A_12 = arith.constant 0 : i32
      %dma_start3A_13 = tpu.memref_slice %arg4[%add3A, %dma_start3A_11, %dma_start3A_12] : memref<32x80x128xi32, #tpu.memory_space<hbm>> -> memref<1x80x128xi32, #tpu.memory_space<hbm>>
      %dma_start3A_14 = tpu.memref_squeeze %dma_start3A_13 : memref<1x80x128xi32, #tpu.memory_space<hbm>> -> memref<80x128xi32, #tpu.memory_space<hbm>>
      tpu.enqueue_dma source(%dma_start3A_14 : memref<80x128xi32, #tpu.memory_space<hbm>>) target(%arg8 : memref<80x128xi32, #tpu.memory_space<vmem>>) target_semaphore(%run_scoped3A : memref<!tpu.dma_semaphore, #tpu.memory_space<semaphore_mem>>)
      %dma_wait3A = arith.constant 0 : i32
      %dma_wait3A_15 = arith.constant 0 : i32
      %dma_wait3A_16 = tpu.memref_slice %arg4[%add3A, %dma_wait3A, %dma_wait3A_15] : memref<32x80x128xi32, #tpu.memory_space<hbm>> -> memref<1x80x128xi32, #tpu.memory_space<hbm>>
      %dma_wait3A_17 = tpu.memref_squeeze %dma_wait3A_16 : memref<1x80x128xi32, #tpu.memory_space<hbm>> -> memref<80x128xi32, #tpu.memory_space<hbm>>
      %dma_wait3A_18 = arith.constant 0 : i32
      %dma_wait3A_19 = arith.constant 0 : i32
      %dma_wait3A_20 = tpu.memref_slice %arg4[%add3A, %dma_wait3A_18, %dma_wait3A_19] : memref<32x80x128xi32, #tpu.memory_space<hbm>> -> memref<1x80x128xi32, #tpu.memory_space<hbm>>
      %dma_wait3A_21 = tpu.memref_squeeze %dma_wait3A_20 : memref<1x80x128xi32, #tpu.memory_space<hbm>> -> memref<80x128xi32, #tpu.memory_space<hbm>>
      tpu.wait_dma2 semaphore(%run_scoped3A : memref<!tpu.dma_semaphore, #tpu.memory_space<semaphore_mem>>) src(%dma_wait3A_21 : memref<80x128xi32, #tpu.memory_space<hbm>>) dst(%arg8 : memref<80x128xi32, #tpu.memory_space<vmem>>)
      tpu.yield
    }) : () -> ()
    %barrier3A = arith.constant 0 : index
    tpu.barrier barrier_id(%barrier3A)
    %scan3A = arith.constant 0 : i32
    %scan3A_3 = arith.constant 80 : i32
    %scan3A_4 = arith.addi %scan3A, %scan3A_3 : i32
    %scan3A_5 = arith.constant 1 : i32
    scf.for %scan3A_8 = %scan3A to %scan3A_4 step %scan3A_5  : i32 {
      %mul3A_9 = arith.constant 1 : i32
      %mul3A_10 = arith.muli %scan3A_8, %mul3A_9 : i32
      %add3A_11 = arith.constant 0 : i32
      %add3A_12 = arith.addi %add3A_11, %mul3A_10 : i32
      "tpu.region"() ({
        %run_scoped3A = tpu.sem_alloc : memref<!tpu.dma_semaphore, #tpu.memory_space<semaphore_mem>>
        %dma_start3A = arith.constant 0 : i32
        %dma_start3A_13 = tpu.memref_slice %arg7[%add3A_12, %dma_start3A] : memref<80x128xi32, #tpu.memory_space<vmem>> -> memref<1x128xi32, #tpu.memory_space<vmem>>
        %dma_start3A_14 = tpu.memref_squeeze %dma_start3A_13 : memref<1x128xi32, #tpu.memory_space<vmem>> -> memref<128xi32, #tpu.memory_space<vmem>>
        %dma_start3A_15 = arith.constant 0 : i32
        %dma_start3A_16 = arith.constant 0 : i32
        %dma_start3A_17 = tpu.memref_slice %arg2[%dma_start3A_15, %dma_start3A_16] : memref<10240x128xf32, #tpu.memory_space<hbm>> -> memref<10240x128xf32, #tpu.memory_space<hbm>>
        tpu.enqueue_indirect_dma source(%dma_start3A_17 : memref<10240x128xf32, #tpu.memory_space<hbm>>) target(%arg9 : memref<128x128xf32, #tpu.memory_space<vmem>>) offsets(%dma_start3A_14 : memref<128xi32, #tpu.memory_space<vmem>>) semaphore(%run_scoped3A : memref<!tpu.dma_semaphore, #tpu.memory_space<semaphore_mem>>)
        %dma_wait3A = arith.constant 0 : i32
        %dma_wait3A_18 = tpu.memref_slice %arg7[%add3A_12, %dma_wait3A] : memref<80x128xi32, #tpu.memory_space<vmem>> -> memref<1x128xi32, #tpu.memory_space<vmem>>
        %dma_wait3A_19 = tpu.memref_squeeze %dma_wait3A_18 : memref<1x128xi32, #tpu.memory_space<vmem>> -> memref<128xi32, #tpu.memory_space<vmem>>
        %dma_wait3A_20 = arith.constant 0 : i32
        %dma_wait3A_21 = arith.constant 0 : i32
        %dma_wait3A_22 = tpu.memref_slice %arg2[%dma_wait3A_20, %dma_wait3A_21] : memref<10240x128xf32, #tpu.memory_space<hbm>> -> memref<10240x128xf32, #tpu.memory_space<hbm>>
        tpu.wait_indirect_dma semaphore(%run_scoped3A : memref<!tpu.dma_semaphore, #tpu.memory_space<semaphore_mem>>) src(%dma_wait3A_22 : memref<10240x128xf32, #tpu.memory_space<hbm>>) dst(%arg9 : memref<128x128xf32, #tpu.memory_space<vmem>>)
        tpu.yield
      }) : () -> ()
      "tpu.region"() ({
        %run_scoped3A = tpu.sem_alloc : memref<!tpu.dma_semaphore, #tpu.memory_space<semaphore_mem>>
        %dma_start3A = arith.constant 0 : i32
        %dma_start3A_13 = tpu.memref_slice %arg8[%add3A_12, %dma_start3A] : memref<80x128xi32, #tpu.memory_space<vmem>> -> memref<1x128xi32, #tpu.memory_space<vmem>>
        %dma_start3A_14 = tpu.memref_squeeze %dma_start3A_13 : memref<1x128xi32, #tpu.memory_space<vmem>> -> memref<128xi32, #tpu.memory_space<vmem>>
        %dma_start3A_15 = arith.constant 0 : i32
        %dma_start3A_16 = arith.constant 0 : i32
        %dma_start3A_17 = tpu.memref_slice %arg10[%dma_start3A_15, %dma_start3A_16] : memref<10240x128xf32, #tpu.memory_space<vmem_shared>> -> memref<10240x128xf32, #tpu.memory_space<vmem_shared>>
        tpu.enqueue_indirect_dma source(%arg9 : memref<128x128xf32, #tpu.memory_space<vmem>>) target(%dma_start3A_17 : memref<10240x128xf32, #tpu.memory_space<vmem_shared>>) offsets(%dma_start3A_14 : memref<128xi32, #tpu.memory_space<vmem>>) semaphore(%run_scoped3A : memref<!tpu.dma_semaphore, #tpu.memory_space<semaphore_mem>>) {add = true}
        %dma_wait3A = arith.constant 0 : i32
        %dma_wait3A_18 = tpu.memref_slice %arg8[%add3A_12, %dma_wait3A] : memref<80x128xi32, #tpu.memory_space<vmem>> -> memref<1x128xi32, #tpu.memory_space<vmem>>
        %dma_wait3A_19 = tpu.memref_squeeze %dma_wait3A_18 : memref<1x128xi32, #tpu.memory_space<vmem>> -> memref<128xi32, #tpu.memory_space<vmem>>
        %dma_wait3A_20 = arith.constant 0 : i32
        %dma_wait3A_21 = arith.constant 0 : i32
        %dma_wait3A_22 = tpu.memref_slice %arg10[%dma_wait3A_20, %dma_wait3A_21] : memref<10240x128xf32, #tpu.memory_space<vmem_shared>> -> memref<10240x128xf32, #tpu.memory_space<vmem_shared>>
        tpu.wait_indirect_dma semaphore(%run_scoped3A : memref<!tpu.dma_semaphore, #tpu.memory_space<semaphore_mem>>) src(%arg9 : memref<128x128xf32, #tpu.memory_space<vmem>>) dst(%dma_wait3A_22 : memref<10240x128xf32, #tpu.memory_space<vmem_shared>>)
        tpu.yield
      }) : () -> ()
    }
    %scan3A_6 = arith.constant 80 : i32
    %barrier3A_7 = arith.constant 0 : index
    tpu.barrier barrier_id(%barrier3A_7)
    "tpu.region"() ({
      %run_scoped3A = tpu.sem_alloc : memref<!tpu.dma_semaphore, #tpu.memory_space<semaphore_mem>>
      %dma_start3A = arith.constant 0 : i32
      %dma_start3A_8 = tpu.memref_slice %arg6[%arg0, %mul3A_2, %dma_start3A] : memref<2x10240x128xf32, #tpu.memory_space<hbm>> -> memref<1x640x128xf32, #tpu.memory_space<hbm>>
      %dma_start3A_9 = tpu.memref_squeeze %dma_start3A_8 : memref<1x640x128xf32, #tpu.memory_space<hbm>> -> memref<640x128xf32, #tpu.memory_space<hbm>>
      %dma_start3A_10 = arith.constant 0 : i32
      %dma_start3A_11 = tpu.memref_slice %arg10[%mul3A_2, %dma_start3A_10] : memref<10240x128xf32, #tpu.memory_space<vmem_shared>> -> memref<640x128xf32, #tpu.memory_space<vmem_shared>>
      tpu.enqueue_dma source(%dma_start3A_11 : memref<640x128xf32, #tpu.memory_space<vmem_shared>>) target(%dma_start3A_9 : memref<640x128xf32, #tpu.memory_space<hbm>>) target_semaphore(%run_scoped3A : memref<!tpu.dma_semaphore, #tpu.memory_space<semaphore_mem>>)
      %dma_wait3A = arith.constant 0 : i32
      %dma_wait3A_12 = tpu.memref_slice %arg6[%arg0, %mul3A_2, %dma_wait3A] : memref<2x10240x128xf32, #tpu.memory_space<hbm>> -> memref<1x640x128xf32, #tpu.memory_space<hbm>>
      %dma_wait3A_13 = tpu.memref_squeeze %dma_wait3A_12 : memref<1x640x128xf32, #tpu.memory_space<hbm>> -> memref<640x128xf32, #tpu.memory_space<hbm>>
      %dma_wait3A_14 = arith.constant 0 : i32
      %dma_wait3A_15 = tpu.memref_slice %arg10[%mul3A_2, %dma_wait3A_14] : memref<10240x128xf32, #tpu.memory_space<vmem_shared>> -> memref<640x128xf32, #tpu.memory_space<vmem_shared>>
      tpu.wait_dma2 semaphore(%run_scoped3A : memref<!tpu.dma_semaphore, #tpu.memory_space<semaphore_mem>>) src(%dma_wait3A_15 : memref<640x128xf32, #tpu.memory_space<vmem_shared>>) dst(%dma_wait3A_13 : memref<640x128xf32, #tpu.memory_space<hbm>>)
      tpu.yield
    }) : () -> ()
    return
  }
}

#map = affine_map<(d0, d1) -> (0, 0)>
#map1 = affine_map<(d0, d1) -> (0, 0, 0)>
module attributes {stable_mosaic.version = 14 : i64} {
  func.func @_sc_spmm_body(%arg0: i32, %arg1: i32, %arg2: memref<10240x128xf32, #tpu.memory_space<hbm>>, %arg3: memref<32x80x128xi32, #tpu.memory_space<hbm>>, %arg4: memref<32x80x128xi32, #tpu.memory_space<hbm>>, %arg5: memref<640x128xf32, #tpu.memory_space<hbm>>, %arg6: memref<2x10240x128xf32, #tpu.memory_space<hbm>>, %arg7: memref<80x128xi32, #tpu.memory_space<vmem>>, %arg8: memref<80x128xi32, #tpu.memory_space<vmem>>, %arg9: memref<128x128xf32, #tpu.memory_space<vmem>>, %arg10: memref<10240x128xf32, #tpu.memory_space<vmem_shared>>) attributes {dimension_semantics = [#tpu.dimension_semantics<core_parallel>, #tpu.dimension_semantics<subcore_parallel>], iteration_bounds = array<i64: 2, 16>, scalar_prefetch = 0 : i64, scratch_operands = 4 : i64, tpu.core_type = #tpu.core_type<sc_vector_subcore>, window_params = [{transform_indices = #map}, {transform_indices = #map1}, {transform_indices = #map1}, {transform_indices = #map}, {transform_indices = #map1}]} {
    %mul3A = arith.constant 16 : i32
    %mul3A_0 = arith.muli %arg0, %mul3A : i32
    %add3A = arith.addi %mul3A_0, %arg1 : i32
    %mul3A_1 = arith.constant 640 : i32
    %mul3A_2 = arith.muli %arg1, %mul3A_1 : i32
    "tpu.region"() ({
      %run_scoped3A = tpu.sem_alloc : memref<!tpu.dma_semaphore, #tpu.memory_space<semaphore_mem>>
      %dma_start3A = arith.constant 0 : i32
      %dma_start3A_8 = tpu.memref_slice %arg10[%mul3A_2, %dma_start3A] : memref<10240x128xf32, #tpu.memory_space<vmem_shared>> -> memref<640x128xf32, #tpu.memory_space<vmem_shared>>
      tpu.enqueue_dma source(%arg5 : memref<640x128xf32, #tpu.memory_space<hbm>>) target(%dma_start3A_8 : memref<640x128xf32, #tpu.memory_space<vmem_shared>>) target_semaphore(%run_scoped3A : memref<!tpu.dma_semaphore, #tpu.memory_space<semaphore_mem>>)
      %dma_wait3A = arith.constant 0 : i32
      %dma_wait3A_9 = tpu.memref_slice %arg10[%mul3A_2, %dma_wait3A] : memref<10240x128xf32, #tpu.memory_space<vmem_shared>> -> memref<640x128xf32, #tpu.memory_space<vmem_shared>>
      tpu.wait_dma2 semaphore(%run_scoped3A : memref<!tpu.dma_semaphore, #tpu.memory_space<semaphore_mem>>) src(%arg5 : memref<640x128xf32, #tpu.memory_space<hbm>>) dst(%dma_wait3A_9 : memref<640x128xf32, #tpu.memory_space<vmem_shared>>)
      tpu.yield
    }) : () -> ()
    "tpu.region"() ({
      %run_scoped3A = tpu.sem_alloc : memref<!tpu.dma_semaphore, #tpu.memory_space<semaphore_mem>>
      %dma_start3A = arith.constant 0 : i32
      %dma_start3A_8 = arith.constant 0 : i32
      %dma_start3A_9 = tpu.memref_slice %arg3[%add3A, %dma_start3A, %dma_start3A_8] : memref<32x80x128xi32, #tpu.memory_space<hbm>> -> memref<1x80x128xi32, #tpu.memory_space<hbm>>
      %dma_start3A_10 = tpu.memref_squeeze %dma_start3A_9 : memref<1x80x128xi32, #tpu.memory_space<hbm>> -> memref<80x128xi32, #tpu.memory_space<hbm>>
      %dma_start3A_11 = arith.constant 0 : i32
      %dma_start3A_12 = arith.constant 0 : i32
      %dma_start3A_13 = tpu.memref_slice %arg3[%add3A, %dma_start3A_11, %dma_start3A_12] : memref<32x80x128xi32, #tpu.memory_space<hbm>> -> memref<1x80x128xi32, #tpu.memory_space<hbm>>
      %dma_start3A_14 = tpu.memref_squeeze %dma_start3A_13 : memref<1x80x128xi32, #tpu.memory_space<hbm>> -> memref<80x128xi32, #tpu.memory_space<hbm>>
      tpu.enqueue_dma source(%dma_start3A_14 : memref<80x128xi32, #tpu.memory_space<hbm>>) target(%arg7 : memref<80x128xi32, #tpu.memory_space<vmem>>) target_semaphore(%run_scoped3A : memref<!tpu.dma_semaphore, #tpu.memory_space<semaphore_mem>>)
      %dma_wait3A = arith.constant 0 : i32
      %dma_wait3A_15 = arith.constant 0 : i32
      %dma_wait3A_16 = tpu.memref_slice %arg3[%add3A, %dma_wait3A, %dma_wait3A_15] : memref<32x80x128xi32, #tpu.memory_space<hbm>> -> memref<1x80x128xi32, #tpu.memory_space<hbm>>
      %dma_wait3A_17 = tpu.memref_squeeze %dma_wait3A_16 : memref<1x80x128xi32, #tpu.memory_space<hbm>> -> memref<80x128xi32, #tpu.memory_space<hbm>>
      %dma_wait3A_18 = arith.constant 0 : i32
      %dma_wait3A_19 = arith.constant 0 : i32
      %dma_wait3A_20 = tpu.memref_slice %arg3[%add3A, %dma_wait3A_18, %dma_wait3A_19] : memref<32x80x128xi32, #tpu.memory_space<hbm>> -> memref<1x80x128xi32, #tpu.memory_space<hbm>>
      %dma_wait3A_21 = tpu.memref_squeeze %dma_wait3A_20 : memref<1x80x128xi32, #tpu.memory_space<hbm>> -> memref<80x128xi32, #tpu.memory_space<hbm>>
      tpu.wait_dma2 semaphore(%run_scoped3A : memref<!tpu.dma_semaphore, #tpu.memory_space<semaphore_mem>>) src(%dma_wait3A_21 : memref<80x128xi32, #tpu.memory_space<hbm>>) dst(%arg7 : memref<80x128xi32, #tpu.memory_space<vmem>>)
      tpu.yield
    }) : () -> ()
    "tpu.region"() ({
      %run_scoped3A = tpu.sem_alloc : memref<!tpu.dma_semaphore, #tpu.memory_space<semaphore_mem>>
      %dma_start3A = arith.constant 0 : i32
      %dma_start3A_8 = arith.constant 0 : i32
      %dma_start3A_9 = tpu.memref_slice %arg4[%add3A, %dma_start3A, %dma_start3A_8] : memref<32x80x128xi32, #tpu.memory_space<hbm>> -> memref<1x80x128xi32, #tpu.memory_space<hbm>>
      %dma_start3A_10 = tpu.memref_squeeze %dma_start3A_9 : memref<1x80x128xi32, #tpu.memory_space<hbm>> -> memref<80x128xi32, #tpu.memory_space<hbm>>
      %dma_start3A_11 = arith.constant 0 : i32
      %dma_start3A_12 = arith.constant 0 : i32
      %dma_start3A_13 = tpu.memref_slice %arg4[%add3A, %dma_start3A_11, %dma_start3A_12] : memref<32x80x128xi32, #tpu.memory_space<hbm>> -> memref<1x80x128xi32, #tpu.memory_space<hbm>>
      %dma_start3A_14 = tpu.memref_squeeze %dma_start3A_13 : memref<1x80x128xi32, #tpu.memory_space<hbm>> -> memref<80x128xi32, #tpu.memory_space<hbm>>
      tpu.enqueue_dma source(%dma_start3A_14 : memref<80x128xi32, #tpu.memory_space<hbm>>) target(%arg8 : memref<80x128xi32, #tpu.memory_space<vmem>>) target_semaphore(%run_scoped3A : memref<!tpu.dma_semaphore, #tpu.memory_space<semaphore_mem>>)
      %dma_wait3A = arith.constant 0 : i32
      %dma_wait3A_15 = arith.constant 0 : i32
      %dma_wait3A_16 = tpu.memref_slice %arg4[%add3A, %dma_wait3A, %dma_wait3A_15] : memref<32x80x128xi32, #tpu.memory_space<hbm>> -> memref<1x80x128xi32, #tpu.memory_space<hbm>>
      %dma_wait3A_17 = tpu.memref_squeeze %dma_wait3A_16 : memref<1x80x128xi32, #tpu.memory_space<hbm>> -> memref<80x128xi32, #tpu.memory_space<hbm>>
      %dma_wait3A_18 = arith.constant 0 : i32
      %dma_wait3A_19 = arith.constant 0 : i32
      %dma_wait3A_20 = tpu.memref_slice %arg4[%add3A, %dma_wait3A_18, %dma_wait3A_19] : memref<32x80x128xi32, #tpu.memory_space<hbm>> -> memref<1x80x128xi32, #tpu.memory_space<hbm>>
      %dma_wait3A_21 = tpu.memref_squeeze %dma_wait3A_20 : memref<1x80x128xi32, #tpu.memory_space<hbm>> -> memref<80x128xi32, #tpu.memory_space<hbm>>
      tpu.wait_dma2 semaphore(%run_scoped3A : memref<!tpu.dma_semaphore, #tpu.memory_space<semaphore_mem>>) src(%dma_wait3A_21 : memref<80x128xi32, #tpu.memory_space<hbm>>) dst(%arg8 : memref<80x128xi32, #tpu.memory_space<vmem>>)
      tpu.yield
    }) : () -> ()
    %barrier3A = arith.constant 0 : index
    tpu.barrier barrier_id(%barrier3A)
    %scan3A = arith.constant 0 : i32
    %scan3A_3 = arith.constant 80 : i32
    %scan3A_4 = arith.addi %scan3A, %scan3A_3 : i32
    %scan3A_5 = arith.constant 1 : i32
    scf.for %scan3A_8 = %scan3A to %scan3A_4 step %scan3A_5  : i32 {
      %mul3A_9 = arith.constant 1 : i32
      %mul3A_10 = arith.muli %scan3A_8, %mul3A_9 : i32
      %add3A_11 = arith.constant 0 : i32
      %add3A_12 = arith.addi %add3A_11, %mul3A_10 : i32
      "tpu.region"() ({
        %run_scoped3A = tpu.sem_alloc : memref<!tpu.dma_semaphore, #tpu.memory_space<semaphore_mem>>
        %dma_start3A = arith.constant 0 : i32
        %dma_start3A_13 = tpu.memref_slice %arg7[%add3A_12, %dma_start3A] : memref<80x128xi32, #tpu.memory_space<vmem>> -> memref<1x128xi32, #tpu.memory_space<vmem>>
        %dma_start3A_14 = tpu.memref_squeeze %dma_start3A_13 : memref<1x128xi32, #tpu.memory_space<vmem>> -> memref<128xi32, #tpu.memory_space<vmem>>
        %dma_start3A_15 = arith.constant 0 : i32
        %dma_start3A_16 = arith.constant 0 : i32
        %dma_start3A_17 = tpu.memref_slice %arg2[%dma_start3A_15, %dma_start3A_16] : memref<10240x128xf32, #tpu.memory_space<hbm>> -> memref<10240x128xf32, #tpu.memory_space<hbm>>
        tpu.enqueue_indirect_dma source(%dma_start3A_17 : memref<10240x128xf32, #tpu.memory_space<hbm>>) target(%arg9 : memref<128x128xf32, #tpu.memory_space<vmem>>) offsets(%dma_start3A_14 : memref<128xi32, #tpu.memory_space<vmem>>) semaphore(%run_scoped3A : memref<!tpu.dma_semaphore, #tpu.memory_space<semaphore_mem>>)
        %dma_wait3A = arith.constant 0 : i32
        %dma_wait3A_18 = tpu.memref_slice %arg7[%add3A_12, %dma_wait3A] : memref<80x128xi32, #tpu.memory_space<vmem>> -> memref<1x128xi32, #tpu.memory_space<vmem>>
        %dma_wait3A_19 = tpu.memref_squeeze %dma_wait3A_18 : memref<1x128xi32, #tpu.memory_space<vmem>> -> memref<128xi32, #tpu.memory_space<vmem>>
        %dma_wait3A_20 = arith.constant 0 : i32
        %dma_wait3A_21 = arith.constant 0 : i32
        %dma_wait3A_22 = tpu.memref_slice %arg2[%dma_wait3A_20, %dma_wait3A_21] : memref<10240x128xf32, #tpu.memory_space<hbm>> -> memref<10240x128xf32, #tpu.memory_space<hbm>>
        tpu.wait_indirect_dma semaphore(%run_scoped3A : memref<!tpu.dma_semaphore, #tpu.memory_space<semaphore_mem>>) src(%dma_wait3A_22 : memref<10240x128xf32, #tpu.memory_space<hbm>>) dst(%arg9 : memref<128x128xf32, #tpu.memory_space<vmem>>)
        tpu.yield
      }) : () -> ()
      "tpu.region"() ({
        %run_scoped3A = tpu.sem_alloc : memref<!tpu.dma_semaphore, #tpu.memory_space<semaphore_mem>>
        %dma_start3A = arith.constant 0 : i32
        %dma_start3A_13 = tpu.memref_slice %arg8[%add3A_12, %dma_start3A] : memref<80x128xi32, #tpu.memory_space<vmem>> -> memref<1x128xi32, #tpu.memory_space<vmem>>
        %dma_start3A_14 = tpu.memref_squeeze %dma_start3A_13 : memref<1x128xi32, #tpu.memory_space<vmem>> -> memref<128xi32, #tpu.memory_space<vmem>>
        %dma_start3A_15 = arith.constant 0 : i32
        %dma_start3A_16 = arith.constant 0 : i32
        %dma_start3A_17 = tpu.memref_slice %arg10[%dma_start3A_15, %dma_start3A_16] : memref<10240x128xf32, #tpu.memory_space<vmem_shared>> -> memref<10240x128xf32, #tpu.memory_space<vmem_shared>>
        tpu.enqueue_indirect_dma source(%arg9 : memref<128x128xf32, #tpu.memory_space<vmem>>) target(%dma_start3A_17 : memref<10240x128xf32, #tpu.memory_space<vmem_shared>>) offsets(%dma_start3A_14 : memref<128xi32, #tpu.memory_space<vmem>>) semaphore(%run_scoped3A : memref<!tpu.dma_semaphore, #tpu.memory_space<semaphore_mem>>) {add = true}
        %dma_wait3A = arith.constant 0 : i32
        %dma_wait3A_18 = tpu.memref_slice %arg8[%add3A_12, %dma_wait3A] : memref<80x128xi32, #tpu.memory_space<vmem>> -> memref<1x128xi32, #tpu.memory_space<vmem>>
        %dma_wait3A_19 = tpu.memref_squeeze %dma_wait3A_18 : memref<1x128xi32, #tpu.memory_space<vmem>> -> memref<128xi32, #tpu.memory_space<vmem>>
        %dma_wait3A_20 = arith.constant 0 : i32
        %dma_wait3A_21 = arith.constant 0 : i32
        %dma_wait3A_22 = tpu.memref_slice %arg10[%dma_wait3A_20, %dma_wait3A_21] : memref<10240x128xf32, #tpu.memory_space<vmem_shared>> -> memref<10240x128xf32, #tpu.memory_space<vmem_shared>>
        tpu.wait_indirect_dma semaphore(%run_scoped3A : memref<!tpu.dma_semaphore, #tpu.memory_space<semaphore_mem>>) src(%arg9 : memref<128x128xf32, #tpu.memory_space<vmem>>) dst(%dma_wait3A_22 : memref<10240x128xf32, #tpu.memory_space<vmem_shared>>)
        tpu.yield
      }) : () -> ()
    }
    %scan3A_6 = arith.constant 80 : i32
    %barrier3A_7 = arith.constant 0 : index
    tpu.barrier barrier_id(%barrier3A_7)
    "tpu.region"() ({
      %run_scoped3A = tpu.sem_alloc : memref<!tpu.dma_semaphore, #tpu.memory_space<semaphore_mem>>
      %dma_start3A = arith.constant 0 : i32
      %dma_start3A_8 = tpu.memref_slice %arg6[%arg0, %mul3A_2, %dma_start3A] : memref<2x10240x128xf32, #tpu.memory_space<hbm>> -> memref<1x640x128xf32, #tpu.memory_space<hbm>>
      %dma_start3A_9 = tpu.memref_squeeze %dma_start3A_8 : memref<1x640x128xf32, #tpu.memory_space<hbm>> -> memref<640x128xf32, #tpu.memory_space<hbm>>
      %dma_start3A_10 = arith.constant 0 : i32
      %dma_start3A_11 = tpu.memref_slice %arg10[%mul3A_2, %dma_start3A_10] : memref<10240x128xf32, #tpu.memory_space<vmem_shared>> -> memref<640x128xf32, #tpu.memory_space<vmem_shared>>
      tpu.enqueue_dma source(%dma_start3A_11 : memref<640x128xf32, #tpu.memory_space<vmem_shared>>) target(%dma_start3A_9 : memref<640x128xf32, #tpu.memory_space<hbm>>) target_semaphore(%run_scoped3A : memref<!tpu.dma_semaphore, #tpu.memory_space<semaphore_mem>>)
      %dma_wait3A = arith.constant 0 : i32
      %dma_wait3A_12 = tpu.memref_slice %arg6[%arg0, %mul3A_2, %dma_wait3A] : memref<2x10240x128xf32, #tpu.memory_space<hbm>> -> memref<1x640x128xf32, #tpu.memory_space<hbm>>
      %dma_wait3A_13 = tpu.memref_squeeze %dma_wait3A_12 : memref<1x640x128xf32, #tpu.memory_space<hbm>> -> memref<640x128xf32, #tpu.memory_space<hbm>>
      %dma_wait3A_14 = arith.constant 0 : i32
      %dma_wait3A_15 = tpu.memref_slice %arg10[%mul3A_2, %dma_wait3A_14] : memref<10240x128xf32, #tpu.memory_space<vmem_shared>> -> memref<640x128xf32, #tpu.memory_space<vmem_shared>>
      tpu.wait_dma2 semaphore(%run_scoped3A : memref<!tpu.dma_semaphore, #tpu.memory_space<semaphore_mem>>) src(%dma_wait3A_15 : memref<640x128xf32, #tpu.memory_space<vmem_shared>>) dst(%dma_wait3A_13 : memref<640x128xf32, #tpu.memory_space<hbm>>)
      tpu.yield
    }) : () -> ()
    return
  }
}

#map = affine_map<(d0, d1) -> (0, 0)>
#map1 = affine_map<(d0, d1) -> (0, 0, 0)>
module attributes {stable_mosaic.version = 14 : i64} {
  func.func @_sc_spmm_body(%arg0: i32, %arg1: i32, %arg2: memref<10240x128xf32, #tpu.memory_space<hbm>>, %arg3: memref<32x80x128xi32, #tpu.memory_space<hbm>>, %arg4: memref<32x80x128xi32, #tpu.memory_space<hbm>>, %arg5: memref<640x128xf32, #tpu.memory_space<hbm>>, %arg6: memref<2x10240x128xf32, #tpu.memory_space<hbm>>, %arg7: memref<80x128xi32, #tpu.memory_space<vmem>>, %arg8: memref<80x128xi32, #tpu.memory_space<vmem>>, %arg9: memref<128x128xf32, #tpu.memory_space<vmem>>, %arg10: memref<10240x128xf32, #tpu.memory_space<vmem_shared>>) attributes {dimension_semantics = [#tpu.dimension_semantics<core_parallel>, #tpu.dimension_semantics<subcore_parallel>], iteration_bounds = array<i64: 2, 16>, scalar_prefetch = 0 : i64, scratch_operands = 4 : i64, tpu.core_type = #tpu.core_type<sc_vector_subcore>, window_params = [{transform_indices = #map}, {transform_indices = #map1}, {transform_indices = #map1}, {transform_indices = #map}, {transform_indices = #map1}]} {
    %mul3A = arith.constant 16 : i32
    %mul3A_0 = arith.muli %arg0, %mul3A : i32
    %add3A = arith.addi %mul3A_0, %arg1 : i32
    %mul3A_1 = arith.constant 640 : i32
    %mul3A_2 = arith.muli %arg1, %mul3A_1 : i32
    "tpu.region"() ({
      %run_scoped3A = tpu.sem_alloc : memref<!tpu.dma_semaphore, #tpu.memory_space<semaphore_mem>>
      %dma_start3A = arith.constant 0 : i32
      %dma_start3A_8 = tpu.memref_slice %arg10[%mul3A_2, %dma_start3A] : memref<10240x128xf32, #tpu.memory_space<vmem_shared>> -> memref<640x128xf32, #tpu.memory_space<vmem_shared>>
      tpu.enqueue_dma source(%arg5 : memref<640x128xf32, #tpu.memory_space<hbm>>) target(%dma_start3A_8 : memref<640x128xf32, #tpu.memory_space<vmem_shared>>) target_semaphore(%run_scoped3A : memref<!tpu.dma_semaphore, #tpu.memory_space<semaphore_mem>>)
      %dma_wait3A = arith.constant 0 : i32
      %dma_wait3A_9 = tpu.memref_slice %arg10[%mul3A_2, %dma_wait3A] : memref<10240x128xf32, #tpu.memory_space<vmem_shared>> -> memref<640x128xf32, #tpu.memory_space<vmem_shared>>
      tpu.wait_dma2 semaphore(%run_scoped3A : memref<!tpu.dma_semaphore, #tpu.memory_space<semaphore_mem>>) src(%arg5 : memref<640x128xf32, #tpu.memory_space<hbm>>) dst(%dma_wait3A_9 : memref<640x128xf32, #tpu.memory_space<vmem_shared>>)
      tpu.yield
    }) : () -> ()
    "tpu.region"() ({
      %run_scoped3A = tpu.sem_alloc : memref<!tpu.dma_semaphore, #tpu.memory_space<semaphore_mem>>
      %dma_start3A = arith.constant 0 : i32
      %dma_start3A_8 = arith.constant 0 : i32
      %dma_start3A_9 = tpu.memref_slice %arg3[%add3A, %dma_start3A, %dma_start3A_8] : memref<32x80x128xi32, #tpu.memory_space<hbm>> -> memref<1x80x128xi32, #tpu.memory_space<hbm>>
      %dma_start3A_10 = tpu.memref_squeeze %dma_start3A_9 : memref<1x80x128xi32, #tpu.memory_space<hbm>> -> memref<80x128xi32, #tpu.memory_space<hbm>>
      %dma_start3A_11 = arith.constant 0 : i32
      %dma_start3A_12 = arith.constant 0 : i32
      %dma_start3A_13 = tpu.memref_slice %arg3[%add3A, %dma_start3A_11, %dma_start3A_12] : memref<32x80x128xi32, #tpu.memory_space<hbm>> -> memref<1x80x128xi32, #tpu.memory_space<hbm>>
      %dma_start3A_14 = tpu.memref_squeeze %dma_start3A_13 : memref<1x80x128xi32, #tpu.memory_space<hbm>> -> memref<80x128xi32, #tpu.memory_space<hbm>>
      tpu.enqueue_dma source(%dma_start3A_14 : memref<80x128xi32, #tpu.memory_space<hbm>>) target(%arg7 : memref<80x128xi32, #tpu.memory_space<vmem>>) target_semaphore(%run_scoped3A : memref<!tpu.dma_semaphore, #tpu.memory_space<semaphore_mem>>)
      %dma_wait3A = arith.constant 0 : i32
      %dma_wait3A_15 = arith.constant 0 : i32
      %dma_wait3A_16 = tpu.memref_slice %arg3[%add3A, %dma_wait3A, %dma_wait3A_15] : memref<32x80x128xi32, #tpu.memory_space<hbm>> -> memref<1x80x128xi32, #tpu.memory_space<hbm>>
      %dma_wait3A_17 = tpu.memref_squeeze %dma_wait3A_16 : memref<1x80x128xi32, #tpu.memory_space<hbm>> -> memref<80x128xi32, #tpu.memory_space<hbm>>
      %dma_wait3A_18 = arith.constant 0 : i32
      %dma_wait3A_19 = arith.constant 0 : i32
      %dma_wait3A_20 = tpu.memref_slice %arg3[%add3A, %dma_wait3A_18, %dma_wait3A_19] : memref<32x80x128xi32, #tpu.memory_space<hbm>> -> memref<1x80x128xi32, #tpu.memory_space<hbm>>
      %dma_wait3A_21 = tpu.memref_squeeze %dma_wait3A_20 : memref<1x80x128xi32, #tpu.memory_space<hbm>> -> memref<80x128xi32, #tpu.memory_space<hbm>>
      tpu.wait_dma2 semaphore(%run_scoped3A : memref<!tpu.dma_semaphore, #tpu.memory_space<semaphore_mem>>) src(%dma_wait3A_21 : memref<80x128xi32, #tpu.memory_space<hbm>>) dst(%arg7 : memref<80x128xi32, #tpu.memory_space<vmem>>)
      tpu.yield
    }) : () -> ()
    "tpu.region"() ({
      %run_scoped3A = tpu.sem_alloc : memref<!tpu.dma_semaphore, #tpu.memory_space<semaphore_mem>>
      %dma_start3A = arith.constant 0 : i32
      %dma_start3A_8 = arith.constant 0 : i32
      %dma_start3A_9 = tpu.memref_slice %arg4[%add3A, %dma_start3A, %dma_start3A_8] : memref<32x80x128xi32, #tpu.memory_space<hbm>> -> memref<1x80x128xi32, #tpu.memory_space<hbm>>
      %dma_start3A_10 = tpu.memref_squeeze %dma_start3A_9 : memref<1x80x128xi32, #tpu.memory_space<hbm>> -> memref<80x128xi32, #tpu.memory_space<hbm>>
      %dma_start3A_11 = arith.constant 0 : i32
      %dma_start3A_12 = arith.constant 0 : i32
      %dma_start3A_13 = tpu.memref_slice %arg4[%add3A, %dma_start3A_11, %dma_start3A_12] : memref<32x80x128xi32, #tpu.memory_space<hbm>> -> memref<1x80x128xi32, #tpu.memory_space<hbm>>
      %dma_start3A_14 = tpu.memref_squeeze %dma_start3A_13 : memref<1x80x128xi32, #tpu.memory_space<hbm>> -> memref<80x128xi32, #tpu.memory_space<hbm>>
      tpu.enqueue_dma source(%dma_start3A_14 : memref<80x128xi32, #tpu.memory_space<hbm>>) target(%arg8 : memref<80x128xi32, #tpu.memory_space<vmem>>) target_semaphore(%run_scoped3A : memref<!tpu.dma_semaphore, #tpu.memory_space<semaphore_mem>>)
      %dma_wait3A = arith.constant 0 : i32
      %dma_wait3A_15 = arith.constant 0 : i32
      %dma_wait3A_16 = tpu.memref_slice %arg4[%add3A, %dma_wait3A, %dma_wait3A_15] : memref<32x80x128xi32, #tpu.memory_space<hbm>> -> memref<1x80x128xi32, #tpu.memory_space<hbm>>
      %dma_wait3A_17 = tpu.memref_squeeze %dma_wait3A_16 : memref<1x80x128xi32, #tpu.memory_space<hbm>> -> memref<80x128xi32, #tpu.memory_space<hbm>>
      %dma_wait3A_18 = arith.constant 0 : i32
      %dma_wait3A_19 = arith.constant 0 : i32
      %dma_wait3A_20 = tpu.memref_slice %arg4[%add3A, %dma_wait3A_18, %dma_wait3A_19] : memref<32x80x128xi32, #tpu.memory_space<hbm>> -> memref<1x80x128xi32, #tpu.memory_space<hbm>>
      %dma_wait3A_21 = tpu.memref_squeeze %dma_wait3A_20 : memref<1x80x128xi32, #tpu.memory_space<hbm>> -> memref<80x128xi32, #tpu.memory_space<hbm>>
      tpu.wait_dma2 semaphore(%run_scoped3A : memref<!tpu.dma_semaphore, #tpu.memory_space<semaphore_mem>>) src(%dma_wait3A_21 : memref<80x128xi32, #tpu.memory_space<hbm>>) dst(%arg8 : memref<80x128xi32, #tpu.memory_space<vmem>>)
      tpu.yield
    }) : () -> ()
    %barrier3A = arith.constant 0 : index
    tpu.barrier barrier_id(%barrier3A)
    %scan3A = arith.constant 0 : i32
    %scan3A_3 = arith.constant 80 : i32
    %scan3A_4 = arith.addi %scan3A, %scan3A_3 : i32
    %scan3A_5 = arith.constant 1 : i32
    scf.for %scan3A_8 = %scan3A to %scan3A_4 step %scan3A_5  : i32 {
      %mul3A_9 = arith.constant 1 : i32
      %mul3A_10 = arith.muli %scan3A_8, %mul3A_9 : i32
      %add3A_11 = arith.constant 0 : i32
      %add3A_12 = arith.addi %add3A_11, %mul3A_10 : i32
      "tpu.region"() ({
        %run_scoped3A = tpu.sem_alloc : memref<!tpu.dma_semaphore, #tpu.memory_space<semaphore_mem>>
        %dma_start3A = arith.constant 0 : i32
        %dma_start3A_13 = tpu.memref_slice %arg7[%add3A_12, %dma_start3A] : memref<80x128xi32, #tpu.memory_space<vmem>> -> memref<1x128xi32, #tpu.memory_space<vmem>>
        %dma_start3A_14 = tpu.memref_squeeze %dma_start3A_13 : memref<1x128xi32, #tpu.memory_space<vmem>> -> memref<128xi32, #tpu.memory_space<vmem>>
        %dma_start3A_15 = arith.constant 0 : i32
        %dma_start3A_16 = arith.constant 0 : i32
        %dma_start3A_17 = tpu.memref_slice %arg2[%dma_start3A_15, %dma_start3A_16] : memref<10240x128xf32, #tpu.memory_space<hbm>> -> memref<10240x128xf32, #tpu.memory_space<hbm>>
        tpu.enqueue_indirect_dma source(%dma_start3A_17 : memref<10240x128xf32, #tpu.memory_space<hbm>>) target(%arg9 : memref<128x128xf32, #tpu.memory_space<vmem>>) offsets(%dma_start3A_14 : memref<128xi32, #tpu.memory_space<vmem>>) semaphore(%run_scoped3A : memref<!tpu.dma_semaphore, #tpu.memory_space<semaphore_mem>>)
        %dma_wait3A = arith.constant 0 : i32
        %dma_wait3A_18 = tpu.memref_slice %arg7[%add3A_12, %dma_wait3A] : memref<80x128xi32, #tpu.memory_space<vmem>> -> memref<1x128xi32, #tpu.memory_space<vmem>>
        %dma_wait3A_19 = tpu.memref_squeeze %dma_wait3A_18 : memref<1x128xi32, #tpu.memory_space<vmem>> -> memref<128xi32, #tpu.memory_space<vmem>>
        %dma_wait3A_20 = arith.constant 0 : i32
        %dma_wait3A_21 = arith.constant 0 : i32
        %dma_wait3A_22 = tpu.memref_slice %arg2[%dma_wait3A_20, %dma_wait3A_21] : memref<10240x128xf32, #tpu.memory_space<hbm>> -> memref<10240x128xf32, #tpu.memory_space<hbm>>
        tpu.wait_indirect_dma semaphore(%run_scoped3A : memref<!tpu.dma_semaphore, #tpu.memory_space<semaphore_mem>>) src(%dma_wait3A_22 : memref<10240x128xf32, #tpu.memory_space<hbm>>) dst(%arg9 : memref<128x128xf32, #tpu.memory_space<vmem>>)
        tpu.yield
      }) : () -> ()
      "tpu.region"() ({
        %run_scoped3A = tpu.sem_alloc : memref<!tpu.dma_semaphore, #tpu.memory_space<semaphore_mem>>
        %dma_start3A = arith.constant 0 : i32
        %dma_start3A_13 = tpu.memref_slice %arg8[%add3A_12, %dma_start3A] : memref<80x128xi32, #tpu.memory_space<vmem>> -> memref<1x128xi32, #tpu.memory_space<vmem>>
        %dma_start3A_14 = tpu.memref_squeeze %dma_start3A_13 : memref<1x128xi32, #tpu.memory_space<vmem>> -> memref<128xi32, #tpu.memory_space<vmem>>
        %dma_start3A_15 = arith.constant 0 : i32
        %dma_start3A_16 = arith.constant 0 : i32
        %dma_start3A_17 = tpu.memref_slice %arg10[%dma_start3A_15, %dma_start3A_16] : memref<10240x128xf32, #tpu.memory_space<vmem_shared>> -> memref<10240x128xf32, #tpu.memory_space<vmem_shared>>
        tpu.enqueue_indirect_dma source(%arg9 : memref<128x128xf32, #tpu.memory_space<vmem>>) target(%dma_start3A_17 : memref<10240x128xf32, #tpu.memory_space<vmem_shared>>) offsets(%dma_start3A_14 : memref<128xi32, #tpu.memory_space<vmem>>) semaphore(%run_scoped3A : memref<!tpu.dma_semaphore, #tpu.memory_space<semaphore_mem>>) {add = true}
        %dma_wait3A = arith.constant 0 : i32
        %dma_wait3A_18 = tpu.memref_slice %arg8[%add3A_12, %dma_wait3A] : memref<80x128xi32, #tpu.memory_space<vmem>> -> memref<1x128xi32, #tpu.memory_space<vmem>>
        %dma_wait3A_19 = tpu.memref_squeeze %dma_wait3A_18 : memref<1x128xi32, #tpu.memory_space<vmem>> -> memref<128xi32, #tpu.memory_space<vmem>>
        %dma_wait3A_20 = arith.constant 0 : i32
        %dma_wait3A_21 = arith.constant 0 : i32
        %dma_wait3A_22 = tpu.memref_slice %arg10[%dma_wait3A_20, %dma_wait3A_21] : memref<10240x128xf32, #tpu.memory_space<vmem_shared>> -> memref<10240x128xf32, #tpu.memory_space<vmem_shared>>
        tpu.wait_indirect_dma semaphore(%run_scoped3A : memref<!tpu.dma_semaphore, #tpu.memory_space<semaphore_mem>>) src(%arg9 : memref<128x128xf32, #tpu.memory_space<vmem>>) dst(%dma_wait3A_22 : memref<10240x128xf32, #tpu.memory_space<vmem_shared>>)
        tpu.yield
      }) : () -> ()
    }
    %scan3A_6 = arith.constant 80 : i32
    %barrier3A_7 = arith.constant 0 : index
    tpu.barrier barrier_id(%barrier3A_7)
    "tpu.region"() ({
      %run_scoped3A = tpu.sem_alloc : memref<!tpu.dma_semaphore, #tpu.memory_space<semaphore_mem>>
      %dma_start3A = arith.constant 0 : i32
      %dma_start3A_8 = tpu.memref_slice %arg6[%arg0, %mul3A_2, %dma_start3A] : memref<2x10240x128xf32, #tpu.memory_space<hbm>> -> memref<1x640x128xf32, #tpu.memory_space<hbm>>
      %dma_start3A_9 = tpu.memref_squeeze %dma_start3A_8 : memref<1x640x128xf32, #tpu.memory_space<hbm>> -> memref<640x128xf32, #tpu.memory_space<hbm>>
      %dma_start3A_10 = arith.constant 0 : i32
      %dma_start3A_11 = tpu.memref_slice %arg10[%mul3A_2, %dma_start3A_10] : memref<10240x128xf32, #tpu.memory_space<vmem_shared>> -> memref<640x128xf32, #tpu.memory_space<vmem_shared>>
      tpu.enqueue_dma source(%dma_start3A_11 : memref<640x128xf32, #tpu.memory_space<vmem_shared>>) target(%dma_start3A_9 : memref<640x128xf32, #tpu.memory_space<hbm>>) target_semaphore(%run_scoped3A : memref<!tpu.dma_semaphore, #tpu.memory_space<semaphore_mem>>)
      %dma_wait3A = arith.constant 0 : i32
      %dma_wait3A_12 = tpu.memref_slice %arg6[%arg0, %mul3A_2, %dma_wait3A] : memref<2x10240x128xf32, #tpu.memory_space<hbm>> -> memref<1x640x128xf32, #tpu.memory_space<hbm>>
      %dma_wait3A_13 = tpu.memref_squeeze %dma_wait3A_12 : memref<1x640x128xf32, #tpu.memory_space<hbm>> -> memref<640x128xf32, #tpu.memory_space<hbm>>
      %dma_wait3A_14 = arith.constant 0 : i32
      %dma_wait3A_15 = tpu.memref_slice %arg10[%mul3A_2, %dma_wait3A_14] : memref<10240x128xf32, #tpu.memory_space<vmem_shared>> -> memref<640x128xf32, #tpu.memory_space<vmem_shared>>
      tpu.wait_dma2 semaphore(%run_scoped3A : memref<!tpu.dma_semaphore, #tpu.memory_space<semaphore_mem>>) src(%dma_wait3A_15 : memref<640x128xf32, #tpu.memory_space<vmem_shared>>) dst(%dma_wait3A_13 : memref<640x128xf32, #tpu.memory_space<hbm>>)
      tpu.yield
    }) : () -> ()
    return
  }
}

module attributes {stable_mosaic.version = 14 : i64} {
  func.func @_tc_ew_body(%arg0: i32, %arg1: memref<8192x16xf32, #tpu.memory_space<vmem>>, %arg2: memref<16x128xf32, #tpu.memory_space<vmem>>, %arg3: memref<8192x128xf32, #tpu.memory_space<vmem>>) attributes {dimension_semantics = [#tpu.dimension_semantics<arbitrary>], iteration_bounds = array<i64: 40>, scalar_prefetch = 0 : i64, scratch_operands = 0 : i64, tpu.core_type = #tpu.core_type<tc>, window_params = [{transform_indices = @transform_0, window_bounds = array<i64: 8192, 16>}, {pipeline_mode = #tpu.pipeline_mode<synchronous>, transform_indices = @transform_1, window_bounds = array<i64: 16, 128>}, {transform_indices = @transform_2, window_bounds = array<i64: 8192, 128>}]} {
    %get3A = arith.constant 0 : index
    %get3A_0 = arith.constant 0 : index
    %get3A_1 = vector.load %arg1[%get3A, %get3A_0] : memref<8192x16xf32, #tpu.memory_space<vmem>>, vector<8192x16xf32>
    %get3A_2 = arith.constant 0 : index
    %get3A_3 = arith.constant 0 : index
    %get3A_4 = vector.load %arg2[%get3A_2, %get3A_3] : memref<16x128xf32, #tpu.memory_space<vmem>>, vector<16x128xf32>
    %dot_general3A = arith.constant dense<0.000000e+00> : vector<8192x128xf32>
    %dot_general3A_5 = tpu.matmul %get3A_1, %get3A_4, %dot_general3A {dimension_numbers = #tpu.dot_dimension_numbers<[1], [0], [0], [1], [0, 0, 1, 1], [], []>, transpose_lhs_hint = false} : vector<8192x16xf32>, vector<16x128xf32>, vector<8192x128xf32> -> vector<8192x128xf32>
    %swap3A = arith.constant 0 : index
    %swap3A_6 = arith.constant 0 : index
    %swap3A_7 = vector.load %arg3[%swap3A, %swap3A_6] : memref<8192x128xf32, #tpu.memory_space<vmem>>, vector<8192x128xf32>
    tpu.vector_store %arg3[%swap3A, %swap3A_6], %dot_general3A_5 {strides = array<i32>} : memref<8192x128xf32, #tpu.memory_space<vmem>>, vector<8192x128xf32>,
    return
  }
  func.func @transform_0(%arg0: i32) -> (i32, i32) {
    %c0_i32 = arith.constant 0 : i32
    %c0_i32_0 = arith.constant 0 : i32
    return %arg0, %c0_i32 : i32, i32
  }
  func.func @transform_1(%arg0: i32) -> (i32, i32) {
    %c0_i32 = arith.constant 0 : i32
    %c0_i32_0 = arith.constant 0 : i32
    %c0_i32_1 = arith.constant 0 : i32
    return %c0_i32, %c0_i32_0 : i32, i32
  }
  func.func @transform_2(%arg0: i32) -> (i32, i32) {
    %c0_i32 = arith.constant 0 : i32
    %c0_i32_0 = arith.constant 0 : i32
    return %arg0, %c0_i32 : i32, i32
  }
}

module attributes {stable_mosaic.version = 14 : i64} {
  func.func @_tc_embed_body(%arg0: memref<10000x128xf32, #tpu.memory_space<vmem>>, %arg1: memref<128x128xf32, #tpu.memory_space<vmem>>, %arg2: memref<128xf32, #tpu.memory_space<vmem>>, %arg3: memref<128xf32, #tpu.memory_space<vmem>>, %arg4: memref<128xf32, #tpu.memory_space<vmem>>, %arg5: memref<10000x128xf32, #tpu.memory_space<vmem>>) attributes {dimension_semantics = [], scalar_prefetch = 0 : i64, scratch_operands = 0 : i64, tpu.core_type = #tpu.core_type<tc>} {
    %get3A = arith.constant 0 : index
    %get3A_0 = arith.constant 0 : index
    %get3A_1 = vector.load %arg0[%get3A, %get3A_0] : memref<10000x128xf32, #tpu.memory_space<vmem>>, vector<10000x128xf32>
    %get3A_2 = arith.constant 0 : index
    %get3A_3 = arith.constant 0 : index
    %get3A_4 = vector.load %arg1[%get3A_2, %get3A_3] : memref<128x128xf32, #tpu.memory_space<vmem>>, vector<128x128xf32>
    %dot_general3A = arith.constant dense<0.000000e+00> : vector<10000x128xf32>
    %dot_general3A_5 = tpu.matmul %get3A_1, %get3A_4, %dot_general3A {dimension_numbers = #tpu.dot_dimension_numbers<[1], [0], [0], [1], [0, 0, 1, 1], [], []>, transpose_lhs_hint = false} : vector<10000x128xf32>, vector<128x128xf32>, vector<10000x128xf32> -> vector<10000x128xf32>
    %get3A_6 = arith.constant 0 : index
    %get3A_7 = vector.load %arg2[%get3A_6] : memref<128xf32, #tpu.memory_space<vmem>>, vector<128xf32>
    %broadcast_in_dim3A = vector.shape_cast %get3A_7 : vector<128xf32> to vector<1x128xf32>
    %add3A = vector.broadcast %broadcast_in_dim3A : vector<1x128xf32> to vector<10000x128xf32>
    %add3A_8 = arith.addf %dot_general3A_5, %add3A : vector<10000x128xf32>
    %reduce_sum3A = arith.constant dense<0.000000e+00> : vector<128xf32>
    %reduce_sum3A_9 = vector.multi_reduction <add>, %add3A_8, %reduce_sum3A [0] : vector<10000x128xf32> to vector<128xf32>
    %broadcast_in_dim3A_10 = vector.shape_cast %reduce_sum3A_9 : vector<128xf32> to vector<1x128xf32>
    %div3A = arith.constant 1.000000e+04 : f32
    %div3A_11 = vector.broadcast %div3A : f32 to vector<1x128xf32>
    %div3A_12 = arith.divf %broadcast_in_dim3A_10, %div3A_11 : vector<1x128xf32>
    %sub3A = vector.broadcast %div3A_12 : vector<1x128xf32> to vector<10000x128xf32>
    %sub3A_13 = arith.subf %add3A_8, %sub3A : vector<10000x128xf32>
    %integer_pow3A = arith.mulf %sub3A_13, %sub3A_13 : vector<10000x128xf32>
    %reduce_sum3A_14 = arith.constant dense<0.000000e+00> : vector<128xf32>
    %reduce_sum3A_15 = vector.multi_reduction <add>, %integer_pow3A, %reduce_sum3A_14 [0] : vector<10000x128xf32> to vector<128xf32>
    %broadcast_in_dim3A_16 = vector.shape_cast %reduce_sum3A_15 : vector<128xf32> to vector<1x128xf32>
    %div3A_17 = arith.constant 1.000000e+04 : f32
    %div3A_18 = vector.broadcast %div3A_17 : f32 to vector<1x128xf32>
    %div3A_19 = arith.divf %broadcast_in_dim3A_16, %div3A_18 : vector<1x128xf32>
    %sub3A_20 = vector.broadcast %div3A_12 : vector<1x128xf32> to vector<10000x128xf32>
    %sub3A_21 = arith.subf %add3A_8, %sub3A_20 : vector<10000x128xf32>
    %add3A_22 = arith.constant 9.99999974E-6 : f32
    %add3A_23 = vector.broadcast %add3A_22 : f32 to vector<1x128xf32>
    %add3A_24 = arith.addf %div3A_19, %add3A_23 : vector<1x128xf32>
    %sqrt3A = math.sqrt %add3A_24 : vector<1x128xf32>
    %div3A_25 = vector.broadcast %sqrt3A : vector<1x128xf32> to vector<10000x128xf32>
    %div3A_26 = arith.divf %sub3A_21, %div3A_25 : vector<10000x128xf32>
    %get3A_27 = arith.constant 0 : index
    %get3A_28 = vector.load %arg3[%get3A_27] : memref<128xf32, #tpu.memory_space<vmem>>, vector<128xf32>
    %broadcast_in_dim3A_29 = vector.shape_cast %get3A_28 : vector<128xf32> to vector<1x128xf32>
    %mul3A = vector.broadcast %broadcast_in_dim3A_29 : vector<1x128xf32> to vector<10000x128xf32>
    %mul3A_30 = arith.mulf %div3A_26, %mul3A : vector<10000x128xf32>
    %get3A_31 = arith.constant 0 : index
    %get3A_32 = vector.load %arg4[%get3A_31] : memref<128xf32, #tpu.memory_space<vmem>>, vector<128xf32>
    %broadcast_in_dim3A_33 = vector.shape_cast %get3A_32 : vector<128xf32> to vector<1x128xf32>
    %add3A_34 = vector.broadcast %broadcast_in_dim3A_33 : vector<1x128xf32> to vector<10000x128xf32>
    %add3A_35 = arith.addf %mul3A_30, %add3A_34 : vector<10000x128xf32>
    %max3A = arith.constant 0.000000e+00 : f32
    %max3A_36 = vector.broadcast %max3A : f32 to vector<10000x128xf32>
    %max3A_37 = arith.maximumf %add3A_35, %max3A_36 : vector<10000x128xf32>
    %swap3A = arith.constant 0 : index
    %swap3A_38 = arith.constant 0 : index
    %swap3A_39 = vector.load %arg5[%swap3A, %swap3A_38] : memref<10000x128xf32, #tpu.memory_space<vmem>>, vector<10000x128xf32>
    tpu.vector_store %arg5[%swap3A, %swap3A_38], %max3A_37 {strides = array<i32>} : memref<10000x128xf32, #tpu.memory_space<vmem>>, vector<10000x128xf32>,
    return
  }
}

module attributes {stable_mosaic.version = 14 : i64} {
  func.func @_tc_deg_body(%arg0: memref<2x10240x128xf32, #tpu.memory_space<vmem>>, %arg1: memref<2x10240x128xf32, #tpu.memory_space<vmem>>, %arg2: memref<10000x128xf32, #tpu.memory_space<vmem>>, %arg3: memref<10000x128xf32, #tpu.memory_space<vmem>>) attributes {dimension_semantics = [], scalar_prefetch = 0 : i64, scratch_operands = 0 : i64, tpu.core_type = #tpu.core_type<tc>} {
    %get3A = arith.constant 0 : index
    %get3A_0 = arith.constant 0 : index
    %get3A_1 = arith.constant 0 : index
    %get3A_2 = vector.load %arg0[%get3A, %get3A_0, %get3A_1] : memref<2x10240x128xf32, #tpu.memory_space<vmem>>, vector<1x10000x1xf32>
    %get3A_3 = vector.shape_cast %get3A_2 : vector<1x10000x1xf32> to vector<10000x1xf32>
    %get3A_4 = arith.constant 1 : index
    %get3A_5 = arith.constant 0 : index
    %get3A_6 = arith.constant 0 : index
    %get3A_7 = vector.load %arg0[%get3A_4, %get3A_5, %get3A_6] : memref<2x10240x128xf32, #tpu.memory_space<vmem>>, vector<1x10000x1xf32>
    %get3A_8 = vector.shape_cast %get3A_7 : vector<1x10000x1xf32> to vector<10000x1xf32>
    %add3A = arith.addf %get3A_3, %get3A_8 : vector<10000x1xf32>
    %get3A_9 = arith.constant 0 : index
    %get3A_10 = arith.constant 0 : index
    %get3A_11 = arith.constant 0 : index
    %get3A_12 = vector.load %arg1[%get3A_9, %get3A_10, %get3A_11] : memref<2x10240x128xf32, #tpu.memory_space<vmem>>, vector<1x10000x1xf32>
    %get3A_13 = vector.shape_cast %get3A_12 : vector<1x10000x1xf32> to vector<10000x1xf32>
    %get3A_14 = arith.constant 1 : index
    %get3A_15 = arith.constant 0 : index
    %get3A_16 = arith.constant 0 : index
    %get3A_17 = vector.load %arg1[%get3A_14, %get3A_15, %get3A_16] : memref<2x10240x128xf32, #tpu.memory_space<vmem>>, vector<1x10000x1xf32>
    %get3A_18 = vector.shape_cast %get3A_17 : vector<1x10000x1xf32> to vector<10000x1xf32>
    %add3A_19 = arith.addf %get3A_13, %get3A_18 : vector<10000x1xf32>
    %add3A_20 = arith.constant 1.000000e+00 : f32
    %add3A_21 = vector.broadcast %add3A_20 : f32 to vector<10000x1xf32>
    %add3A_22 = arith.addf %add3A_19, %add3A_21 : vector<10000x1xf32>
    %rsqrt3A = math.rsqrt %add3A_22 : vector<10000x1xf32>
    %broadcast_in_dim3A = vector.shape_cast %rsqrt3A : vector<10000x1xf32> to vector<10000x1xf32>
    %broadcast_in_dim3A_23 = vector.broadcast %broadcast_in_dim3A : vector<10000x1xf32> to vector<10000x128xf32>
    %swap3A = arith.constant 0 : index
    %swap3A_24 = arith.constant 0 : index
    %swap3A_25 = vector.load %arg2[%swap3A, %swap3A_24] : memref<10000x128xf32, #tpu.memory_space<vmem>>, vector<10000x128xf32>
    tpu.vector_store %arg2[%swap3A, %swap3A_24], %broadcast_in_dim3A_23 {strides = array<i32>} : memref<10000x128xf32, #tpu.memory_space<vmem>>, vector<10000x128xf32>,
    %broadcast_in_dim3A_26 = vector.shape_cast %add3A : vector<10000x1xf32> to vector<10000x1xf32>
    %broadcast_in_dim3A_27 = vector.broadcast %broadcast_in_dim3A_26 : vector<10000x1xf32> to vector<10000x128xf32>
    %swap3A_28 = arith.constant 0 : index
    %swap3A_29 = arith.constant 0 : index
    %swap3A_30 = vector.load %arg3[%swap3A_28, %swap3A_29] : memref<10000x128xf32, #tpu.memory_space<vmem>>, vector<10000x128xf32>
    tpu.vector_store %arg3[%swap3A_28, %swap3A_29], %broadcast_in_dim3A_27 {strides = array<i32>} : memref<10000x128xf32, #tpu.memory_space<vmem>>, vector<10000x128xf32>,
    return
  }
}

module attributes {stable_mosaic.version = 14 : i64} {
  func.func @_tc_edge_body(%arg0: memref<2x10240x128xf32, #tpu.memory_space<vmem>>, %arg1: memref<10000x128xf32, #tpu.memory_space<vmem>>, %arg2: memref<128xf32, #tpu.memory_space<vmem>>, %arg3: memref<10000x128xf32, #tpu.memory_space<vmem>>) attributes {dimension_semantics = [], scalar_prefetch = 0 : i64, scratch_operands = 0 : i64, tpu.core_type = #tpu.core_type<tc>} {
    %get3A = arith.constant 0 : index
    %get3A_0 = arith.constant 0 : index
    %get3A_1 = arith.constant 0 : index
    %get3A_2 = vector.load %arg0[%get3A, %get3A_0, %get3A_1] : memref<2x10240x128xf32, #tpu.memory_space<vmem>>, vector<1x10000x128xf32>
    %get3A_3 = vector.shape_cast %get3A_2 : vector<1x10000x128xf32> to vector<10000x128xf32>
    %get3A_4 = arith.constant 1 : index
    %get3A_5 = arith.constant 0 : index
    %get3A_6 = arith.constant 0 : index
    %get3A_7 = vector.load %arg0[%get3A_4, %get3A_5, %get3A_6] : memref<2x10240x128xf32, #tpu.memory_space<vmem>>, vector<1x10000x128xf32>
    %get3A_8 = vector.shape_cast %get3A_7 : vector<1x10000x128xf32> to vector<10000x128xf32>
    %add3A = arith.addf %get3A_3, %get3A_8 : vector<10000x128xf32>
    %get3A_9 = arith.constant 0 : index
    %get3A_10 = arith.constant 0 : index
    %get3A_11 = vector.load %arg1[%get3A_9, %get3A_10] : memref<10000x128xf32, #tpu.memory_space<vmem>>, vector<10000x128xf32>
    %max3A = arith.constant 1.000000e+00 : f32
    %max3A_12 = vector.broadcast %max3A : f32 to vector<10000x128xf32>
    %max3A_13 = arith.maximumf %get3A_11, %max3A_12 : vector<10000x128xf32>
    %get3A_14 = arith.constant 0 : index
    %get3A_15 = vector.load %arg2[%get3A_14] : memref<128xf32, #tpu.memory_space<vmem>>, vector<128xf32>
    %broadcast_in_dim3A = vector.shape_cast %get3A_15 : vector<128xf32> to vector<1x128xf32>
    %mul3A = vector.broadcast %broadcast_in_dim3A : vector<1x128xf32> to vector<10000x128xf32>
    %mul3A_16 = arith.mulf %get3A_11, %mul3A : vector<10000x128xf32>
    %add3A_17 = arith.addf %add3A, %mul3A_16 : vector<10000x128xf32>
    %div3A = arith.divf %add3A_17, %max3A_13 : vector<10000x128xf32>
    %swap3A = arith.constant 0 : index
    %swap3A_18 = arith.constant 0 : index
    %swap3A_19 = vector.load %arg3[%swap3A, %swap3A_18] : memref<10000x128xf32, #tpu.memory_space<vmem>>, vector<10000x128xf32>
    tpu.vector_store %arg3[%swap3A, %swap3A_18], %div3A {strides = array<i32>} : memref<10000x128xf32, #tpu.memory_space<vmem>>, vector<10000x128xf32>,
    return
  }
}

module attributes {stable_mosaic.version = 14 : i64} {
  func.func @_tc_hm_body(%arg0: memref<10000x128xf32, #tpu.memory_space<vmem>>, %arg1: memref<10000x128xf32, #tpu.memory_space<vmem>>, %arg2: memref<10000x128xf32, #tpu.memory_space<vmem>>, %arg3: memref<128x128xf32, #tpu.memory_space<vmem>>, %arg4: memref<10000x128xf32, #tpu.memory_space<vmem>>, %arg5: memref<10240x128xf32, #tpu.memory_space<vmem>>) attributes {dimension_semantics = [], scalar_prefetch = 0 : i64, scratch_operands = 0 : i64, tpu.core_type = #tpu.core_type<tc>} {
    %get3A = arith.constant 0 : index
    %get3A_0 = arith.constant 0 : index
    %get3A_1 = vector.load %arg0[%get3A, %get3A_0] : memref<10000x128xf32, #tpu.memory_space<vmem>>, vector<10000x128xf32>
    %get3A_2 = arith.constant 0 : index
    %get3A_3 = arith.constant 0 : index
    %get3A_4 = vector.load %arg1[%get3A_2, %get3A_3] : memref<10000x128xf32, #tpu.memory_space<vmem>>, vector<10000x128xf32>
    %add3A = arith.addf %get3A_1, %get3A_4 : vector<10000x128xf32>
    %swap3A = arith.constant 0 : index
    %swap3A_5 = arith.constant 0 : index
    %swap3A_6 = vector.load %arg4[%swap3A, %swap3A_5] : memref<10000x128xf32, #tpu.memory_space<vmem>>, vector<10000x128xf32>
    tpu.vector_store %arg4[%swap3A, %swap3A_5], %add3A {strides = array<i32>} : memref<10000x128xf32, #tpu.memory_space<vmem>>, vector<10000x128xf32>,
    %get3A_7 = arith.constant 0 : index
    %get3A_8 = arith.constant 0 : index
    %get3A_9 = vector.load %arg3[%get3A_7, %get3A_8] : memref<128x128xf32, #tpu.memory_space<vmem>>, vector<128x128xf32>
    %dot_general3A = arith.constant dense<0.000000e+00> : vector<10000x128xf32>
    %dot_general3A_10 = tpu.matmul %add3A, %get3A_9, %dot_general3A {dimension_numbers = #tpu.dot_dimension_numbers<[1], [0], [0], [1], [0, 0, 1, 1], [], []>, transpose_lhs_hint = false} : vector<10000x128xf32>, vector<128x128xf32>, vector<10000x128xf32> -> vector<10000x128xf32>
    %get3A_11 = arith.constant 0 : index
    %get3A_12 = arith.constant 0 : index
    %get3A_13 = vector.load %arg2[%get3A_11, %get3A_12] : memref<10000x128xf32, #tpu.memory_space<vmem>>, vector<10000x128xf32>
    %mul3A = arith.mulf %get3A_13, %dot_general3A_10 : vector<10000x128xf32>
    %swap3A_14 = arith.constant 0 : index
    %swap3A_15 = arith.constant 0 : index
    %swap3A_16 = vector.load %arg5[%swap3A_14, %swap3A_15] : memref<10240x128xf32, #tpu.memory_space<vmem>>, vector<10000x128xf32>
    tpu.vector_store %arg5[%swap3A_14, %swap3A_15], %mul3A {strides = array<i32>} : memref<10240x128xf32, #tpu.memory_space<vmem>>, vector<10000x128xf32>,
    %broadcast_in_dim3A = arith.constant 0.000000e+00 : f32
    %broadcast_in_dim3A_17 = vector.broadcast %broadcast_in_dim3A : f32 to vector<240x128xf32>
    %swap3A_18 = arith.constant 10000 : index
    %swap3A_19 = arith.constant 0 : index
    %swap3A_20 = vector.load %arg5[%swap3A_18, %swap3A_19] : memref<10240x128xf32, #tpu.memory_space<vmem>>, vector<240x128xf32>
    tpu.vector_store %arg5[%swap3A_18, %swap3A_19], %broadcast_in_dim3A_17 {strides = array<i32>} : memref<10240x128xf32, #tpu.memory_space<vmem>>, vector<240x128xf32>,
    return
  }
}

module attributes {stable_mosaic.version = 14 : i64} {
  func.func @_tc_layer_body(%arg0: memref<2x10240x128xf32, #tpu.memory_space<vmem>>, %arg1: memref<10240x128xf32, #tpu.memory_space<vmem>>, %arg2: memref<10000x128xf32, #tpu.memory_space<vmem>>, %arg3: memref<10000x128xf32, #tpu.memory_space<vmem>>, %arg4: memref<128xf32, #tpu.memory_space<vmem>>, %arg5: memref<128xf32, #tpu.memory_space<vmem>>, %arg6: memref<128xf32, #tpu.memory_space<vmem>>, %arg7: memref<128x128xf32, #tpu.memory_space<vmem>>, %arg8: memref<10000x128xf32, #tpu.memory_space<vmem>>, %arg9: memref<10240x128xf32, #tpu.memory_space<vmem>>) attributes {dimension_semantics = [], scalar_prefetch = 0 : i64, scratch_operands = 0 : i64, tpu.core_type = #tpu.core_type<tc>} {
    %get3A = arith.constant 0 : index
    %get3A_0 = arith.constant 0 : index
    %get3A_1 = vector.load %arg2[%get3A, %get3A_0] : memref<10000x128xf32, #tpu.memory_space<vmem>>, vector<10000x128xf32>
    %get3A_2 = arith.constant 0 : index
    %get3A_3 = arith.constant 0 : index
    %get3A_4 = arith.constant 0 : index
    %get3A_5 = vector.load %arg0[%get3A_2, %get3A_3, %get3A_4] : memref<2x10240x128xf32, #tpu.memory_space<vmem>>, vector<1x10000x128xf32>
    %get3A_6 = vector.shape_cast %get3A_5 : vector<1x10000x128xf32> to vector<10000x128xf32>
    %get3A_7 = arith.constant 1 : index
    %get3A_8 = arith.constant 0 : index
    %get3A_9 = arith.constant 0 : index
    %get3A_10 = vector.load %arg0[%get3A_7, %get3A_8, %get3A_9] : memref<2x10240x128xf32, #tpu.memory_space<vmem>>, vector<1x10000x128xf32>
    %get3A_11 = vector.shape_cast %get3A_10 : vector<1x10000x128xf32> to vector<10000x128xf32>
    %add3A = arith.addf %get3A_6, %get3A_11 : vector<10000x128xf32>
    %get3A_12 = arith.constant 0 : index
    %get3A_13 = arith.constant 0 : index
    %get3A_14 = vector.load %arg1[%get3A_12, %get3A_13] : memref<10240x128xf32, #tpu.memory_space<vmem>>, vector<10000x128xf32>
    %add3A_15 = arith.addf %add3A, %get3A_14 : vector<10000x128xf32>
    %mul3A = arith.mulf %get3A_1, %add3A_15 : vector<10000x128xf32>
    %get3A_16 = arith.constant 0 : index
    %get3A_17 = vector.load %arg4[%get3A_16] : memref<128xf32, #tpu.memory_space<vmem>>, vector<128xf32>
    %broadcast_in_dim3A = vector.shape_cast %get3A_17 : vector<128xf32> to vector<1x128xf32>
    %add3A_18 = vector.broadcast %broadcast_in_dim3A : vector<1x128xf32> to vector<10000x128xf32>
    %add3A_19 = arith.addf %mul3A, %add3A_18 : vector<10000x128xf32>
    %reduce_sum3A = arith.constant dense<0.000000e+00> : vector<128xf32>
    %reduce_sum3A_20 = vector.multi_reduction <add>, %add3A_19, %reduce_sum3A [0] : vector<10000x128xf32> to vector<128xf32>
    %broadcast_in_dim3A_21 = vector.shape_cast %reduce_sum3A_20 : vector<128xf32> to vector<1x128xf32>
    %div3A = arith.constant 1.000000e+04 : f32
    %div3A_22 = vector.broadcast %div3A : f32 to vector<1x128xf32>
    %div3A_23 = arith.divf %broadcast_in_dim3A_21, %div3A_22 : vector<1x128xf32>
    %sub3A = vector.broadcast %div3A_23 : vector<1x128xf32> to vector<10000x128xf32>
    %sub3A_24 = arith.subf %add3A_19, %sub3A : vector<10000x128xf32>
    %integer_pow3A = arith.mulf %sub3A_24, %sub3A_24 : vector<10000x128xf32>
    %reduce_sum3A_25 = arith.constant dense<0.000000e+00> : vector<128xf32>
    %reduce_sum3A_26 = vector.multi_reduction <add>, %integer_pow3A, %reduce_sum3A_25 [0] : vector<10000x128xf32> to vector<128xf32>
    %broadcast_in_dim3A_27 = vector.shape_cast %reduce_sum3A_26 : vector<128xf32> to vector<1x128xf32>
    %div3A_28 = arith.constant 1.000000e+04 : f32
    %div3A_29 = vector.broadcast %div3A_28 : f32 to vector<1x128xf32>
    %div3A_30 = arith.divf %broadcast_in_dim3A_27, %div3A_29 : vector<1x128xf32>
    %sub3A_31 = vector.broadcast %div3A_23 : vector<1x128xf32> to vector<10000x128xf32>
    %sub3A_32 = arith.subf %add3A_19, %sub3A_31 : vector<10000x128xf32>
    %add3A_33 = arith.constant 9.99999974E-6 : f32
    %add3A_34 = vector.broadcast %add3A_33 : f32 to vector<1x128xf32>
    %add3A_35 = arith.addf %div3A_30, %add3A_34 : vector<1x128xf32>
    %sqrt3A = math.sqrt %add3A_35 : vector<1x128xf32>
    %div3A_36 = vector.broadcast %sqrt3A : vector<1x128xf32> to vector<10000x128xf32>
    %div3A_37 = arith.divf %sub3A_32, %div3A_36 : vector<10000x128xf32>
    %get3A_38 = arith.constant 0 : index
    %get3A_39 = vector.load %arg5[%get3A_38] : memref<128xf32, #tpu.memory_space<vmem>>, vector<128xf32>
    %broadcast_in_dim3A_40 = vector.shape_cast %get3A_39 : vector<128xf32> to vector<1x128xf32>
    %mul3A_41 = vector.broadcast %broadcast_in_dim3A_40 : vector<1x128xf32> to vector<10000x128xf32>
    %mul3A_42 = arith.mulf %div3A_37, %mul3A_41 : vector<10000x128xf32>
    %get3A_43 = arith.constant 0 : index
    %get3A_44 = vector.load %arg6[%get3A_43] : memref<128xf32, #tpu.memory_space<vmem>>, vector<128xf32>
    %broadcast_in_dim3A_45 = vector.shape_cast %get3A_44 : vector<128xf32> to vector<1x128xf32>
    %add3A_46 = vector.broadcast %broadcast_in_dim3A_45 : vector<1x128xf32> to vector<10000x128xf32>
    %add3A_47 = arith.addf %mul3A_42, %add3A_46 : vector<10000x128xf32>
    %max3A = arith.constant 0.000000e+00 : f32
    %max3A_48 = vector.broadcast %max3A : f32 to vector<10000x128xf32>
    %max3A_49 = arith.maximumf %add3A_47, %max3A_48 : vector<10000x128xf32>
    %get3A_50 = arith.constant 0 : index
    %get3A_51 = arith.constant 0 : index
    %get3A_52 = vector.load %arg3[%get3A_50, %get3A_51] : memref<10000x128xf32, #tpu.memory_space<vmem>>, vector<10000x128xf32>
    %add3A_53 = arith.addf %max3A_49, %get3A_52 : vector<10000x128xf32>
    %swap3A = arith.constant 0 : index
    %swap3A_54 = arith.constant 0 : index
    %swap3A_55 = vector.load %arg8[%swap3A, %swap3A_54] : memref<10000x128xf32, #tpu.memory_space<vmem>>, vector<10000x128xf32>
    tpu.vector_store %arg8[%swap3A, %swap3A_54], %add3A_53 {strides = array<i32>} : memref<10000x128xf32, #tpu.memory_space<vmem>>, vector<10000x128xf32>,
    %get3A_56 = arith.constant 0 : index
    %get3A_57 = arith.constant 0 : index
    %get3A_58 = vector.load %arg7[%get3A_56, %get3A_57] : memref<128x128xf32, #tpu.memory_space<vmem>>, vector<128x128xf32>
    %dot_general3A = arith.constant dense<0.000000e+00> : vector<10000x128xf32>
    %dot_general3A_59 = tpu.matmul %add3A_53, %get3A_58, %dot_general3A {dimension_numbers = #tpu.dot_dimension_numbers<[1], [0], [0], [1], [0, 0, 1, 1], [], []>, transpose_lhs_hint = false} : vector<10000x128xf32>, vector<128x128xf32>, vector<10000x128xf32> -> vector<10000x128xf32>
    %mul3A_60 = arith.mulf %get3A_1, %dot_general3A_59 : vector<10000x128xf32>
    %swap3A_61 = arith.constant 0 : index
    %swap3A_62 = arith.constant 0 : index
    %swap3A_63 = vector.load %arg9[%swap3A_61, %swap3A_62] : memref<10240x128xf32, #tpu.memory_space<vmem>>, vector<10000x128xf32>
    tpu.vector_store %arg9[%swap3A_61, %swap3A_62], %mul3A_60 {strides = array<i32>} : memref<10240x128xf32, #tpu.memory_space<vmem>>, vector<10000x128xf32>,
    %broadcast_in_dim3A_64 = arith.constant 0.000000e+00 : f32
    %broadcast_in_dim3A_65 = vector.broadcast %broadcast_in_dim3A_64 : f32 to vector<240x128xf32>
    %swap3A_66 = arith.constant 10000 : index
    %swap3A_67 = arith.constant 0 : index
    %swap3A_68 = vector.load %arg9[%swap3A_66, %swap3A_67] : memref<10240x128xf32, #tpu.memory_space<vmem>>, vector<240x128xf32>
    tpu.vector_store %arg9[%swap3A_66, %swap3A_67], %broadcast_in_dim3A_65 {strides = array<i32>} : memref<10240x128xf32, #tpu.memory_space<vmem>>, vector<240x128xf32>,
    return
  }
}

module attributes {stable_mosaic.version = 14 : i64} {
  func.func @_tc_layer_body(%arg0: memref<2x10240x128xf32, #tpu.memory_space<vmem>>, %arg1: memref<10240x128xf32, #tpu.memory_space<vmem>>, %arg2: memref<10000x128xf32, #tpu.memory_space<vmem>>, %arg3: memref<10000x128xf32, #tpu.memory_space<vmem>>, %arg4: memref<128xf32, #tpu.memory_space<vmem>>, %arg5: memref<128xf32, #tpu.memory_space<vmem>>, %arg6: memref<128xf32, #tpu.memory_space<vmem>>, %arg7: memref<10000x128xf32, #tpu.memory_space<vmem>>) attributes {dimension_semantics = [], scalar_prefetch = 0 : i64, scratch_operands = 0 : i64, tpu.core_type = #tpu.core_type<tc>} {
    %get3A = arith.constant 0 : index
    %get3A_0 = arith.constant 0 : index
    %get3A_1 = vector.load %arg2[%get3A, %get3A_0] : memref<10000x128xf32, #tpu.memory_space<vmem>>, vector<10000x128xf32>
    %get3A_2 = arith.constant 0 : index
    %get3A_3 = arith.constant 0 : index
    %get3A_4 = arith.constant 0 : index
    %get3A_5 = vector.load %arg0[%get3A_2, %get3A_3, %get3A_4] : memref<2x10240x128xf32, #tpu.memory_space<vmem>>, vector<1x10000x128xf32>
    %get3A_6 = vector.shape_cast %get3A_5 : vector<1x10000x128xf32> to vector<10000x128xf32>
    %get3A_7 = arith.constant 1 : index
    %get3A_8 = arith.constant 0 : index
    %get3A_9 = arith.constant 0 : index
    %get3A_10 = vector.load %arg0[%get3A_7, %get3A_8, %get3A_9] : memref<2x10240x128xf32, #tpu.memory_space<vmem>>, vector<1x10000x128xf32>
    %get3A_11 = vector.shape_cast %get3A_10 : vector<1x10000x128xf32> to vector<10000x128xf32>
    %add3A = arith.addf %get3A_6, %get3A_11 : vector<10000x128xf32>
    %get3A_12 = arith.constant 0 : index
    %get3A_13 = arith.constant 0 : index
    %get3A_14 = vector.load %arg1[%get3A_12, %get3A_13] : memref<10240x128xf32, #tpu.memory_space<vmem>>, vector<10000x128xf32>
    %add3A_15 = arith.addf %add3A, %get3A_14 : vector<10000x128xf32>
    %mul3A = arith.mulf %get3A_1, %add3A_15 : vector<10000x128xf32>
    %get3A_16 = arith.constant 0 : index
    %get3A_17 = vector.load %arg4[%get3A_16] : memref<128xf32, #tpu.memory_space<vmem>>, vector<128xf32>
    %broadcast_in_dim3A = vector.shape_cast %get3A_17 : vector<128xf32> to vector<1x128xf32>
    %add3A_18 = vector.broadcast %broadcast_in_dim3A : vector<1x128xf32> to vector<10000x128xf32>
    %add3A_19 = arith.addf %mul3A, %add3A_18 : vector<10000x128xf32>
    %reduce_sum3A = arith.constant dense<0.000000e+00> : vector<128xf32>
    %reduce_sum3A_20 = vector.multi_reduction <add>, %add3A_19, %reduce_sum3A [0] : vector<10000x128xf32> to vector<128xf32>
    %broadcast_in_dim3A_21 = vector.shape_cast %reduce_sum3A_20 : vector<128xf32> to vector<1x128xf32>
    %div3A = arith.constant 1.000000e+04 : f32
    %div3A_22 = vector.broadcast %div3A : f32 to vector<1x128xf32>
    %div3A_23 = arith.divf %broadcast_in_dim3A_21, %div3A_22 : vector<1x128xf32>
    %sub3A = vector.broadcast %div3A_23 : vector<1x128xf32> to vector<10000x128xf32>
    %sub3A_24 = arith.subf %add3A_19, %sub3A : vector<10000x128xf32>
    %integer_pow3A = arith.mulf %sub3A_24, %sub3A_24 : vector<10000x128xf32>
    %reduce_sum3A_25 = arith.constant dense<0.000000e+00> : vector<128xf32>
    %reduce_sum3A_26 = vector.multi_reduction <add>, %integer_pow3A, %reduce_sum3A_25 [0] : vector<10000x128xf32> to vector<128xf32>
    %broadcast_in_dim3A_27 = vector.shape_cast %reduce_sum3A_26 : vector<128xf32> to vector<1x128xf32>
    %div3A_28 = arith.constant 1.000000e+04 : f32
    %div3A_29 = vector.broadcast %div3A_28 : f32 to vector<1x128xf32>
    %div3A_30 = arith.divf %broadcast_in_dim3A_27, %div3A_29 : vector<1x128xf32>
    %sub3A_31 = vector.broadcast %div3A_23 : vector<1x128xf32> to vector<10000x128xf32>
    %sub3A_32 = arith.subf %add3A_19, %sub3A_31 : vector<10000x128xf32>
    %add3A_33 = arith.constant 9.99999974E-6 : f32
    %add3A_34 = vector.broadcast %add3A_33 : f32 to vector<1x128xf32>
    %add3A_35 = arith.addf %div3A_30, %add3A_34 : vector<1x128xf32>
    %sqrt3A = math.sqrt %add3A_35 : vector<1x128xf32>
    %div3A_36 = vector.broadcast %sqrt3A : vector<1x128xf32> to vector<10000x128xf32>
    %div3A_37 = arith.divf %sub3A_32, %div3A_36 : vector<10000x128xf32>
    %get3A_38 = arith.constant 0 : index
    %get3A_39 = vector.load %arg5[%get3A_38] : memref<128xf32, #tpu.memory_space<vmem>>, vector<128xf32>
    %broadcast_in_dim3A_40 = vector.shape_cast %get3A_39 : vector<128xf32> to vector<1x128xf32>
    %mul3A_41 = vector.broadcast %broadcast_in_dim3A_40 : vector<1x128xf32> to vector<10000x128xf32>
    %mul3A_42 = arith.mulf %div3A_37, %mul3A_41 : vector<10000x128xf32>
    %get3A_43 = arith.constant 0 : index
    %get3A_44 = vector.load %arg6[%get3A_43] : memref<128xf32, #tpu.memory_space<vmem>>, vector<128xf32>
    %broadcast_in_dim3A_45 = vector.shape_cast %get3A_44 : vector<128xf32> to vector<1x128xf32>
    %add3A_46 = vector.broadcast %broadcast_in_dim3A_45 : vector<1x128xf32> to vector<10000x128xf32>
    %add3A_47 = arith.addf %mul3A_42, %add3A_46 : vector<10000x128xf32>
    %max3A = arith.constant 0.000000e+00 : f32
    %max3A_48 = vector.broadcast %max3A : f32 to vector<10000x128xf32>
    %max3A_49 = arith.maximumf %add3A_47, %max3A_48 : vector<10000x128xf32>
    %get3A_50 = arith.constant 0 : index
    %get3A_51 = arith.constant 0 : index
    %get3A_52 = vector.load %arg3[%get3A_50, %get3A_51] : memref<10000x128xf32, #tpu.memory_space<vmem>>, vector<10000x128xf32>
    %add3A_53 = arith.addf %max3A_49, %get3A_52 : vector<10000x128xf32>
    %swap3A = arith.constant 0 : index
    %swap3A_54 = arith.constant 0 : index
    %swap3A_55 = vector.load %arg7[%swap3A, %swap3A_54] : memref<10000x128xf32, #tpu.memory_space<vmem>>, vector<10000x128xf32>
    tpu.vector_store %arg7[%swap3A, %swap3A_54], %add3A_53 {strides = array<i32>} : memref<10000x128xf32, #tpu.memory_space<vmem>>, vector<10000x128xf32>,
    return
  }
}

module attributes {stable_mosaic.version = 14 : i64} {
  func.func @_tc_pool_body(%arg0: memref<10000x128xf32, #tpu.memory_space<vmem>>, %arg1: memref<10000x128xf32, #tpu.memory_space<vmem>>, %arg2: memref<10000x128xf32, #tpu.memory_space<vmem>>, %arg3: memref<10000x128xf32, #tpu.memory_space<vmem>>, %arg4: memref<1x10000xi32, #tpu.memory_space<vmem>>, %arg5: memref<128x64xf32, #tpu.memory_space<vmem>>, %arg6: memref<64xf32, #tpu.memory_space<vmem>>, %arg7: memref<64xf32, #tpu.memory_space<vmem>>, %arg8: memref<64xf32, #tpu.memory_space<vmem>>, %arg9: memref<64x1xf32, #tpu.memory_space<vmem>>, %arg10: memref<1xf32, #tpu.memory_space<vmem>>, %arg11: memref<32x1xf32, #tpu.memory_space<vmem>>) attributes {dimension_semantics = [], scalar_prefetch = 0 : i64, scratch_operands = 0 : i64, tpu.core_type = #tpu.core_type<tc>} {
    %get3A = arith.constant 0 : index
    %get3A_0 = arith.constant 0 : index
    %get3A_1 = vector.load %arg0[%get3A, %get3A_0] : memref<10000x128xf32, #tpu.memory_space<vmem>>, vector<10000x128xf32>
    %get3A_2 = arith.constant 0 : index
    %get3A_3 = arith.constant 0 : index
    %get3A_4 = vector.load %arg1[%get3A_2, %get3A_3] : memref<10000x128xf32, #tpu.memory_space<vmem>>, vector<10000x128xf32>
    %max3A = arith.maximumf %get3A_1, %get3A_4 : vector<10000x128xf32>
    %get3A_5 = arith.constant 0 : index
    %get3A_6 = arith.constant 0 : index
    %get3A_7 = vector.load %arg2[%get3A_5, %get3A_6] : memref<10000x128xf32, #tpu.memory_space<vmem>>, vector<10000x128xf32>
    %get3A_8 = arith.constant 0 : index
    %get3A_9 = arith.constant 0 : index
    %get3A_10 = vector.load %arg3[%get3A_8, %get3A_9] : memref<10000x128xf32, #tpu.memory_space<vmem>>, vector<10000x128xf32>
    %max3A_11 = arith.maximumf %get3A_7, %get3A_10 : vector<10000x128xf32>
    %max3A_12 = arith.maximumf %max3A, %max3A_11 : vector<10000x128xf32>
    %get3A_13 = arith.constant 0 : index
    %get3A_14 = arith.constant 0 : index
    %get3A_15 = vector.load %arg4[%get3A_13, %get3A_14] : memref<1x10000xi32, #tpu.memory_space<vmem>>, vector<1x10000xi32>
    %iota3A = tpu.iota {dimensions = array<i32: 0>} : vector<32x10000xi32>
    %eq3A = vector.broadcast %get3A_15 : vector<1x10000xi32> to vector<32x10000xi32>
    %eq3A_16 = arith.cmpi eq, %eq3A, %iota3A : vector<32x10000xi32>
    %convert_element_type3A = arith.extui %eq3A_16 : vector<32x10000xi1> to vector<32x10000xi32>
    %convert_element_type3A_17 = arith.sitofp %convert_element_type3A : vector<32x10000xi32> to vector<32x10000xf32>
    %reduce_sum3A = arith.constant dense<0.000000e+00> : vector<32xf32>
    %reduce_sum3A_18 = vector.multi_reduction <add>, %convert_element_type3A_17, %reduce_sum3A [1] : vector<32x10000xf32> to vector<32xf32>
    %broadcast_in_dim3A = vector.shape_cast %reduce_sum3A_18 : vector<32xf32> to vector<32x1xf32>
    %max3A_19 = arith.constant 1.000000e+00 : f32
    %max3A_20 = vector.broadcast %max3A_19 : f32 to vector<32x1xf32>
    %max3A_21 = arith.maximumf %broadcast_in_dim3A, %max3A_20 : vector<32x1xf32>
    %dot_general3A = arith.constant dense<0.000000e+00> : vector<32x128xf32>
    %dot_general3A_22 = tpu.matmul %convert_element_type3A_17, %max3A_12, %dot_general3A {dimension_numbers = #tpu.dot_dimension_numbers<[1], [0], [0], [1], [0, 0, 1, 1], [], []>, precision = #tpu.contract_precision<fp32>, transpose_lhs_hint = false} : vector<32x10000xf32>, vector<10000x128xf32>, vector<32x128xf32> -> vector<32x128xf32>
    %div3A = vector.broadcast %max3A_21 : vector<32x1xf32> to vector<32x128xf32>
    %div3A_23 = arith.divf %dot_general3A_22, %div3A : vector<32x128xf32>
    %get3A_24 = arith.constant 0 : index
    %get3A_25 = arith.constant 0 : index
    %get3A_26 = vector.load %arg5[%get3A_24, %get3A_25] : memref<128x64xf32, #tpu.memory_space<vmem>>, vector<128x64xf32>
    %dot_general3A_27 = arith.constant dense<0.000000e+00> : vector<32x64xf32>
    %dot_general3A_28 = tpu.matmul %div3A_23, %get3A_26, %dot_general3A_27 {dimension_numbers = #tpu.dot_dimension_numbers<[1], [0], [0], [1], [0, 0, 1, 1], [], []>, transpose_lhs_hint = false} : vector<32x128xf32>, vector<128x64xf32>, vector<32x64xf32> -> vector<32x64xf32>
    %get3A_29 = arith.constant 0 : index
    %get3A_30 = vector.load %arg6[%get3A_29] : memref<64xf32, #tpu.memory_space<vmem>>, vector<64xf32>
    %broadcast_in_dim3A_31 = vector.shape_cast %get3A_30 : vector<64xf32> to vector<1x64xf32>
    %add3A = vector.broadcast %broadcast_in_dim3A_31 : vector<1x64xf32> to vector<32x64xf32>
    %add3A_32 = arith.addf %dot_general3A_28, %add3A : vector<32x64xf32>
    %reduce_sum3A_33 = arith.constant dense<0.000000e+00> : vector<64xf32>
    %reduce_sum3A_34 = vector.multi_reduction <add>, %add3A_32, %reduce_sum3A_33 [0] : vector<32x64xf32> to vector<64xf32>
    %broadcast_in_dim3A_35 = vector.shape_cast %reduce_sum3A_34 : vector<64xf32> to vector<1x64xf32>
    %div3A_36 = arith.constant 3.200000e+01 : f32
    %div3A_37 = vector.broadcast %div3A_36 : f32 to vector<1x64xf32>
    %div3A_38 = arith.divf %broadcast_in_dim3A_35, %div3A_37 : vector<1x64xf32>
    %sub3A = vector.broadcast %div3A_38 : vector<1x64xf32> to vector<32x64xf32>
    %sub3A_39 = arith.subf %add3A_32, %sub3A : vector<32x64xf32>
    %integer_pow3A = arith.mulf %sub3A_39, %sub3A_39 : vector<32x64xf32>
    %reduce_sum3A_40 = arith.constant dense<0.000000e+00> : vector<64xf32>
    %reduce_sum3A_41 = vector.multi_reduction <add>, %integer_pow3A, %reduce_sum3A_40 [0] : vector<32x64xf32> to vector<64xf32>
    %broadcast_in_dim3A_42 = vector.shape_cast %reduce_sum3A_41 : vector<64xf32> to vector<1x64xf32>
    %div3A_43 = arith.constant 3.200000e+01 : f32
    %div3A_44 = vector.broadcast %div3A_43 : f32 to vector<1x64xf32>
    %div3A_45 = arith.divf %broadcast_in_dim3A_42, %div3A_44 : vector<1x64xf32>
    %sub3A_46 = vector.broadcast %div3A_38 : vector<1x64xf32> to vector<32x64xf32>
    %sub3A_47 = arith.subf %add3A_32, %sub3A_46 : vector<32x64xf32>
    %add3A_48 = arith.constant 9.99999974E-6 : f32
    %add3A_49 = vector.broadcast %add3A_48 : f32 to vector<1x64xf32>
    %add3A_50 = arith.addf %div3A_45, %add3A_49 : vector<1x64xf32>
    %sqrt3A = math.sqrt %add3A_50 : vector<1x64xf32>
    %div3A_51 = vector.broadcast %sqrt3A : vector<1x64xf32> to vector<32x64xf32>
    %div3A_52 = arith.divf %sub3A_47, %div3A_51 : vector<32x64xf32>
    %get3A_53 = arith.constant 0 : index
    %get3A_54 = vector.load %arg7[%get3A_53] : memref<64xf32, #tpu.memory_space<vmem>>, vector<64xf32>
    %broadcast_in_dim3A_55 = vector.shape_cast %get3A_54 : vector<64xf32> to vector<1x64xf32>
    %mul3A = vector.broadcast %broadcast_in_dim3A_55 : vector<1x64xf32> to vector<32x64xf32>
    %mul3A_56 = arith.mulf %div3A_52, %mul3A : vector<32x64xf32>
    %get3A_57 = arith.constant 0 : index
    %get3A_58 = vector.load %arg8[%get3A_57] : memref<64xf32, #tpu.memory_space<vmem>>, vector<64xf32>
    %broadcast_in_dim3A_59 = vector.shape_cast %get3A_58 : vector<64xf32> to vector<1x64xf32>
    %add3A_60 = vector.broadcast %broadcast_in_dim3A_59 : vector<1x64xf32> to vector<32x64xf32>
    %add3A_61 = arith.addf %mul3A_56, %add3A_60 : vector<32x64xf32>
    %max3A_62 = arith.constant 0.000000e+00 : f32
    %max3A_63 = vector.broadcast %max3A_62 : f32 to vector<32x64xf32>
    %max3A_64 = arith.maximumf %add3A_61, %max3A_63 : vector<32x64xf32>
    %convert_element_type3A_65 = arith.truncf %max3A_64 : vector<32x64xf32> to vector<32x64xbf16>
    %convert_element_type3A_66 = arith.extf %convert_element_type3A_65 : vector<32x64xbf16> to vector<32x64xf32>
    %get3A_67 = arith.constant 0 : index
    %get3A_68 = arith.constant 0 : index
    %get3A_69 = vector.load %arg9[%get3A_67, %get3A_68] : memref<64x1xf32, #tpu.memory_space<vmem>>, vector<64x1xf32>
    %squeeze3A = vector.shape_cast %get3A_69 : vector<64x1xf32> to vector<64xf32>
    %broadcast_in_dim3A_70 = vector.shape_cast %squeeze3A : vector<64xf32> to vector<1x64xf32>
    %convert_element_type3A_71 = arith.truncf %broadcast_in_dim3A_70 : vector<1x64xf32> to vector<1x64xbf16>
    %convert_element_type3A_72 = arith.extf %convert_element_type3A_71 : vector<1x64xbf16> to vector<1x64xf32>
    %mul3A_73 = vector.broadcast %convert_element_type3A_72 : vector<1x64xf32> to vector<32x64xf32>
    %mul3A_74 = arith.mulf %convert_element_type3A_66, %mul3A_73 : vector<32x64xf32>
    %reduce_sum3A_75 = arith.constant dense<0.000000e+00> : vector<32xf32>
    %reduce_sum3A_76 = vector.multi_reduction <add>, %mul3A_74, %reduce_sum3A_75 [1] : vector<32x64xf32> to vector<32xf32>
    %broadcast_in_dim3A_77 = vector.shape_cast %reduce_sum3A_76 : vector<32xf32> to vector<32x1xf32>
    %get3A_78 = arith.constant 0 : index
    %get3A_79 = vector.load %arg10[%get3A_78] : memref<1xf32, #tpu.memory_space<vmem>>, vector<1xf32>
    %broadcast_in_dim3A_80 = vector.shape_cast %get3A_79 : vector<1xf32> to vector<1x1xf32>
    %add3A_81 = vector.broadcast %broadcast_in_dim3A_80 : vector<1x1xf32> to vector<32x1xf32>
    %add3A_82 = arith.addf %broadcast_in_dim3A_77, %add3A_81 : vector<32x1xf32>
    %swap3A = arith.constant 0 : index
    %swap3A_83 = arith.constant 0 : index
    %swap3A_84 = vector.load %arg11[%swap3A, %swap3A_83] : memref<32x1xf32, #tpu.memory_space<vmem>>, vector<32x1xf32>
    tpu.vector_store %arg11[%swap3A, %swap3A_83], %add3A_82 {strides = array<i32>} : memref<32x1xf32, #tpu.memory_space<vmem>>, vector<32x1xf32>,
    return
  }
}

</mosaic_0001>

<sc_bundles>
// kernel: kernel.19.cloned.1.call-start
scs
__scs_entry_jumppad:
0x0: {  	(pc) =	sbr.rel $0x88, $3  }
0x1: {  	(tag) =	ssettag $0x0;
	lr =	simm.s32 $0x1  }
0x2: {  	[smem:$0x3F8D] =	sst lr;
	_ =	strace $0xD0000000  }
0x3: {  	_ = 	snop  }
0x4: {  	_ = 	snop  }
0x5: {  	_ = 	snop  }
0x6: {  	_ = 	snop  }
0x7: {  	_ = 	snop  }
__scs_overlays_trampoline_lowered:
0x8: {  	[smem:$0x3F9C] =	sst s0  }
0x9: {  	[smem:$0x3F9D] =	sst s1  }
0xa: {  	[smem:$0x3F9E] =	sst s2  }
0xb: {  	[smem:$0x3F9F] =	sst s3  }
0xc: {  	[smem:$0x3FA0] =	sst s4  }
0xd: {  	[smem:$0x3FA1] =	sst s5  }
0xe: {  	[smem:$0x3FA2] =	sst s6  }
0xf: {  	[smem:$0x3FA3] =	sst s7  }
0x10: {  	[smem:$0x3FA4] =	sst s8  }
0x11: {  	[smem:$0x3FA5] =	sst s9;
	s0 =	simm.s32 @!p0 $0x0  }
0x12: {  	s1 =	sld [smem:$0x3F8B];
	s0 =	simm.s32 @p0 $0x1  }
0x13: {  	[smem:$0x3FA6] =	sst s0;
	s0 =	simm.s32 @!p1 $0x0  }
0x14: {  	s2 =	sld [smem:$0x3F8A];
	s0 =	simm.s32 @p1 $0x1  }
0x15: {  	[smem:$0x3FA7] =	sst s0;
	s0 =	simm.s32 @!p2 $0x0  }
0x16: {  	s3 =	sld [smem:$0x3FDB];
	s0 =	simm.s32 @p2 $0x1  }
0x17: {  	s4 =	simm.s32 $0x1BF5;
	[smem:$0x3FA9] =	sst s0  }
0x18: {  	s0 =	sld [smem:$0x3F8C];
	_ =	swait.ge [sflag:s4], $0x0  }
0x19: {  	s7 =	sld [smem:$0x3F8D]  }
0x1a: {  	s8 =	sadd.s32 $0xFFFFE003, lr  }
0x1b: {  	s9 =	sadd.s32 $0xFFFFFEF7, lr;
	s5 =	simm.s32 $0xFFFFFFFF;
	p2 =	slt.u32 s8, $0xFFFFF086  }
0x1c: {  	p1 =	slt.u32 s9, $0xF7A;
	s5 =	simm.s32 @!p2 $0x0  }
0x1d: {  	s5 =	simm.s32 @p1 $0x1;
	p0 =	seq.s32 s7, s2  }
0x1e: {  	s7 =	smul.u32 @!p0 $0xF7A, s2;
	p2 =	seq.s32 @!p0 s5, $0x0  }
0x1f: {  	s9 =	smul.u32 $0xF7A, s1;
	s8 =	simm.s32 @!p0 $0x1BF5;
	p2 =	por !p2, p0  }
0x20: {  	[sflag:s8] =	ssyncset.s32 @!p0 $0xFFFFF086;
	s6 =	sadd.s32 @!p0 s3, s7;
	s7 =	simm.s32 @!p0 $0x108  }
0x21: {  	s3 =	sadd.s32 s3, s9;
	s6 =	sadd.s32 @!p0 $0x88, s6;
	s7 =	simm.s32 @p2 $0x1082  }
0x22: {  	[simem:s7], [sflag:s8] =	dma.local @!p0 [hbm:s6], $0xF7A  }
0x23: {  	s9 =	sor.u32 $0xD0000000, s2;
	s6 =	simm.s32 $0x108;
	_ =	swait.ge @!p0 [sflag:s8], $0x0  }
0x24: {  	s3 =	sadd.s32 $0x88, s3;
	s6 =	simm.s32 @!p1 $0x1082;
	[sflag:s4] =	ssyncset.s32 $0xFFFFF086  }
0x25: {  	[simem:s6], [sflag:s4] =	dma.local [hbm:s3], $0xF7A  }
0x26: {  	[smem:$0x3F8D] =	sst s1;
	(tag) =	ssettag s2;
	_ =	strace s9  }
0x27: {  	s1 =	sld [smem:$0x3F9D]  }
0x28: {  	s2 =	sld [smem:$0x3F9E]  }
0x29: {  	s4 =	sld [smem:$0x3FA0]  }
0x2a: {  	p0 =	seq.s32 s5, $0x0;
	s5 =	sld [smem:$0x3FA1]  }
0x2b: {  	s6 =	sld [smem:$0x3FA2]  }
0x2c: {  	s7 =	sld [smem:$0x3FA3]  }
0x2d: {  	s3 =	simm.s32 $0x108;
	s8 =	sld [smem:$0x3FA4]  }
0x2e: {  	s3 =	simm.s32 @!p0 $0x1082;
	s9 =	sld [smem:$0x3FA5]  }
0x2f: {  	lr =	sadd.s32 s0, s3;
	s0 =	sld [smem:$0x3F9C]  }
0x30: {  	s3 =	sld [smem:$0x3F9F]  }
0x31: {  	[smem:$0x3FA8] =	sst s10  }
0x32: {  	s10 =	sld [smem:$0x3FA6];
	_ =	sdelay $0x3  }
0x33: {  	p0 =	seq.s32 s10, $0x1;
	s10 =	sld [smem:$0x3FA8];
	_ =	sdelay $0x3  }
0x34: {  	[smem:$0x3FA8] =	sst s10  }
0x35: {  	s10 =	sld [smem:$0x3FA7];
	_ =	sdelay $0x3  }
0x36: {  	p1 =	seq.s32 s10, $0x1;
	s10 =	sld [smem:$0x3FA8];
	_ =	sdelay $0x3  }
0x37: {  	[smem:$0x3FA8] =	sst s10  }
0x38: {  	s10 =	sld [smem:$0x3FA9]  }
0x39: {  	_ = 	snop;
	(pc) =	sbr.ind lr, $3  }
0x3a: {  	_ = 	snop  }
0x3b: {  	_ = 	snop  }
0x3c: {  	p2 =	seq.s32 s10, $0x1;
	s10 =	sld [smem:$0x3FA8]  }
0x3d: {  	_ =	shalt  }
0x3e: {  	_ =	shalt  }
0x3f: {  	_ =	shalt  }
0x40: {  	_ =	shalt  }
0x41: {  	_ =	shalt  }
0x42: {  	_ =	shalt  }
0x43: {  	_ =	shalt  }
0x44: {  	_ =	shalt  }
0x45: {  	_ =	shalt  }
0x46: {  	_ =	shalt  }
0x47: {  	_ =	shalt  }
0x48: {  	_ =	shalt  }
0x49: {  	_ =	shalt  }
0x4a: {  	_ =	shalt  }
0x4b: {  	_ =	shalt  }
0x4c: {  	_ =	shalt  }
0x4d: {  	_ =	shalt  }
0x4e: {  	_ =	shalt  }
0x4f: {  	_ =	shalt  }
0x50: {  	_ =	shalt  }
0x51: {  	_ =	shalt  }
0x52: {  	_ =	shalt  }
0x53: {  	_ =	shalt  }
0x54: {  	_ =	shalt  }
0x55: {  	_ =	shalt  }
0x56: {  	_ =	shalt  }
0x57: {  	_ =	shalt  }
0x58: {  	_ =	shalt  }
0x59: {  	_ =	shalt  }
0x5a: {  	_ =	shalt  }
0x5b: {  	_ =	shalt  }
0x5c: {  	_ =	shalt  }
0x5d: {  	_ =	shalt  }
0x5e: {  	_ =	shalt  }
0x5f: {  	_ =	shalt  }
0x60: {  	_ =	shalt  }
0x61: {  	_ =	shalt  }
0x62: {  	_ =	shalt  }
0x63: {  	_ =	shalt  }
0x64: {  	_ =	shalt  }
0x65: {  	_ =	shalt  }
0x66: {  	_ =	shalt  }
0x67: {  	_ =	shalt  }
0x68: {  	_ =	shalt  }
0x69: {  	_ =	shalt  }
0x6a: {  	_ =	shalt  }
0x6b: {  	_ =	shalt  }
0x6c: {  	_ =	shalt  }
0x6d: {  	_ =	shalt  }
0x6e: {  	_ =	shalt  }
0x6f: {  	_ =	shalt  }
0x70: {  	_ =	shalt  }
0x71: {  	_ =	shalt  }
0x72: {  	_ =	shalt  }
0x73: {  	_ =	shalt  }
0x74: {  	_ =	shalt  }
0x75: {  	_ =	shalt  }
0x76: {  	_ =	shalt  }
0x77: {  	_ =	shalt  }
0x78: {  	_ =	shalt  }
0x79: {  	_ =	shalt  }
0x7a: {  	_ =	shalt  }
0x7b: {  	_ =	shalt  }
0x7c: {  	_ =	shalt  }
0x7d: {  	_ =	shalt  }
0x7e: {  	_ =	shalt  }
0x7f: {  	_ =	shalt  }
0x80: {  	_ =	shalt  }
0x81: {  	_ =	shalt  }
0x82: {  	_ =	shalt  }
0x83: {  	_ =	shalt  }
0x84: {  	_ =	shalt  }
0x85: {  	_ =	shalt  }
0x86: {  	_ =	shalt  }
0x87: {  	_ =	shalt  }
.Lfunc_end0:
.L_simem_size_0:
called_computation_lowered:
.L_overlay_start_0:
0x88: {  	s2 =	sld [smem:$0x3FD9]  }
0x89: {  	s3 =	sld [smem:$0x3FFE];
	_ =	sdelay $0x1  }
0x8a: {  	s1 =	srdreg.scid  }
0x8b: {  	s0 =	sand.u32 $0x1, s1  }
0x8c: {  	s17 =	sshll.u32 s0, $0xA;
	s2 =	sadd.s32 s3, s2  }
0x8d: {  	s2 =	sadd.s32 s2, s17  }
0x8e: {  	[smem:$0x3FB4] =	sst s2  }
0x8f: {  	_ = 	snop  }
0x90: {  	(tm) =	ssettm $0x1  }
0x91: {  	s18 =	sld [smem:$0x3FFB];
	_ =	sdelay $0x3  }
0x92: {  	_ =	strace s18  }
0x93: {  	s2 =	sld [smem:$0x3FFC];
	_ =	sdelay $0x3  }
0x94: {  	_ =	strace s2  }
0x95: {  	s2 =	sld [smem:$0x3FFD];
	_ =	sdelay $0x3  }
0x96: {  	_ =	strace s2  }
0x97: {  	_ =	strace $0x8FFFFFFF  }
0x98: {  	s19 =	sld [smem:$0x3FDB];
	_ =	sdelay $0x1  }
0x99: {  	s20 =	simm.s32 $_scs_section_size  }
0x9a: {  	s4 =	simm.s32 $_size__tile_overlayer_lowered;
	s5 =	simm.s32 $_tile_overlayer_lowered  }
0x9b: {  	s6 =	simm.s32 $0x1BFF;
	s21 =	sshll.u32 s5, $0x1;
	s3 =	sadd.s32 s20, s19  }
0x9c: {  	s22 =	simm.s32 $0x0;
	s4 =	sshll.u32 s4, $0x1;
	s5 =	sadd.s32 s21, s3  }
0x9d: {  	[timem:s22], [sflag:s6] =	dma.local [hbm:s5], s4  }
0x9e: {  	_ =	swait.ge [sflag:s6], s4  }
0x9f: {  	s4 =	ssub.s32 $0x0, s4;
	[sflag:s6] =	ssyncset.done $0x0  }
0xa0: {  	[sflag:s6] =	ssyncadd.s32 s4;
	_ =	sdelay $0x1  }
0xa1: {  	s23 =	simm.s32 $0x1B8B  }
0xa2: {  	_ =	swait.ge [sflag:s23], $0x1  }
0xa3: {  	[sflag:s23] =	ssyncset.done $0x0  }
0xa4: {  	[sflag:s23] =	ssyncadd.s32 $0xFFFFFFFF  }
0xa5: {  	s4 =	sld [smem:$0x0]  }
0xa6: {  	s5 =	sand.u32 $0xFFFFFFFE, s1  }
0xa7: {  	p0 =	sne.s32 s1, s5  }
0xa8: {  	s5 =	sshll.u32 @p0 s5, $0xE  }
0xa9: {  	s5 =	sadd.s32 @p0 $0x11B8D, s5;
	s6 =	sshll.u32 @p0 s4, $0x11  }
0xaa: {  	s5 =	sor.u32 @p0 s6, s5  }
0xab: {  	[sflag:s5] =	ssyncadd.remote.s32 @p0 $0x1;
	_ =	sdelay $0x1  }
0xac: {  	s5 =	simm.s32 @p0 $0x1B8D  }
0xad: {  	_ =	swait.eq @p0 [sflag:s5], $0x1  }
0xae: {  	[sflag:s5] =	ssyncadd.s32 @p0 $0xFFFFFFFF  }
0xaf: {  	s6 =	sshll.u32 @!p0 s1, $0xE  }
0xb0: {  	s6 =	sor.u32 @!p0 $0x4000, s6;
	s5 =	simm.s32 @!p0 $0x1B8D  }
0xb1: {  	s4 =	sshll.u32 @!p0 s4, $0x11;
	s6 =	sadd.s32 @!p0 $0x11B8D, s6;
	_ =	swait.eq @!p0 [sflag:s5], $0x1  }
0xb2: {  	s4 =	sor.u32 @!p0 s4, s6;
	[sflag:s5] =	ssyncadd.s32 @!p0 $0xFFFFFFFF  }
0xb3: {  	s25 =	simm.s32 $0x1B8E;
	s24 =	sld [smem:$0x3FFE];
	[sflag:s4] =	ssyncadd.remote.s32 @!p0 $0x1  }
0xb4: {  	s26 =	simm.s32 $execute0_lowered;
	[smem:$0x3FD2] =	sst s25  }
0xb5: {  	s5 =	sshll.u32 s26, $0x1;
	_ =	strace $0x8000004C;
	[dreg:$0x1] =	wrdreg $0xFFFFFFFF  }
0xb6: {  	s28 =	simm.s32 $_size_execute0_lowered;
	s3 =	sadd.s32 s3, s5;
	[dreg:$0x0] =	wrdreg $0x0  }
0xb7: {  	s5 =	sshll.u32 s28, $0x1;
	[dreg:$0x2] =	wrdreg s3  }
0xb8: {  	[dreg:$0x3] =	wrdreg s5  }
0xb9: {  	[dreg:$0x4] =	wrdreg $0xC0  }
0xba: {  	_ =	task [dreg:s22], $0x5FFFF  }
0xbb: {  	[dreg:$0x1] =	wrdreg $0xFFFFFFFF  }
0xbc: {  	[dreg:$0x0] =	wrdreg $0x60  }
0xbd: {  	[dreg:$0x2] =	wrdreg s24  }
0xbe: {  	[dreg:$0x3] =	wrdreg $0x90000  }
0xbf: {  	[dreg:$0x4] =	wrdreg $0x9  }
0xc0: {  	_ =	task.clear_ibuf [dreg:s22], $0x5FFFF;
	_ =	strace $0x9000004C  }
0xc1: {  	s29 =	simm.s32 $0x9;
	_ =	strace $0x8000004E  }
0xc2: {  	_ =	swait.ge [sflag:s29], $0x1  }
0xc3: {  	[sflag:s29] =	ssyncadd.s32 $0xFFFFFFFF  }
0xc4: {  	_ =	strace $0x9000004E  }
0xc5: {  	_ =	sfence  }
0xc6: {  	s30 =	sld [smem:$0x0];
	_ =	sdelay $0x2  }
0xc7: {  	s31 =	sshll.u32 s1, $0xD;
	s1 =	sshrl.u32 s1, $0x2  }
0xc8: {  	s4 =	sand.u32 $0x4000, s31;
	s1 =	sadd.s32 s1, s30  }
0xc9: {  	s0 =	sor.u32 s4, s0;
	s1 =	sshll.u32 s1, $0x11  }
0xca: {  	s0 =	sor.u32 s1, s0  }
0xcb: {  	s0 =	sadd.s32 $0x8F2B, s0  }
0xcc: {  	[sflag:s0] =	ssyncadd.remote.s32 $0x1  }
0xcd: {  	_ =	sfence.sel $0xFFFF  }
0xce: {  	[dreg:$0x0] =	wrdreg $0xFFFFFFFF;
	(pc) =	sbr.abs _section_cstart, $3  }
0xcf: {  	[dreg:$0x1] =	wrdreg $0xFFFFFFFF  }
0xd0: {  	_ =	task.clear_ibuf [dreg:s22], $0x2FFFF;
	_ =	strace $0x9FFFFFFF  }
0xd1: {  	(tm) =	ssettm $0x7FFFFFFF  }
tec
execute0_lowered:
.L_overlay_start_1:
0x0: {  	(tag) =	ssettag $0x1  }
0x1: {  	s0 =	srdreg.scid;
	s6 =	rddreg [dreg:$0x0]  }
0x2: {  	s2 =	rddreg [dreg:$0x1];
	s3 =	simm.s32 $0x0;
	s14 =	simm.s32 $0x80  }
0x3: {  	s15 =	simm.s32 $0x5000;
	s5 =	sand.u32 $0x1, s0;
	s0 =	stileid.u32  }
0x4: {  	s16 =	simm.s32 $0x0;
	[smem:$0x7FF] =	sst s3;
	s8 =	smul.u32 $0x140000, s5  }
0x5: {  	s4 =	sadd.s32 $0xAC7400, s6;
	s1 =	sshll.u32 s5, $0x4;
	s9 =	smul.u32 $0x14000, s0  }
0x6: {  	s26 =	ssub.s32 $0x2, s5;
	s28 =	smul.u32 $0x50000, s0;
	s5 =	sadd.s32 $0x10C00, s6  }
0x7: {  	s31 =	sshll.u32 s0, $0x6;
	s1 =	sor.u32 s0, s1;
	s29 =	sshrl.u32 s26, $0x1  }
0x8: {  	s7 =	smul.u32 $0x500, s1;
	s1 =	rddreg [dreg:$0x2];
	_ =	strace $0x8000004D  }
0x9: {  	s25 =	sadd.s32 s9, s8;
	s12 =	ssub.s32 s26, s29;
	s30 =	sshrl.u32 s28, $0x2  }
0xa: {  	s13 =	sadd.s32 s30, s2;
	s10 =	sadd.s32 s7, s6;
	s7 =	sshrl.u32 s25, $0x3  }
0xb: {  	s11 =	sadd.s32 s7, s6;
	s6 =	sor.u32 $0x1C01, s31;
	s7 =	sadd.s32 $0xE5400, s10  }
0xc: {  	s8 =	sadd.s32 $0x6C00, s10;
	s10 =	smax.u32 s12, $0x1;
	s12 =	simm.s32 $0x1  }
0xd: {  	s9 =	sadd.s32 $0xEF400, s11;
	s11 =	sshrl.u32 s13, $0x3;
	s13 =	simm.s32 $0x2800  }
.LBB2_1:
0xe: {  	[spmem:s11], [sflag:s6] =	dma.local [hbm:s5], $0x2800  }
0xf: {  	_ =	swait.ge [sflag:s12], $0x2800  }
0x10: {  	[sflag:s12] =	ssyncset.done $0x0  }
0x11: {  	[sflag:s12] =	ssyncadd.s32 $0xFFFFD800  }
0x12: {  	[tilespmem:s3], [sflag:$0x1] =	stream.linear.gather [hbm4b:s7+s3], $0x2800, $0x38;
	[tilespmem:$0x1D000] =	vst v63  }
0x13: {  	_ =	swait.ge [sflag:s12], $0x2800  }
0x14: {  	[sflag:s12] =	ssyncset.done $0x0  }
0x15: {  	[sflag:s12] =	ssyncadd.s32 $0xFFFFD800  }
0x16: {  	[tilespmem:s13], [sflag:$0x1] =	stream.linear.gather [hbm4b:s8+s3], $0x2800, $0x38;
	[tilespmem:$0x1D000] =	vst v63  }
0x17: {  	_ =	swait.ge [sflag:s12], $0x2800  }
0x18: {  	[sflag:s12] =	ssyncset.done $0x0  }
0x19: {  	[sflag:s12] =	ssyncadd.s32 $0xFFFFD800  }
0x1a: {  	s17 =	simm.s32 $0x0;
	[bflag:$0x0] =	sbarrier.arrive $0xFFFF  }
0x1b: {  	[tilespmem:s15], [sflag:$0x1] =	stream.indirect.gather [hbm4b:s4+s14], $0x80, s17, s14, $0xb8;
	[tilespmem:$0x1D000] =	vst v63  }
0x1c: {  	_ =	swait.ge [sflag:s12], $0x4000  }
0x1d: {  	[sflag:s12] =	ssyncset.done $0x0  }
0x1e: {  	s31 =	simm.s32 $0x2800;
	[sflag:s12] =	ssyncadd.s32 $0xFFFFC000  }
0x1f: {  	[spmem:s2] =	stream.indirect.scatter.add.f32 [tilespmem:s15], [sflag:$0x1], $0x80, s31, s14, $0xb8;
	[tilespmem:$0x1D000] =	vst v63  }
0x20: {  	_ =	swait.ge [sflag:s12], $0x4000  }
0x21: {  	s18 =	simm.s32 $0x400;
	s17 =	simm.s32 $0x200;
	[sflag:s12] =	ssyncset.done $0x0  }
.LBB2_2:
0x22: {  	s19 =	sshra.s32 s17, $0x2  }
0x23: {  	[sflag:s12] =	ssyncadd.s32 $0xFFFFC000;
	s17 =	smov.u32 s18;
	s20 =	sadd.s32 $0x200, s18  }
0x24: {  	[tilespmem:s15], [sflag:$0x1] =	stream.indirect.gather [hbm4b:s4+s14], $0x80, s19, s14, $0xb8;
	[tilespmem:$0x1D000] =	vst v63  }
0x25: {  	p0 =	sne.s32 s18, $0x9E00;
	_ =	swait.ge [sflag:s12], $0x4000  }
.Ltmp0:
0x26: {  	[sflag:s12] =	ssyncset.done $0x0;
	(pc) =	sbr.rel @p0 .LBB2_2-.Ltmp0, $4  }
0x27: {  	s18 =	sadd.s32 $0x2800, s19;
	[sflag:s12] =	ssyncadd.s32 $0xFFFFC000  }
0x28: {  	[spmem:s2] =	stream.indirect.scatter.add.f32 [tilespmem:s15], [sflag:$0x1], $0x80, s18, s14, $0xb8;
	[tilespmem:$0x1D000] =	vst v63  }
0x29: {  	_ =	swait.ge [sflag:s12], $0x4000  }
0x2a: {  	s18 =	smov.u32 s20;
	[sflag:s12] =	ssyncset.done $0x0  }
0x2b: {  	s17 =	sshra.s32 s17, $0x2;
	[sflag:s12] =	ssyncadd.s32 $0xFFFFC000  }
0x2c: {  	[tilespmem:s15], [sflag:$0x1] =	stream.indirect.gather [hbm4b:s4+s14], $0x80, s17, s14, $0xb8;
	[tilespmem:$0x1D000] =	vst v63  }
0x2d: {  	_ =	swait.ge [sflag:s12], $0x4000  }
0x2e: {  	[sflag:s12] =	ssyncset.done $0x0  }
0x2f: {  	s17 =	sadd.s32 $0x2800, s17;
	[sflag:s12] =	ssyncadd.s32 $0xFFFFC000  }
0x30: {  	[spmem:s2] =	stream.indirect.scatter.add.f32 [tilespmem:s15], [sflag:$0x1], $0x80, s17, s14, $0xb8;
	[tilespmem:$0x1D000] =	vst v63  }
0x31: {  	_ =	swait.ge [sflag:s12], $0x4000  }
0x32: {  	s16 =	sadd.s32 $0x1, s16;
	[sflag:s12] =	ssyncset.done $0x0  }
0x33: {  	p0 =	sne.s32 s16, s10;
	[sflag:s12] =	ssyncadd.s32 $0xFFFFC000  }
.Ltmp1:
0x34: {  	[bflag:$0x0] =	sbarrier.arrive $0xFFFF;
	(pc) =	sbr.rel @p0 .LBB2_1-.Ltmp1, $4  }
0x35: {  	[hbm:s9], [sflag:s6] =	dma.local [spmem:s11], $0x2800  }
0x36: {  	_ =	swait.ge [sflag:s12], $0x2800  }
0x37: {  	[sflag:s12] =	ssyncset.done $0x0  }
0x38: {  	[sflag:s12] =	ssyncadd.s32 $0xFFFFD800  }
0x39: {  	_ =	sfence.sel $0x180000  }
0x3a: {  	[bflag:$0x0] =	sbarrier.arrive $0xFFFF  }
0x3b: {  	p0 =	sne.s32 s0, $0x0;
	_ =	strace $0x9000004D  }
0x3c: {  	s0 =	sadd.s32 @!p0 $0x100000, s1;
	[bflag:$0x2] =	sbarrier.arrive $0xFFFF  }
0x3d: {  	[sflag:s0] =	ssyncadd.tile.s32 @!p0 $0x1;
	_ =	shalt  }
.Lfunc_end2:
_tile_overlayer_lowered:
.L_overlay_start_2:
0x3e: {  	(tag) =	ssettag $0x2  }
0x3f: {  	s0 =	rddreg [dreg:$0x0];
	s2 =	stileid.u32  }
0x40: {  	s1 =	rddreg [dreg:$0x1];
	p0 =	sne.s32 s2, $0x0  }
0x41: {  	s3 =	rddreg [dreg:$0x2];
	[bflag:$0x3] =	sbarrier.arrive $0xFFFF;
	s2 =	simm.s32 @!p0 $0x1C01  }
0x42: {  	[timem:s3], [sflag:s2] =	dma.local @!p0 [hbm:s0], s1  }
0x43: {  	s0 =	simm.s32 @!p0 $0x1  }
0x44: {  	_ =	swait.ge @!p0 [sflag:s0], s1  }
0x45: {  	s1 =	ssub.s32 @!p0 $0x0, s1;
	[sflag:s0] =	ssyncset.done @!p0 $0x0  }
0x46: {  	[sflag:s0] =	ssyncadd.s32 @!p0 s1  }
0x47: {  	[bflag:$0x3] =	sbarrier.arrive $0xFFFF  }
0x48: {  	_ =	shalt  }

// kernel: kernel.22.cloned.1.call-start
scs
__scs_entry_jumppad:
0x0: {  	(pc) =	sbr.rel $0x88, $3  }
0x1: {  	(tag) =	ssettag $0x0;
	lr =	simm.s32 $0x1  }
0x2: {  	[smem:$0x3F8D] =	sst lr;
	_ =	strace $0xD0000000  }
0x3: {  	_ = 	snop  }
0x4: {  	_ = 	snop  }
0x5: {  	_ = 	snop  }
0x6: {  	_ = 	snop  }
0x7: {  	_ = 	snop  }
__scs_overlays_trampoline_lowered:
0x8: {  	[smem:$0x3F9C] =	sst s0  }
0x9: {  	[smem:$0x3F9D] =	sst s1  }
0xa: {  	[smem:$0x3F9E] =	sst s2  }
0xb: {  	[smem:$0x3F9F] =	sst s3  }
0xc: {  	[smem:$0x3FA0] =	sst s4  }
0xd: {  	[smem:$0x3FA1] =	sst s5  }
0xe: {  	[smem:$0x3FA2] =	sst s6  }
0xf: {  	[smem:$0x3FA3] =	sst s7  }
0x10: {  	[smem:$0x3FA4] =	sst s8  }
0x11: {  	[smem:$0x3FA5] =	sst s9;
	s0 =	simm.s32 @!p0 $0x0  }
0x12: {  	s1 =	sld [smem:$0x3F8B];
	s0 =	simm.s32 @p0 $0x1  }
0x13: {  	[smem:$0x3FA6] =	sst s0;
	s0 =	simm.s32 @!p1 $0x0  }
0x14: {  	s2 =	sld [smem:$0x3F8A];
	s0 =	simm.s32 @p1 $0x1  }
0x15: {  	[smem:$0x3FA7] =	sst s0;
	s0 =	simm.s32 @!p2 $0x0  }
0x16: {  	s3 =	sld [smem:$0x3FDB];
	s0 =	simm.s32 @p2 $0x1  }
0x17: {  	s4 =	simm.s32 $0x1BF5;
	[smem:$0x3FA9] =	sst s0  }
0x18: {  	s0 =	sld [smem:$0x3F8C];
	_ =	swait.ge [sflag:s4], $0x0  }
0x19: {  	s7 =	sld [smem:$0x3F8D]  }
0x1a: {  	s8 =	sadd.s32 $0xFFFFE003, lr  }
0x1b: {  	s9 =	sadd.s32 $0xFFFFFEF7, lr;
	s5 =	simm.s32 $0xFFFFFFFF;
	p2 =	slt.u32 s8, $0xFFFFF086  }
0x1c: {  	p1 =	slt.u32 s9, $0xF7A;
	s5 =	simm.s32 @!p2 $0x0  }
0x1d: {  	s5 =	simm.s32 @p1 $0x1;
	p0 =	seq.s32 s7, s2  }
0x1e: {  	s7 =	smul.u32 @!p0 $0xF7A, s2;
	p2 =	seq.s32 @!p0 s5, $0x0  }
0x1f: {  	s9 =	smul.u32 $0xF7A, s1;
	s8 =	simm.s32 @!p0 $0x1BF5;
	p2 =	por !p2, p0  }
0x20: {  	[sflag:s8] =	ssyncset.s32 @!p0 $0xFFFFF086;
	s6 =	sadd.s32 @!p0 s3, s7;
	s7 =	simm.s32 @!p0 $0x108  }
0x21: {  	s3 =	sadd.s32 s3, s9;
	s6 =	sadd.s32 @!p0 $0x88, s6;
	s7 =	simm.s32 @p2 $0x1082  }
0x22: {  	[simem:s7], [sflag:s8] =	dma.local @!p0 [hbm:s6], $0xF7A  }
0x23: {  	s9 =	sor.u32 $0xD0000000, s2;
	s6 =	simm.s32 $0x108;
	_ =	swait.ge @!p0 [sflag:s8], $0x0  }
0x24: {  	s3 =	sadd.s32 $0x88, s3;
	s6 =	simm.s32 @!p1 $0x1082;
	[sflag:s4] =	ssyncset.s32 $0xFFFFF086  }
0x25: {  	[simem:s6], [sflag:s4] =	dma.local [hbm:s3], $0xF7A  }
0x26: {  	[smem:$0x3F8D] =	sst s1;
	(tag) =	ssettag s2;
	_ =	strace s9  }
0x27: {  	s1 =	sld [smem:$0x3F9D]  }
0x28: {  	s2 =	sld [smem:$0x3F9E]  }
0x29: {  	s4 =	sld [smem:$0x3FA0]  }
0x2a: {  	p0 =	seq.s32 s5, $0x0;
	s5 =	sld [smem:$0x3FA1]  }
0x2b: {  	s6 =	sld [smem:$0x3FA2]  }
0x2c: {  	s7 =	sld [smem:$0x3FA3]  }
0x2d: {  	s3 =	simm.s32 $0x108;
	s8 =	sld [smem:$0x3FA4]  }
0x2e: {  	s3 =	simm.s32 @!p0 $0x1082;
	s9 =	sld [smem:$0x3FA5]  }
0x2f: {  	lr =	sadd.s32 s0, s3;
	s0 =	sld [smem:$0x3F9C]  }
0x30: {  	s3 =	sld [smem:$0x3F9F]  }
0x31: {  	[smem:$0x3FA8] =	sst s10  }
0x32: {  	s10 =	sld [smem:$0x3FA6];
	_ =	sdelay $0x3  }
0x33: {  	p0 =	seq.s32 s10, $0x1;
	s10 =	sld [smem:$0x3FA8];
	_ =	sdelay $0x3  }
0x34: {  	[smem:$0x3FA8] =	sst s10  }
0x35: {  	s10 =	sld [smem:$0x3FA7];
	_ =	sdelay $0x3  }
0x36: {  	p1 =	seq.s32 s10, $0x1;
	s10 =	sld [smem:$0x3FA8];
	_ =	sdelay $0x3  }
0x37: {  	[smem:$0x3FA8] =	sst s10  }
0x38: {  	s10 =	sld [smem:$0x3FA9]  }
0x39: {  	_ = 	snop;
	(pc) =	sbr.ind lr, $3  }
0x3a: {  	_ = 	snop  }
0x3b: {  	_ = 	snop  }
0x3c: {  	p2 =	seq.s32 s10, $0x1;
	s10 =	sld [smem:$0x3FA8]  }
0x3d: {  	_ =	shalt  }
0x3e: {  	_ =	shalt  }
0x3f: {  	_ =	shalt  }
0x40: {  	_ =	shalt  }
0x41: {  	_ =	shalt  }
0x42: {  	_ =	shalt  }
0x43: {  	_ =	shalt  }
0x44: {  	_ =	shalt  }
0x45: {  	_ =	shalt  }
0x46: {  	_ =	shalt  }
0x47: {  	_ =	shalt  }
0x48: {  	_ =	shalt  }
0x49: {  	_ =	shalt  }
0x4a: {  	_ =	shalt  }
0x4b: {  	_ =	shalt  }
0x4c: {  	_ =	shalt  }
0x4d: {  	_ =	shalt  }
0x4e: {  	_ =	shalt  }
0x4f: {  	_ =	shalt  }
0x50: {  	_ =	shalt  }
0x51: {  	_ =	shalt  }
0x52: {  	_ =	shalt  }
0x53: {  	_ =	shalt  }
0x54: {  	_ =	shalt  }
0x55: {  	_ =	shalt  }
0x56: {  	_ =	shalt  }
0x57: {  	_ =	shalt  }
0x58: {  	_ =	shalt  }
0x59: {  	_ =	shalt  }
0x5a: {  	_ =	shalt  }
0x5b: {  	_ =	shalt  }
0x5c: {  	_ =	shalt  }
0x5d: {  	_ =	shalt  }
0x5e: {  	_ =	shalt  }
0x5f: {  	_ =	shalt  }
0x60: {  	_ =	shalt  }
0x61: {  	_ =	shalt  }
0x62: {  	_ =	shalt  }
0x63: {  	_ =	shalt  }
0x64: {  	_ =	shalt  }
0x65: {  	_ =	shalt  }
0x66: {  	_ =	shalt  }
0x67: {  	_ =	shalt  }
0x68: {  	_ =	shalt  }
0x69: {  	_ =	shalt  }
0x6a: {  	_ =	shalt  }
0x6b: {  	_ =	shalt  }
0x6c: {  	_ =	shalt  }
0x6d: {  	_ =	shalt  }
0x6e: {  	_ =	shalt  }
0x6f: {  	_ =	shalt  }
0x70: {  	_ =	shalt  }
0x71: {  	_ =	shalt  }
0x72: {  	_ =	shalt  }
0x73: {  	_ =	shalt  }
0x74: {  	_ =	shalt  }
0x75: {  	_ =	shalt  }
0x76: {  	_ =	shalt  }
0x77: {  	_ =	shalt  }
0x78: {  	_ =	shalt  }
0x79: {  	_ =	shalt  }
0x7a: {  	_ =	shalt  }
0x7b: {  	_ =	shalt  }
0x7c: {  	_ =	shalt  }
0x7d: {  	_ =	shalt  }
0x7e: {  	_ =	shalt  }
0x7f: {  	_ =	shalt  }
0x80: {  	_ =	shalt  }
0x81: {  	_ =	shalt  }
0x82: {  	_ =	shalt  }
0x83: {  	_ =	shalt  }
0x84: {  	_ =	shalt  }
0x85: {  	_ =	shalt  }
0x86: {  	_ =	shalt  }
0x87: {  	_ =	shalt  }
.Lfunc_end0:
.L_simem_size_0:
called_computation.1_lowered:
.L_overlay_start_0:
0x88: {  	s2 =	sld [smem:$0x3FD9]  }
0x89: {  	s3 =	sld [smem:$0x3FFE];
	_ =	sdelay $0x1  }
0x8a: {  	s1 =	srdreg.scid  }
0x8b: {  	s0 =	sand.u32 $0x1, s1  }
0x8c: {  	s16 =	sshll.u32 s0, $0xA;
	s2 =	sadd.s32 s3, s2  }
0x8d: {  	s2 =	sadd.s32 s2, s16  }
0x8e: {  	[smem:$0x3FB4] =	sst s2  }
0x8f: {  	_ = 	snop  }
0x90: {  	(tm) =	ssettm $0x1  }
0x91: {  	s17 =	sld [smem:$0x3FFB];
	_ =	sdelay $0x3  }
0x92: {  	_ =	strace s17  }
0x93: {  	s2 =	sld [smem:$0x3FFC];
	_ =	sdelay $0x3  }
0x94: {  	_ =	strace s2  }
0x95: {  	s2 =	sld [smem:$0x3FFD];
	_ =	sdelay $0x3  }
0x96: {  	_ =	strace s2  }
0x97: {  	_ =	strace $0x8FFFFFFF  }
0x98: {  	s18 =	sld [smem:$0x3FDB];
	_ =	sdelay $0x1  }
0x99: {  	s19 =	simm.s32 $_scs_section_size  }
0x9a: {  	s4 =	simm.s32 $_size__tile_overlayer_lowered;
	s5 =	simm.s32 $_tile_overlayer_lowered  }
0x9b: {  	s22 =	simm.s32 $0x1BFF;
	s21 =	sshll.u32 s5, $0x1;
	s2 =	sadd.s32 s19, s18  }
0x9c: {  	s6 =	simm.s32 $0x0;
	s20 =	sshll.u32 s4, $0x1;
	s4 =	sadd.s32 s21, s2  }
0x9d: {  	[timem:s6], [sflag:s22] =	dma.local [hbm:s4], s20  }
0x9e: {  	_ =	swait.ge [sflag:s22], s20  }
0x9f: {  	s3 =	ssub.s32 $0x0, s20;
	[sflag:s22] =	ssyncset.done $0x0  }
0xa0: {  	[sflag:s22] =	ssyncadd.s32 s3;
	_ =	sdelay $0x1  }
0xa1: {  	s23 =	simm.s32 $0x1B8B  }
0xa2: {  	_ =	swait.ge [sflag:s23], $0x1  }
0xa3: {  	[sflag:s23] =	ssyncset.done $0x0  }
0xa4: {  	s25 =	simm.s32 $0x1B8E;
	s24 =	sld [smem:$0x3FFE];
	[sflag:s23] =	ssyncadd.s32 $0xFFFFFFFF  }
0xa5: {  	s26 =	simm.s32 $execute0_lowered;
	[smem:$0x3FD2] =	sst s25  }
0xa6: {  	s4 =	sshll.u32 s26, $0x1;
	_ =	strace $0x80000046;
	[dreg:$0x1] =	wrdreg $0xFFFFFFFF  }
0xa7: {  	s28 =	simm.s32 $_size_execute0_lowered;
	s2 =	sadd.s32 s2, s4;
	[dreg:$0x0] =	wrdreg $0x0  }
0xa8: {  	s4 =	sshll.u32 s28, $0x1;
	[dreg:$0x2] =	wrdreg s2  }
0xa9: {  	[dreg:$0x3] =	wrdreg s4  }
0xaa: {  	[dreg:$0x4] =	wrdreg $0xC0  }
0xab: {  	_ =	task [dreg:s6], $0x5FFFF  }
0xac: {  	[dreg:$0x1] =	wrdreg $0xFFFFFFFF  }
0xad: {  	[dreg:$0x0] =	wrdreg $0x60  }
0xae: {  	[dreg:$0x2] =	wrdreg s24  }
0xaf: {  	[dreg:$0x3] =	wrdreg $0x90000  }
0xb0: {  	[dreg:$0x4] =	wrdreg $0xA  }
0xb1: {  	_ =	task.clear_ibuf [dreg:s6], $0x5FFFF;
	_ =	strace $0x90000046  }
0xb2: {  	s29 =	simm.s32 $0xA;
	_ =	strace $0x80000048  }
0xb3: {  	_ =	swait.ge [sflag:s29], $0x1  }
0xb4: {  	[sflag:s29] =	ssyncadd.s32 $0xFFFFFFFF  }
0xb5: {  	_ =	strace $0x90000048  }
0xb6: {  	_ =	sfence  }
0xb7: {  	s30 =	sld [smem:$0x0];
	_ =	sdelay $0x2  }
0xb8: {  	s31 =	sshll.u32 s1, $0xD;
	s1 =	sshrl.u32 s1, $0x2  }
0xb9: {  	s3 =	sand.u32 $0x4000, s31;
	s1 =	sadd.s32 s1, s30  }
0xba: {  	s0 =	sor.u32 s3, s0;
	s1 =	sshll.u32 s1, $0x11  }
0xbb: {  	s0 =	sor.u32 s1, s0  }
0xbc: {  	s0 =	sadd.s32 $0x8F2B, s0  }
0xbd: {  	[sflag:s0] =	ssyncadd.remote.s32 $0x1  }
0xbe: {  	_ =	sfence.sel $0xFFFF  }
0xbf: {  	[dreg:$0x0] =	wrdreg $0xFFFFFFFF;
	(pc) =	sbr.abs _section_cstart, $3  }
0xc0: {  	[dreg:$0x1] =	wrdreg $0xFFFFFFFF  }
0xc1: {  	_ =	task.clear_ibuf [dreg:s6], $0x2FFFF;
	_ =	strace $0x9FFFFFFF  }
0xc2: {  	(tm) =	ssettm $0x7FFFFFFF  }
0xc3: {  	_ =	shalt  }
tec
execute0_lowered:
.L_overlay_start_1:
0x0: {  	(tag) =	ssettag $0x1  }
0x1: {  	s6 =	rddreg [dreg:$0x0]  }
0x2: {  	s2 =	rddreg [dreg:$0x1]  }
0x3: {  	s1 =	srdreg.scid;
	s0 =	rddreg [dreg:$0x2]  }
0x4: {  	s3 =	simm.s32 $0x0;
	s13 =	simm.s32 $0x80;
	s7 =	sand.u32 $0x1, s1  }
0x5: {  	s14 =	simm.s32 $0x5000;
	s1 =	stileid.u32;
	s5 =	smul.u32 $0x140000, s7  }
0x6: {  	s15 =	simm.s32 $0x0;
	[smem:$0x7FF] =	sst s3;
	s8 =	smul.u32 $0x14000, s1  }
0x7: {  	s4 =	sshll.u32 s7, $0x4;
	_ =	strace $0x80000047;
	s10 =	smul.u32 $0x50000, s1  }
0x8: {  	s31 =	ssub.s32 $0x2, s7;
	s11 =	sshll.u32 s1, $0x6;
	s4 =	sor.u32 s1, s4  }
0x9: {  	s7 =	sshrl.u32 s31, $0x1;
	s9 =	smul.u32 $0x500, s4;
	s4 =	sadd.s32 $0x13400, s6  }
0xa: {  	s5 =	sadd.s32 s8, s5;
	s10 =	sshrl.u32 s10, $0x2;
	s12 =	ssub.s32 s31, s7  }
0xb: {  	s30 =	sshrl.u32 s5, $0x3;
	s5 =	sadd.s32 $0x10C00, s6;
	s10 =	sadd.s32 s10, s2  }
0xc: {  	s29 =	sadd.s32 s9, s6;
	s9 =	sadd.s32 s30, s6;
	s6 =	sor.u32 $0x1C01, s11  }
0xd: {  	s10 =	sshrl.u32 s10, $0x3;
	s11 =	simm.s32 $0x1;
	s7 =	sadd.s32 $0x6C00, s29  }
0xe: {  	s8 =	sadd.s32 $0x3B400, s9;
	s9 =	smax.u32 s12, $0x1;
	s12 =	simm.s32 $0x2800  }
.LBB2_1:
0xf: {  	[spmem:s10], [sflag:s6] =	dma.local [hbm:s5], $0x2800  }
0x10: {  	_ =	swait.ge [sflag:s11], $0x2800  }
0x11: {  	[sflag:s11] =	ssyncset.done $0x0  }
0x12: {  	[sflag:s11] =	ssyncadd.s32 $0xFFFFD800  }
0x13: {  	[tilespmem:s3], [sflag:$0x1] =	stream.linear.gather [hbm4b:s7+s3], $0x2800, $0x38;
	[tilespmem:$0x1D000] =	vst v63  }
0x14: {  	_ =	swait.ge [sflag:s11], $0x2800  }
0x15: {  	[sflag:s11] =	ssyncset.done $0x0  }
0x16: {  	[sflag:s11] =	ssyncadd.s32 $0xFFFFD800  }
0x17: {  	[tilespmem:s12], [sflag:$0x1] =	stream.linear.gather [hbm4b:s7+s3], $0x2800, $0x38;
	[tilespmem:$0x1D000] =	vst v63  }
0x18: {  	_ =	swait.ge [sflag:s11], $0x2800  }
0x19: {  	[sflag:s11] =	ssyncset.done $0x0  }
0x1a: {  	[sflag:s11] =	ssyncadd.s32 $0xFFFFD800  }
0x1b: {  	s16 =	simm.s32 $0x0;
	[bflag:$0x0] =	sbarrier.arrive $0xFFFF  }
0x1c: {  	[tilespmem:s14], [sflag:$0x1] =	stream.indirect.gather [hbm4b:s4+s13], $0x80, s16, s13, $0xb8;
	[tilespmem:$0x1D000] =	vst v63  }
0x1d: {  	_ =	swait.ge [sflag:s11], $0x4000  }
0x1e: {  	[sflag:s11] =	ssyncset.done $0x0  }
0x1f: {  	s31 =	simm.s32 $0x2800;
	[sflag:s11] =	ssyncadd.s32 $0xFFFFC000  }
0x20: {  	[spmem:s2] =	stream.indirect.scatter.add.f32 [tilespmem:s14], [sflag:$0x1], $0x80, s31, s13, $0xb8;
	[tilespmem:$0x1D000] =	vst v63  }
0x21: {  	_ =	swait.ge [sflag:s11], $0x4000  }
0x22: {  	s17 =	simm.s32 $0x400;
	s16 =	simm.s32 $0x200;
	[sflag:s11] =	ssyncset.done $0x0  }
.LBB2_2:
0x23: {  	s18 =	sshra.s32 s16, $0x2  }
0x24: {  	[sflag:s11] =	ssyncadd.s32 $0xFFFFC000;
	s16 =	smov.u32 s17;
	s19 =	sadd.s32 $0x200, s17  }
0x25: {  	[tilespmem:s14], [sflag:$0x1] =	stream.indirect.gather [hbm4b:s4+s13], $0x80, s18, s13, $0xb8;
	[tilespmem:$0x1D000] =	vst v63  }
0x26: {  	p0 =	sne.s32 s17, $0x9E00;
	_ =	swait.ge [sflag:s11], $0x4000  }
.Ltmp0:
0x27: {  	[sflag:s11] =	ssyncset.done $0x0;
	(pc) =	sbr.rel @p0 .LBB2_2-.Ltmp0, $4  }
0x28: {  	s17 =	sadd.s32 $0x2800, s18;
	[sflag:s11] =	ssyncadd.s32 $0xFFFFC000  }
0x29: {  	[spmem:s2] =	stream.indirect.scatter.add.f32 [tilespmem:s14], [sflag:$0x1], $0x80, s17, s13, $0xb8;
	[tilespmem:$0x1D000] =	vst v63  }
0x2a: {  	_ =	swait.ge [sflag:s11], $0x4000  }
0x2b: {  	s17 =	smov.u32 s19;
	[sflag:s11] =	ssyncset.done $0x0  }
0x2c: {  	s16 =	sshra.s32 s16, $0x2;
	[sflag:s11] =	ssyncadd.s32 $0xFFFFC000  }
0x2d: {  	[tilespmem:s14], [sflag:$0x1] =	stream.indirect.gather [hbm4b:s4+s13], $0x80, s16, s13, $0xb8;
	[tilespmem:$0x1D000] =	vst v63  }
0x2e: {  	_ =	swait.ge [sflag:s11], $0x4000  }
0x2f: {  	[sflag:s11] =	ssyncset.done $0x0  }
0x30: {  	s16 =	sadd.s32 $0x2800, s16;
	[sflag:s11] =	ssyncadd.s32 $0xFFFFC000  }
0x31: {  	[spmem:s2] =	stream.indirect.scatter.add.f32 [tilespmem:s14], [sflag:$0x1], $0x80, s16, s13, $0xb8;
	[tilespmem:$0x1D000] =	vst v63  }
0x32: {  	_ =	swait.ge [sflag:s11], $0x4000  }
0x33: {  	s15 =	sadd.s32 $0x1, s15;
	[sflag:s11] =	ssyncset.done $0x0  }
0x34: {  	p0 =	sne.s32 s15, s9;
	[sflag:s11] =	ssyncadd.s32 $0xFFFFC000  }
.Ltmp1:
0x35: {  	[bflag:$0x0] =	sbarrier.arrive $0xFFFF;
	(pc) =	sbr.rel @p0 .LBB2_1-.Ltmp1, $4  }
0x36: {  	[hbm:s8], [sflag:s6] =	dma.local [spmem:s10], $0x2800  }
0x37: {  	_ =	swait.ge [sflag:s11], $0x2800  }
0x38: {  	[sflag:s11] =	ssyncset.done $0x0  }
0x39: {  	[sflag:s11] =	ssyncadd.s32 $0xFFFFD800  }
0x3a: {  	_ =	sfence.sel $0x180000  }
0x3b: {  	[bflag:$0x0] =	sbarrier.arrive $0xFFFF  }
0x3c: {  	p0 =	sne.s32 s1, $0x0;
	_ =	strace $0x90000047  }
0x3d: {  	s0 =	sadd.s32 @!p0 $0x100000, s0;
	[bflag:$0x2] =	sbarrier.arrive $0xFFFF  }
0x3e: {  	[sflag:s0] =	ssyncadd.tile.s32 @!p0 $0x1;
	_ =	shalt  }
.Lfunc_end2:
_tile_overlayer_lowered:
.L_overlay_start_2:
0x3f: {  	(tag) =	ssettag $0x2  }
0x40: {  	s0 =	rddreg [dreg:$0x0];
	s2 =	stileid.u32  }
0x41: {  	s1 =	rddreg [dreg:$0x1];
	p0 =	sne.s32 s2, $0x0  }
0x42: {  	s3 =	rddreg [dreg:$0x2];
	[bflag:$0x3] =	sbarrier.arrive $0xFFFF;
	s2 =	simm.s32 @!p0 $0x1C01  }
0x43: {  	[timem:s3], [sflag:s2] =	dma.local @!p0 [hbm:s0], s1  }
0x44: {  	s0 =	simm.s32 @!p0 $0x1  }
0x45: {  	_ =	swait.ge @!p0 [sflag:s0], s1  }
0x46: {  	s1 =	ssub.s32 @!p0 $0x0, s1;
	[sflag:s0] =	ssyncset.done @!p0 $0x0  }
0x47: {  	[sflag:s0] =	ssyncadd.s32 @!p0 s1  }
0x48: {  	[bflag:$0x3] =	sbarrier.arrive $0xFFFF  }
0x49: {  	_ =	shalt  }

// kernel: kernel.25.cloned.1.call-start
scs
__scs_entry_jumppad:
0x0: {  	(pc) =	sbr.rel $0x88, $3  }
0x1: {  	(tag) =	ssettag $0x0;
	lr =	simm.s32 $0x1  }
0x2: {  	[smem:$0x3F8D] =	sst lr;
	_ =	strace $0xD0000000  }
0x3: {  	_ = 	snop  }
0x4: {  	_ = 	snop  }
0x5: {  	_ = 	snop  }
0x6: {  	_ = 	snop  }
0x7: {  	_ = 	snop  }
__scs_overlays_trampoline_lowered:
0x8: {  	[smem:$0x3F9C] =	sst s0  }
0x9: {  	[smem:$0x3F9D] =	sst s1  }
0xa: {  	[smem:$0x3F9E] =	sst s2  }
0xb: {  	[smem:$0x3F9F] =	sst s3  }
0xc: {  	[smem:$0x3FA0] =	sst s4  }
0xd: {  	[smem:$0x3FA1] =	sst s5  }
0xe: {  	[smem:$0x3FA2] =	sst s6  }
0xf: {  	[smem:$0x3FA3] =	sst s7  }
0x10: {  	[smem:$0x3FA4] =	sst s8  }
0x11: {  	[smem:$0x3FA5] =	sst s9;
	s0 =	simm.s32 @!p0 $0x0  }
0x12: {  	s1 =	sld [smem:$0x3F8B];
	s0 =	simm.s32 @p0 $0x1  }
0x13: {  	[smem:$0x3FA6] =	sst s0;
	s0 =	simm.s32 @!p1 $0x0  }
0x14: {  	s2 =	sld [smem:$0x3F8A];
	s0 =	simm.s32 @p1 $0x1  }
0x15: {  	[smem:$0x3FA7] =	sst s0;
	s0 =	simm.s32 @!p2 $0x0  }
0x16: {  	s3 =	sld [smem:$0x3FDB];
	s0 =	simm.s32 @p2 $0x1  }
0x17: {  	s4 =	simm.s32 $0x1BF5;
	[smem:$0x3FA9] =	sst s0  }
0x18: {  	s0 =	sld [smem:$0x3F8C];
	_ =	swait.ge [sflag:s4], $0x0  }
0x19: {  	s7 =	sld [smem:$0x3F8D]  }
0x1a: {  	s8 =	sadd.s32 $0xFFFFE003, lr  }
0x1b: {  	s9 =	sadd.s32 $0xFFFFFEF7, lr;
	s5 =	simm.s32 $0xFFFFFFFF;
	p2 =	slt.u32 s8, $0xFFFFF086  }
0x1c: {  	p1 =	slt.u32 s9, $0xF7A;
	s5 =	simm.s32 @!p2 $0x0  }
0x1d: {  	s5 =	simm.s32 @p1 $0x1;
	p0 =	seq.s32 s7, s2  }
0x1e: {  	s7 =	smul.u32 @!p0 $0xF7A, s2;
	p2 =	seq.s32 @!p0 s5, $0x0  }
0x1f: {  	s9 =	smul.u32 $0xF7A, s1;
	s8 =	simm.s32 @!p0 $0x1BF5;
	p2 =	por !p2, p0  }
0x20: {  	[sflag:s8] =	ssyncset.s32 @!p0 $0xFFFFF086;
	s6 =	sadd.s32 @!p0 s3, s7;
	s7 =	simm.s32 @!p0 $0x108  }
0x21: {  	s3 =	sadd.s32 s3, s9;
	s6 =	sadd.s32 @!p0 $0x88, s6;
	s7 =	simm.s32 @p2 $0x1082  }
0x22: {  	[simem:s7], [sflag:s8] =	dma.local @!p0 [hbm:s6], $0xF7A  }
0x23: {  	s9 =	sor.u32 $0xD0000000, s2;
	s6 =	simm.s32 $0x108;
	_ =	swait.ge @!p0 [sflag:s8], $0x0  }
0x24: {  	s3 =	sadd.s32 $0x88, s3;
	s6 =	simm.s32 @!p1 $0x1082;
	[sflag:s4] =	ssyncset.s32 $0xFFFFF086  }
0x25: {  	[simem:s6], [sflag:s4] =	dma.local [hbm:s3], $0xF7A  }
0x26: {  	[smem:$0x3F8D] =	sst s1;
	(tag) =	ssettag s2;
	_ =	strace s9  }
0x27: {  	s1 =	sld [smem:$0x3F9D]  }
0x28: {  	s2 =	sld [smem:$0x3F9E]  }
0x29: {  	s4 =	sld [smem:$0x3FA0]  }
0x2a: {  	p0 =	seq.s32 s5, $0x0;
	s5 =	sld [smem:$0x3FA1]  }
0x2b: {  	s6 =	sld [smem:$0x3FA2]  }
0x2c: {  	s7 =	sld [smem:$0x3FA3]  }
0x2d: {  	s3 =	simm.s32 $0x108;
	s8 =	sld [smem:$0x3FA4]  }
0x2e: {  	s3 =	simm.s32 @!p0 $0x1082;
	s9 =	sld [smem:$0x3FA5]  }
0x2f: {  	lr =	sadd.s32 s0, s3;
	s0 =	sld [smem:$0x3F9C]  }
0x30: {  	s3 =	sld [smem:$0x3F9F]  }
0x31: {  	[smem:$0x3FA8] =	sst s10  }
0x32: {  	s10 =	sld [smem:$0x3FA6];
	_ =	sdelay $0x3  }
0x33: {  	p0 =	seq.s32 s10, $0x1;
	s10 =	sld [smem:$0x3FA8];
	_ =	sdelay $0x3  }
0x34: {  	[smem:$0x3FA8] =	sst s10  }
0x35: {  	s10 =	sld [smem:$0x3FA7];
	_ =	sdelay $0x3  }
0x36: {  	p1 =	seq.s32 s10, $0x1;
	s10 =	sld [smem:$0x3FA8];
	_ =	sdelay $0x3  }
0x37: {  	[smem:$0x3FA8] =	sst s10  }
0x38: {  	s10 =	sld [smem:$0x3FA9]  }
0x39: {  	_ = 	snop;
	(pc) =	sbr.ind lr, $3  }
0x3a: {  	_ = 	snop  }
0x3b: {  	_ = 	snop  }
0x3c: {  	p2 =	seq.s32 s10, $0x1;
	s10 =	sld [smem:$0x3FA8]  }
0x3d: {  	_ =	shalt  }
0x3e: {  	_ =	shalt  }
0x3f: {  	_ =	shalt  }
0x40: {  	_ =	shalt  }
0x41: {  	_ =	shalt  }
0x42: {  	_ =	shalt  }
0x43: {  	_ =	shalt  }
0x44: {  	_ =	shalt  }
0x45: {  	_ =	shalt  }
0x46: {  	_ =	shalt  }
0x47: {  	_ =	shalt  }
0x48: {  	_ =	shalt  }
0x49: {  	_ =	shalt  }
0x4a: {  	_ =	shalt  }
0x4b: {  	_ =	shalt  }
0x4c: {  	_ =	shalt  }
0x4d: {  	_ =	shalt  }
0x4e: {  	_ =	shalt  }
0x4f: {  	_ =	shalt  }
0x50: {  	_ =	shalt  }
0x51: {  	_ =	shalt  }
0x52: {  	_ =	shalt  }
0x53: {  	_ =	shalt  }
0x54: {  	_ =	shalt  }
0x55: {  	_ =	shalt  }
0x56: {  	_ =	shalt  }
0x57: {  	_ =	shalt  }
0x58: {  	_ =	shalt  }
0x59: {  	_ =	shalt  }
0x5a: {  	_ =	shalt  }
0x5b: {  	_ =	shalt  }
0x5c: {  	_ =	shalt  }
0x5d: {  	_ =	shalt  }
0x5e: {  	_ =	shalt  }
0x5f: {  	_ =	shalt  }
0x60: {  	_ =	shalt  }
0x61: {  	_ =	shalt  }
0x62: {  	_ =	shalt  }
0x63: {  	_ =	shalt  }
0x64: {  	_ =	shalt  }
0x65: {  	_ =	shalt  }
0x66: {  	_ =	shalt  }
0x67: {  	_ =	shalt  }
0x68: {  	_ =	shalt  }
0x69: {  	_ =	shalt  }
0x6a: {  	_ =	shalt  }
0x6b: {  	_ =	shalt  }
0x6c: {  	_ =	shalt  }
0x6d: {  	_ =	shalt  }
0x6e: {  	_ =	shalt  }
0x6f: {  	_ =	shalt  }
0x70: {  	_ =	shalt  }
0x71: {  	_ =	shalt  }
0x72: {  	_ =	shalt  }
0x73: {  	_ =	shalt  }
0x74: {  	_ =	shalt  }
0x75: {  	_ =	shalt  }
0x76: {  	_ =	shalt  }
0x77: {  	_ =	shalt  }
0x78: {  	_ =	shalt  }
0x79: {  	_ =	shalt  }
0x7a: {  	_ =	shalt  }
0x7b: {  	_ =	shalt  }
0x7c: {  	_ =	shalt  }
0x7d: {  	_ =	shalt  }
0x7e: {  	_ =	shalt  }
0x7f: {  	_ =	shalt  }
0x80: {  	_ =	shalt  }
0x81: {  	_ =	shalt  }
0x82: {  	_ =	shalt  }
0x83: {  	_ =	shalt  }
0x84: {  	_ =	shalt  }
0x85: {  	_ =	shalt  }
0x86: {  	_ =	shalt  }
0x87: {  	_ =	shalt  }
.Lfunc_end0:
.L_simem_size_0:
called_computation.2_lowered:
.L_overlay_start_0:
0x88: {  	s2 =	sld [smem:$0x3FD9]  }
0x89: {  	s3 =	sld [smem:$0x3FFE];
	_ =	sdelay $0x1  }
0x8a: {  	s1 =	srdreg.scid  }
0x8b: {  	s0 =	sand.u32 $0x1, s1  }
0x8c: {  	s17 =	sshll.u32 s0, $0xA;
	s2 =	sadd.s32 s3, s2  }
0x8d: {  	s2 =	sadd.s32 s2, s17  }
0x8e: {  	[smem:$0x3FB4] =	sst s2  }
0x8f: {  	_ = 	snop  }
0x90: {  	(tm) =	ssettm $0x1  }
0x91: {  	s18 =	sld [smem:$0x3FFB];
	_ =	sdelay $0x3  }
0x92: {  	_ =	strace s18  }
0x93: {  	s2 =	sld [smem:$0x3FFC];
	_ =	sdelay $0x3  }
0x94: {  	_ =	strace s2  }
0x95: {  	s2 =	sld [smem:$0x3FFD];
	_ =	sdelay $0x3  }
0x96: {  	_ =	strace s2  }
0x97: {  	_ =	strace $0x8FFFFFFF  }
0x98: {  	s19 =	sld [smem:$0x3FDB];
	_ =	sdelay $0x1  }
0x99: {  	s20 =	simm.s32 $_scs_section_size  }
0x9a: {  	s4 =	simm.s32 $_size__tile_overlayer_lowered;
	s5 =	simm.s32 $_tile_overlayer_lowered  }
0x9b: {  	s6 =	simm.s32 $0x1BFF;
	s21 =	sshll.u32 s5, $0x1;
	s3 =	sadd.s32 s20, s19  }
0x9c: {  	s22 =	simm.s32 $0x0;
	s4 =	sshll.u32 s4, $0x1;
	s5 =	sadd.s32 s21, s3  }
0x9d: {  	[timem:s22], [sflag:s6] =	dma.local [hbm:s5], s4  }
0x9e: {  	_ =	swait.ge [sflag:s6], s4  }
0x9f: {  	s4 =	ssub.s32 $0x0, s4;
	[sflag:s6] =	ssyncset.done $0x0  }
0xa0: {  	[sflag:s6] =	ssyncadd.s32 s4;
	_ =	sdelay $0x1  }
0xa1: {  	s23 =	simm.s32 $0x1B8B  }
0xa2: {  	_ =	swait.ge [sflag:s23], $0x1  }
0xa3: {  	[sflag:s23] =	ssyncset.done $0x0  }
0xa4: {  	[sflag:s23] =	ssyncadd.s32 $0xFFFFFFFF  }
0xa5: {  	s4 =	sld [smem:$0x0]  }
0xa6: {  	s5 =	sand.u32 $0xFFFFFFFE, s1  }
0xa7: {  	p0 =	sne.s32 s1, s5  }
0xa8: {  	s5 =	sshll.u32 @p0 s5, $0xE  }
0xa9: {  	s5 =	sadd.s32 @p0 $0x11B8D, s5;
	s6 =	sshll.u32 @p0 s4, $0x11  }
0xaa: {  	s5 =	sor.u32 @p0 s6, s5  }
0xab: {  	[sflag:s5] =	ssyncadd.remote.s32 @p0 $0x1;
	_ =	sdelay $0x1  }
0xac: {  	s5 =	simm.s32 @p0 $0x1B8D  }
0xad: {  	_ =	swait.eq @p0 [sflag:s5], $0x1  }
0xae: {  	[sflag:s5] =	ssyncadd.s32 @p0 $0xFFFFFFFF  }
0xaf: {  	s6 =	sshll.u32 @!p0 s1, $0xE  }
0xb0: {  	s6 =	sor.u32 @!p0 $0x4000, s6;
	s5 =	simm.s32 @!p0 $0x1B8D  }
0xb1: {  	s4 =	sshll.u32 @!p0 s4, $0x11;
	s6 =	sadd.s32 @!p0 $0x11B8D, s6;
	_ =	swait.eq @!p0 [sflag:s5], $0x1  }
0xb2: {  	s4 =	sor.u32 @!p0 s4, s6;
	[sflag:s5] =	ssyncadd.s32 @!p0 $0xFFFFFFFF  }
0xb3: {  	s25 =	simm.s32 $0x1B8E;
	s24 =	sld [smem:$0x3FFE];
	[sflag:s4] =	ssyncadd.remote.s32 @!p0 $0x1  }
0xb4: {  	s26 =	simm.s32 $execute0_lowered;
	[smem:$0x3FD2] =	sst s25  }
0xb5: {  	s5 =	sshll.u32 s26, $0x1;
	_ =	strace $0x80000049;
	[dreg:$0x1] =	wrdreg $0xFFFFFFFF  }
0xb6: {  	s28 =	simm.s32 $_size_execute0_lowered;
	s3 =	sadd.s32 s3, s5;
	[dreg:$0x0] =	wrdreg $0x0  }
0xb7: {  	s5 =	sshll.u32 s28, $0x1;
	[dreg:$0x2] =	wrdreg s3  }
0xb8: {  	[dreg:$0x3] =	wrdreg s5  }
0xb9: {  	[dreg:$0x4] =	wrdreg $0xC0  }
0xba: {  	_ =	task [dreg:s22], $0x5FFFF  }
0xbb: {  	[dreg:$0x1] =	wrdreg $0xFFFFFFFF  }
0xbc: {  	[dreg:$0x0] =	wrdreg $0x60  }
0xbd: {  	[dreg:$0x2] =	wrdreg s24  }
0xbe: {  	[dreg:$0x3] =	wrdreg $0x90000  }
0xbf: {  	[dreg:$0x4] =	wrdreg $0xB  }
0xc0: {  	_ =	task.clear_ibuf [dreg:s22], $0x5FFFF;
	_ =	strace $0x90000049  }
0xc1: {  	s29 =	simm.s32 $0xB;
	_ =	strace $0x8000004B  }
0xc2: {  	_ =	swait.ge [sflag:s29], $0x1  }
0xc3: {  	[sflag:s29] =	ssyncadd.s32 $0xFFFFFFFF  }
0xc4: {  	_ =	strace $0x9000004B  }
0xc5: {  	_ =	sfence  }
0xc6: {  	s30 =	sld [smem:$0x0];
	_ =	sdelay $0x2  }
0xc7: {  	s31 =	sshll.u32 s1, $0xD;
	s1 =	sshrl.u32 s1, $0x2  }
0xc8: {  	s4 =	sand.u32 $0x4000, s31;
	s1 =	sadd.s32 s1, s30  }
0xc9: {  	s0 =	sor.u32 s4, s0;
	s1 =	sshll.u32 s1, $0x11  }
0xca: {  	s0 =	sor.u32 s1, s0  }
0xcb: {  	s0 =	sadd.s32 $0x8F2B, s0  }
0xcc: {  	[sflag:s0] =	ssyncadd.remote.s32 $0x1  }
0xcd: {  	_ =	sfence.sel $0xFFFF  }
0xce: {  	[dreg:$0x0] =	wrdreg $0xFFFFFFFF;
	(pc) =	sbr.abs _section_cstart, $3  }
0xcf: {  	[dreg:$0x1] =	wrdreg $0xFFFFFFFF  }
0xd0: {  	_ =	task.clear_ibuf [dreg:s22], $0x2FFFF;
	_ =	strace $0x9FFFFFFF  }
0xd1: {  	(tm) =	ssettm $0x7FFFFFFF  }
tec
execute0_lowered:
.L_overlay_start_1:
0x0: {  	(tag) =	ssettag $0x1  }
0x1: {  	s6 =	rddreg [dreg:$0x0]  }
0x2: {  	s2 =	rddreg [dreg:$0x1]  }
0x3: {  	s1 =	srdreg.scid;
	s0 =	rddreg [dreg:$0x2]  }
0x4: {  	s3 =	simm.s32 $0x0;
	s13 =	simm.s32 $0x80;
	s7 =	sand.u32 $0x1, s1  }
0x5: {  	s14 =	simm.s32 $0x5000;
	s1 =	stileid.u32;
	s5 =	smul.u32 $0x140000, s7  }
0x6: {  	s15 =	simm.s32 $0x0;
	[smem:$0x7FF] =	sst s3;
	s8 =	smul.u32 $0x14000, s1  }
0x7: {  	s4 =	sshll.u32 s7, $0x4;
	_ =	strace $0x8000004A;
	s10 =	smul.u32 $0x50000, s1  }
0x8: {  	s31 =	ssub.s32 $0x2, s7;
	s11 =	sshll.u32 s1, $0x6;
	s4 =	sor.u32 s1, s4  }
0x9: {  	s7 =	sshrl.u32 s31, $0x1;
	s9 =	smul.u32 $0x500, s4;
	s4 =	sadd.s32 $0x13400, s6  }
0xa: {  	s5 =	sadd.s32 s8, s5;
	s10 =	sshrl.u32 s10, $0x2;
	s12 =	ssub.s32 s31, s7  }
0xb: {  	s30 =	sshrl.u32 s5, $0x3;
	s5 =	sadd.s32 $0x10C00, s6;
	s10 =	sadd.s32 s10, s2  }
0xc: {  	s29 =	sadd.s32 s9, s6;
	s9 =	sadd.s32 s30, s6;
	s6 =	sor.u32 $0x1C01, s11  }
0xd: {  	s10 =	sshrl.u32 s10, $0x3;
	s11 =	simm.s32 $0x1;
	s7 =	sadd.s32 $0x8B400, s29  }
0xe: {  	s8 =	sadd.s32 $0x95400, s9;
	s9 =	smax.u32 s12, $0x1;
	s12 =	simm.s32 $0x2800  }
.LBB2_1:
0xf: {  	[spmem:s10], [sflag:s6] =	dma.local [hbm:s5], $0x2800  }
0x10: {  	_ =	swait.ge [sflag:s11], $0x2800  }
0x11: {  	[sflag:s11] =	ssyncset.done $0x0  }
0x12: {  	[sflag:s11] =	ssyncadd.s32 $0xFFFFD800  }
0x13: {  	[tilespmem:s3], [sflag:$0x1] =	stream.linear.gather [hbm4b:s7+s3], $0x2800, $0x38;
	[tilespmem:$0x1D000] =	vst v63  }
0x14: {  	_ =	swait.ge [sflag:s11], $0x2800  }
0x15: {  	[sflag:s11] =	ssyncset.done $0x0  }
0x16: {  	[sflag:s11] =	ssyncadd.s32 $0xFFFFD800  }
0x17: {  	[tilespmem:s12], [sflag:$0x1] =	stream.linear.gather [hbm4b:s7+s3], $0x2800, $0x38;
	[tilespmem:$0x1D000] =	vst v63  }
0x18: {  	_ =	swait.ge [sflag:s11], $0x2800  }
0x19: {  	[sflag:s11] =	ssyncset.done $0x0  }
0x1a: {  	[sflag:s11] =	ssyncadd.s32 $0xFFFFD800  }
0x1b: {  	s16 =	simm.s32 $0x0;
	[bflag:$0x0] =	sbarrier.arrive $0xFFFF  }
0x1c: {  	[tilespmem:s14], [sflag:$0x1] =	stream.indirect.gather [hbm4b:s4+s13], $0x80, s16, s13, $0xb8;
	[tilespmem:$0x1D000] =	vst v63  }
0x1d: {  	_ =	swait.ge [sflag:s11], $0x4000  }
0x1e: {  	[sflag:s11] =	ssyncset.done $0x0  }
0x1f: {  	s31 =	simm.s32 $0x2800;
	[sflag:s11] =	ssyncadd.s32 $0xFFFFC000  }
0x20: {  	[spmem:s2] =	stream.indirect.scatter.add.f32 [tilespmem:s14], [sflag:$0x1], $0x80, s31, s13, $0xb8;
	[tilespmem:$0x1D000] =	vst v63  }
0x21: {  	_ =	swait.ge [sflag:s11], $0x4000  }
0x22: {  	s17 =	simm.s32 $0x400;
	s16 =	simm.s32 $0x200;
	[sflag:s11] =	ssyncset.done $0x0  }
.LBB2_2:
0x23: {  	s18 =	sshra.s32 s16, $0x2  }
0x24: {  	[sflag:s11] =	ssyncadd.s32 $0xFFFFC000;
	s16 =	smov.u32 s17;
	s19 =	sadd.s32 $0x200, s17  }
0x25: {  	[tilespmem:s14], [sflag:$0x1] =	stream.indirect.gather [hbm4b:s4+s13], $0x80, s18, s13, $0xb8;
	[tilespmem:$0x1D000] =	vst v63  }
0x26: {  	p0 =	sne.s32 s17, $0x9E00;
	_ =	swait.ge [sflag:s11], $0x4000  }
.Ltmp0:
0x27: {  	[sflag:s11] =	ssyncset.done $0x0;
	(pc) =	sbr.rel @p0 .LBB2_2-.Ltmp0, $4  }
0x28: {  	s17 =	sadd.s32 $0x2800, s18;
	[sflag:s11] =	ssyncadd.s32 $0xFFFFC000  }
0x29: {  	[spmem:s2] =	stream.indirect.scatter.add.f32 [tilespmem:s14], [sflag:$0x1], $0x80, s17, s13, $0xb8;
	[tilespmem:$0x1D000] =	vst v63  }
0x2a: {  	_ =	swait.ge [sflag:s11], $0x4000  }
0x2b: {  	s17 =	smov.u32 s19;
	[sflag:s11] =	ssyncset.done $0x0  }
0x2c: {  	s16 =	sshra.s32 s16, $0x2;
	[sflag:s11] =	ssyncadd.s32 $0xFFFFC000  }
0x2d: {  	[tilespmem:s14], [sflag:$0x1] =	stream.indirect.gather [hbm4b:s4+s13], $0x80, s16, s13, $0xb8;
	[tilespmem:$0x1D000] =	vst v63  }
0x2e: {  	_ =	swait.ge [sflag:s11], $0x4000  }
0x2f: {  	[sflag:s11] =	ssyncset.done $0x0  }
0x30: {  	s16 =	sadd.s32 $0x2800, s16;
	[sflag:s11] =	ssyncadd.s32 $0xFFFFC000  }
0x31: {  	[spmem:s2] =	stream.indirect.scatter.add.f32 [tilespmem:s14], [sflag:$0x1], $0x80, s16, s13, $0xb8;
	[tilespmem:$0x1D000] =	vst v63  }
0x32: {  	_ =	swait.ge [sflag:s11], $0x4000  }
0x33: {  	s15 =	sadd.s32 $0x1, s15;
	[sflag:s11] =	ssyncset.done $0x0  }
0x34: {  	p0 =	sne.s32 s15, s9;
	[sflag:s11] =	ssyncadd.s32 $0xFFFFC000  }
.Ltmp1:
0x35: {  	[bflag:$0x0] =	sbarrier.arrive $0xFFFF;
	(pc) =	sbr.rel @p0 .LBB2_1-.Ltmp1, $4  }
0x36: {  	[hbm:s8], [sflag:s6] =	dma.local [spmem:s10], $0x2800  }
0x37: {  	_ =	swait.ge [sflag:s11], $0x2800  }
0x38: {  	[sflag:s11] =	ssyncset.done $0x0  }
0x39: {  	[sflag:s11] =	ssyncadd.s32 $0xFFFFD800  }
0x3a: {  	_ =	sfence.sel $0x180000  }
0x3b: {  	[bflag:$0x0] =	sbarrier.arrive $0xFFFF  }
0x3c: {  	p0 =	sne.s32 s1, $0x0;
	_ =	strace $0x9000004A  }
0x3d: {  	s0 =	sadd.s32 @!p0 $0x100000, s0;
	[bflag:$0x2] =	sbarrier.arrive $0xFFFF  }
0x3e: {  	[sflag:s0] =	ssyncadd.tile.s32 @!p0 $0x1;
	_ =	shalt  }
.Lfunc_end2:
_tile_overlayer_lowered:
.L_overlay_start_2:
0x3f: {  	(tag) =	ssettag $0x2  }
0x40: {  	s0 =	rddreg [dreg:$0x0];
	s2 =	stileid.u32  }
0x41: {  	s1 =	rddreg [dreg:$0x1];
	p0 =	sne.s32 s2, $0x0  }
0x42: {  	s3 =	rddreg [dreg:$0x2];
	[bflag:$0x3] =	sbarrier.arrive $0xFFFF;
	s2 =	simm.s32 @!p0 $0x1C01  }
0x43: {  	[timem:s3], [sflag:s2] =	dma.local @!p0 [hbm:s0], s1  }
0x44: {  	s0 =	simm.s32 @!p0 $0x1  }
0x45: {  	_ =	swait.ge @!p0 [sflag:s0], s1  }
0x46: {  	s1 =	ssub.s32 @!p0 $0x0, s1;
	[sflag:s0] =	ssyncset.done @!p0 $0x0  }
0x47: {  	[sflag:s0] =	ssyncadd.s32 @!p0 s1  }
0x48: {  	[bflag:$0x3] =	sbarrier.arrive $0xFFFF  }
0x49: {  	_ =	shalt  }

// kernel: kernel.28.cloned.1.call-start
scs
__scs_entry_jumppad:
0x0: {  	(pc) =	sbr.rel $0x88, $3  }
0x1: {  	(tag) =	ssettag $0x0;
	lr =	simm.s32 $0x1  }
0x2: {  	[smem:$0x3F8D] =	sst lr;
	_ =	strace $0xD0000000  }
0x3: {  	_ = 	snop  }
0x4: {  	_ = 	snop  }
0x5: {  	_ = 	snop  }
0x6: {  	_ = 	snop  }
0x7: {  	_ = 	snop  }
__scs_overlays_trampoline_lowered:
0x8: {  	[smem:$0x3F9C] =	sst s0  }
0x9: {  	[smem:$0x3F9D] =	sst s1  }
0xa: {  	[smem:$0x3F9E] =	sst s2  }
0xb: {  	[smem:$0x3F9F] =	sst s3  }
0xc: {  	[smem:$0x3FA0] =	sst s4  }
0xd: {  	[smem:$0x3FA1] =	sst s5  }
0xe: {  	[smem:$0x3FA2] =	sst s6  }
0xf: {  	[smem:$0x3FA3] =	sst s7  }
0x10: {  	[smem:$0x3FA4] =	sst s8  }
0x11: {  	[smem:$0x3FA5] =	sst s9;
	s0 =	simm.s32 @!p0 $0x0  }
0x12: {  	s1 =	sld [smem:$0x3F8B];
	s0 =	simm.s32 @p0 $0x1  }
0x13: {  	[smem:$0x3FA6] =	sst s0;
	s0 =	simm.s32 @!p1 $0x0  }
0x14: {  	s2 =	sld [smem:$0x3F8A];
	s0 =	simm.s32 @p1 $0x1  }
0x15: {  	[smem:$0x3FA7] =	sst s0;
	s0 =	simm.s32 @!p2 $0x0  }
0x16: {  	s3 =	sld [smem:$0x3FDB];
	s0 =	simm.s32 @p2 $0x1  }
0x17: {  	s4 =	simm.s32 $0x1BF5;
	[smem:$0x3FA9] =	sst s0  }
0x18: {  	s0 =	sld [smem:$0x3F8C];
	_ =	swait.ge [sflag:s4], $0x0  }
0x19: {  	s7 =	sld [smem:$0x3F8D]  }
0x1a: {  	s8 =	sadd.s32 $0xFFFFE003, lr  }
0x1b: {  	s9 =	sadd.s32 $0xFFFFFEF7, lr;
	s5 =	simm.s32 $0xFFFFFFFF;
	p2 =	slt.u32 s8, $0xFFFFF086  }
0x1c: {  	p1 =	slt.u32 s9, $0xF7A;
	s5 =	simm.s32 @!p2 $0x0  }
0x1d: {  	s5 =	simm.s32 @p1 $0x1;
	p0 =	seq.s32 s7, s2  }
0x1e: {  	s7 =	smul.u32 @!p0 $0xF7A, s2;
	p2 =	seq.s32 @!p0 s5, $0x0  }
0x1f: {  	s9 =	smul.u32 $0xF7A, s1;
	s8 =	simm.s32 @!p0 $0x1BF5;
	p2 =	por !p2, p0  }
0x20: {  	[sflag:s8] =	ssyncset.s32 @!p0 $0xFFFFF086;
	s6 =	sadd.s32 @!p0 s3, s7;
	s7 =	simm.s32 @!p0 $0x108  }
0x21: {  	s3 =	sadd.s32 s3, s9;
	s6 =	sadd.s32 @!p0 $0x88, s6;
	s7 =	simm.s32 @p2 $0x1082  }
0x22: {  	[simem:s7], [sflag:s8] =	dma.local @!p0 [hbm:s6], $0xF7A  }
0x23: {  	s9 =	sor.u32 $0xD0000000, s2;
	s6 =	simm.s32 $0x108;
	_ =	swait.ge @!p0 [sflag:s8], $0x0  }
0x24: {  	s3 =	sadd.s32 $0x88, s3;
	s6 =	simm.s32 @!p1 $0x1082;
	[sflag:s4] =	ssyncset.s32 $0xFFFFF086  }
0x25: {  	[simem:s6], [sflag:s4] =	dma.local [hbm:s3], $0xF7A  }
0x26: {  	[smem:$0x3F8D] =	sst s1;
	(tag) =	ssettag s2;
	_ =	strace s9  }
0x27: {  	s1 =	sld [smem:$0x3F9D]  }
0x28: {  	s2 =	sld [smem:$0x3F9E]  }
0x29: {  	s4 =	sld [smem:$0x3FA0]  }
0x2a: {  	p0 =	seq.s32 s5, $0x0;
	s5 =	sld [smem:$0x3FA1]  }
0x2b: {  	s6 =	sld [smem:$0x3FA2]  }
0x2c: {  	s7 =	sld [smem:$0x3FA3]  }
0x2d: {  	s3 =	simm.s32 $0x108;
	s8 =	sld [smem:$0x3FA4]  }
0x2e: {  	s3 =	simm.s32 @!p0 $0x1082;
	s9 =	sld [smem:$0x3FA5]  }
0x2f: {  	lr =	sadd.s32 s0, s3;
	s0 =	sld [smem:$0x3F9C]  }
0x30: {  	s3 =	sld [smem:$0x3F9F]  }
0x31: {  	[smem:$0x3FA8] =	sst s10  }
0x32: {  	s10 =	sld [smem:$0x3FA6];
	_ =	sdelay $0x3  }
0x33: {  	p0 =	seq.s32 s10, $0x1;
	s10 =	sld [smem:$0x3FA8];
	_ =	sdelay $0x3  }
0x34: {  	[smem:$0x3FA8] =	sst s10  }
0x35: {  	s10 =	sld [smem:$0x3FA7];
	_ =	sdelay $0x3  }
0x36: {  	p1 =	seq.s32 s10, $0x1;
	s10 =	sld [smem:$0x3FA8];
	_ =	sdelay $0x3  }
0x37: {  	[smem:$0x3FA8] =	sst s10  }
0x38: {  	s10 =	sld [smem:$0x3FA9]  }
0x39: {  	_ = 	snop;
	(pc) =	sbr.ind lr, $3  }
0x3a: {  	_ = 	snop  }
0x3b: {  	_ = 	snop  }
0x3c: {  	p2 =	seq.s32 s10, $0x1;
	s10 =	sld [smem:$0x3FA8]  }
0x3d: {  	_ =	shalt  }
0x3e: {  	_ =	shalt  }
0x3f: {  	_ =	shalt  }
0x40: {  	_ =	shalt  }
0x41: {  	_ =	shalt  }
0x42: {  	_ =	shalt  }
0x43: {  	_ =	shalt  }
0x44: {  	_ =	shalt  }
0x45: {  	_ =	shalt  }
0x46: {  	_ =	shalt  }
0x47: {  	_ =	shalt  }
0x48: {  	_ =	shalt  }
0x49: {  	_ =	shalt  }
0x4a: {  	_ =	shalt  }
0x4b: {  	_ =	shalt  }
0x4c: {  	_ =	shalt  }
0x4d: {  	_ =	shalt  }
0x4e: {  	_ =	shalt  }
0x4f: {  	_ =	shalt  }
0x50: {  	_ =	shalt  }
0x51: {  	_ =	shalt  }
0x52: {  	_ =	shalt  }
0x53: {  	_ =	shalt  }
0x54: {  	_ =	shalt  }
0x55: {  	_ =	shalt  }
0x56: {  	_ =	shalt  }
0x57: {  	_ =	shalt  }
0x58: {  	_ =	shalt  }
0x59: {  	_ =	shalt  }
0x5a: {  	_ =	shalt  }
0x5b: {  	_ =	shalt  }
0x5c: {  	_ =	shalt  }
0x5d: {  	_ =	shalt  }
0x5e: {  	_ =	shalt  }
0x5f: {  	_ =	shalt  }
0x60: {  	_ =	shalt  }
0x61: {  	_ =	shalt  }
0x62: {  	_ =	shalt  }
0x63: {  	_ =	shalt  }
0x64: {  	_ =	shalt  }
0x65: {  	_ =	shalt  }
0x66: {  	_ =	shalt  }
0x67: {  	_ =	shalt  }
0x68: {  	_ =	shalt  }
0x69: {  	_ =	shalt  }
0x6a: {  	_ =	shalt  }
0x6b: {  	_ =	shalt  }
0x6c: {  	_ =	shalt  }
0x6d: {  	_ =	shalt  }
0x6e: {  	_ =	shalt  }
0x6f: {  	_ =	shalt  }
0x70: {  	_ =	shalt  }
0x71: {  	_ =	shalt  }
0x72: {  	_ =	shalt  }
0x73: {  	_ =	shalt  }
0x74: {  	_ =	shalt  }
0x75: {  	_ =	shalt  }
0x76: {  	_ =	shalt  }
0x77: {  	_ =	shalt  }
0x78: {  	_ =	shalt  }
0x79: {  	_ =	shalt  }
0x7a: {  	_ =	shalt  }
0x7b: {  	_ =	shalt  }
0x7c: {  	_ =	shalt  }
0x7d: {  	_ =	shalt  }
0x7e: {  	_ =	shalt  }
0x7f: {  	_ =	shalt  }
0x80: {  	_ =	shalt  }
0x81: {  	_ =	shalt  }
0x82: {  	_ =	shalt  }
0x83: {  	_ =	shalt  }
0x84: {  	_ =	shalt  }
0x85: {  	_ =	shalt  }
0x86: {  	_ =	shalt  }
0x87: {  	_ =	shalt  }
.Lfunc_end0:
.L_simem_size_0:
called_computation.3_lowered:
.L_overlay_start_0:
0x88: {  	s2 =	sld [smem:$0x3FD9]  }
0x89: {  	s3 =	sld [smem:$0x3FFE];
	_ =	sdelay $0x1  }
0x8a: {  	s1 =	srdreg.scid  }
0x8b: {  	s0 =	sand.u32 $0x1, s1  }
0x8c: {  	s16 =	sshll.u32 s0, $0xA;
	s2 =	sadd.s32 s3, s2  }
0x8d: {  	s2 =	sadd.s32 s2, s16  }
0x8e: {  	[smem:$0x3FB4] =	sst s2  }
0x8f: {  	_ = 	snop  }
0x90: {  	(tm) =	ssettm $0x1  }
0x91: {  	s17 =	sld [smem:$0x3FFB];
	_ =	sdelay $0x3  }
0x92: {  	_ =	strace s17  }
0x93: {  	s2 =	sld [smem:$0x3FFC];
	_ =	sdelay $0x3  }
0x94: {  	_ =	strace s2  }
0x95: {  	s2 =	sld [smem:$0x3FFD];
	_ =	sdelay $0x3  }
0x96: {  	_ =	strace s2  }
0x97: {  	_ =	strace $0x8FFFFFFF  }
0x98: {  	s18 =	sld [smem:$0x3FDB];
	_ =	sdelay $0x1  }
0x99: {  	s19 =	simm.s32 $_scs_section_size  }
0x9a: {  	s4 =	simm.s32 $_size__tile_overlayer_lowered;
	s5 =	simm.s32 $_tile_overlayer_lowered  }
0x9b: {  	s22 =	simm.s32 $0x1BFF;
	s21 =	sshll.u32 s5, $0x1;
	s2 =	sadd.s32 s19, s18  }
0x9c: {  	s6 =	simm.s32 $0x0;
	s20 =	sshll.u32 s4, $0x1;
	s4 =	sadd.s32 s21, s2  }
0x9d: {  	[timem:s6], [sflag:s22] =	dma.local [hbm:s4], s20  }
0x9e: {  	_ =	swait.ge [sflag:s22], s20  }
0x9f: {  	s3 =	ssub.s32 $0x0, s20;
	[sflag:s22] =	ssyncset.done $0x0  }
0xa0: {  	[sflag:s22] =	ssyncadd.s32 s3;
	_ =	sdelay $0x1  }
0xa1: {  	s23 =	simm.s32 $0x1B8B  }
0xa2: {  	_ =	swait.ge [sflag:s23], $0x1  }
0xa3: {  	[sflag:s23] =	ssyncset.done $0x0  }
0xa4: {  	s25 =	simm.s32 $0x1B8E;
	s24 =	sld [smem:$0x3FFE];
	[sflag:s23] =	ssyncadd.s32 $0xFFFFFFFF  }
0xa5: {  	s26 =	simm.s32 $execute0_lowered;
	[smem:$0x3FD2] =	sst s25  }
0xa6: {  	s4 =	sshll.u32 s26, $0x1;
	_ =	strace $0x8000004F;
	[dreg:$0x1] =	wrdreg $0xFFFFFFFF  }
0xa7: {  	s28 =	simm.s32 $_size_execute0_lowered;
	s2 =	sadd.s32 s2, s4;
	[dreg:$0x0] =	wrdreg $0x0  }
0xa8: {  	s4 =	sshll.u32 s28, $0x1;
	[dreg:$0x2] =	wrdreg s2  }
0xa9: {  	[dreg:$0x3] =	wrdreg s4  }
0xaa: {  	[dreg:$0x4] =	wrdreg $0xC0  }
0xab: {  	_ =	task [dreg:s6], $0x5FFFF  }
0xac: {  	[dreg:$0x1] =	wrdreg $0xFFFFFFFF  }
0xad: {  	[dreg:$0x0] =	wrdreg $0x60  }
0xae: {  	[dreg:$0x2] =	wrdreg s24  }
0xaf: {  	[dreg:$0x3] =	wrdreg $0x90000  }
0xb0: {  	[dreg:$0x4] =	wrdreg $0x9  }
0xb1: {  	_ =	task.clear_ibuf [dreg:s6], $0x5FFFF;
	_ =	strace $0x9000004F  }
0xb2: {  	s29 =	simm.s32 $0x9;
	_ =	strace $0x80000051  }
0xb3: {  	_ =	swait.ge [sflag:s29], $0x1  }
0xb4: {  	[sflag:s29] =	ssyncadd.s32 $0xFFFFFFFF  }
0xb5: {  	_ =	strace $0x90000051  }
0xb6: {  	_ =	sfence  }
0xb7: {  	s30 =	sld [smem:$0x0];
	_ =	sdelay $0x2  }
0xb8: {  	s31 =	sshll.u32 s1, $0xD;
	s1 =	sshrl.u32 s1, $0x2  }
0xb9: {  	s3 =	sand.u32 $0x4000, s31;
	s1 =	sadd.s32 s1, s30  }
0xba: {  	s0 =	sor.u32 s3, s0;
	s1 =	sshll.u32 s1, $0x11  }
0xbb: {  	s0 =	sor.u32 s1, s0  }
0xbc: {  	s0 =	sadd.s32 $0x8F2B, s0  }
0xbd: {  	[sflag:s0] =	ssyncadd.remote.s32 $0x1  }
0xbe: {  	_ =	sfence.sel $0xFFFF  }
0xbf: {  	[dreg:$0x0] =	wrdreg $0xFFFFFFFF;
	(pc) =	sbr.abs _section_cstart, $3  }
0xc0: {  	[dreg:$0x1] =	wrdreg $0xFFFFFFFF  }
0xc1: {  	_ =	task.clear_ibuf [dreg:s6], $0x2FFFF;
	_ =	strace $0x9FFFFFFF  }
0xc2: {  	(tm) =	ssettm $0x7FFFFFFF  }
0xc3: {  	_ =	shalt  }
tec
execute0_lowered:
.L_overlay_start_1:
0x0: {  	(tag) =	ssettag $0x1  }
0x1: {  	s0 =	srdreg.scid;
	s6 =	rddreg [dreg:$0x0]  }
0x2: {  	s2 =	rddreg [dreg:$0x1];
	s3 =	simm.s32 $0x0;
	s14 =	simm.s32 $0x80  }
0x3: {  	s15 =	simm.s32 $0x5000;
	s5 =	sand.u32 $0x1, s0;
	s0 =	stileid.u32  }
0x4: {  	s16 =	simm.s32 $0x0;
	[smem:$0x7FF] =	sst s3;
	s8 =	smul.u32 $0x140000, s5  }
0x5: {  	s4 =	sadd.s32 $0x13400, s6;
	s1 =	sshll.u32 s5, $0x4;
	s9 =	smul.u32 $0x14000, s0  }
0x6: {  	s26 =	ssub.s32 $0x2, s5;
	s28 =	smul.u32 $0x50000, s0;
	s5 =	sadd.s32 $0x10C00, s6  }
0x7: {  	s31 =	sshll.u32 s0, $0x6;
	s1 =	sor.u32 s0, s1;
	s29 =	sshrl.u32 s26, $0x1  }
0x8: {  	s7 =	smul.u32 $0x500, s1;
	s1 =	rddreg [dreg:$0x2];
	_ =	strace $0x80000050  }
0x9: {  	s25 =	sadd.s32 s9, s8;
	s12 =	ssub.s32 s26, s29;
	s30 =	sshrl.u32 s28, $0x2  }
0xa: {  	s13 =	sadd.s32 s30, s2;
	s10 =	sadd.s32 s7, s6;
	s7 =	sshrl.u32 s25, $0x3  }
0xb: {  	s11 =	sadd.s32 s7, s6;
	s6 =	sor.u32 $0x1C01, s31;
	s7 =	sadd.s32 $0x6C00, s10  }
0xc: {  	s8 =	sadd.s32 $0x8B400, s10;
	s10 =	smax.u32 s12, $0x1;
	s12 =	simm.s32 $0x1  }
0xd: {  	s9 =	sadd.s32 $0x3B400, s11;
	s11 =	sshrl.u32 s13, $0x3;
	s13 =	simm.s32 $0x2800  }
.LBB2_1:
0xe: {  	[spmem:s11], [sflag:s6] =	dma.local [hbm:s5], $0x2800  }
0xf: {  	_ =	swait.ge [sflag:s12], $0x2800  }
0x10: {  	[sflag:s12] =	ssyncset.done $0x0  }
0x11: {  	[sflag:s12] =	ssyncadd.s32 $0xFFFFD800  }
0x12: {  	[tilespmem:s3], [sflag:$0x1] =	stream.linear.gather [hbm4b:s7+s3], $0x2800, $0x38;
	[tilespmem:$0x1D000] =	vst v63  }
0x13: {  	_ =	swait.ge [sflag:s12], $0x2800  }
0x14: {  	[sflag:s12] =	ssyncset.done $0x0  }
0x15: {  	[sflag:s12] =	ssyncadd.s32 $0xFFFFD800  }
0x16: {  	[tilespmem:s13], [sflag:$0x1] =	stream.linear.gather [hbm4b:s8+s3], $0x2800, $0x38;
	[tilespmem:$0x1D000] =	vst v63  }
0x17: {  	_ =	swait.ge [sflag:s12], $0x2800  }
0x18: {  	[sflag:s12] =	ssyncset.done $0x0  }
0x19: {  	[sflag:s12] =	ssyncadd.s32 $0xFFFFD800  }
0x1a: {  	s17 =	simm.s32 $0x0;
	[bflag:$0x0] =	sbarrier.arrive $0xFFFF  }
0x1b: {  	[tilespmem:s15], [sflag:$0x1] =	stream.indirect.gather [hbm4b:s4+s14], $0x80, s17, s14, $0xb8;
	[tilespmem:$0x1D000] =	vst v63  }
0x1c: {  	_ =	swait.ge [sflag:s12], $0x4000  }
0x1d: {  	[sflag:s12] =	ssyncset.done $0x0  }
0x1e: {  	s31 =	simm.s32 $0x2800;
	[sflag:s12] =	ssyncadd.s32 $0xFFFFC000  }
0x1f: {  	[spmem:s2] =	stream.indirect.scatter.add.f32 [tilespmem:s15], [sflag:$0x1], $0x80, s31, s14, $0xb8;
	[tilespmem:$0x1D000] =	vst v63  }
0x20: {  	_ =	swait.ge [sflag:s12], $0x4000  }
0x21: {  	s18 =	simm.s32 $0x400;
	s17 =	simm.s32 $0x200;
	[sflag:s12] =	ssyncset.done $0x0  }
.LBB2_2:
0x22: {  	s19 =	sshra.s32 s17, $0x2  }
0x23: {  	[sflag:s12] =	ssyncadd.s32 $0xFFFFC000;
	s17 =	smov.u32 s18;
	s20 =	sadd.s32 $0x200, s18  }
0x24: {  	[tilespmem:s15], [sflag:$0x1] =	stream.indirect.gather [hbm4b:s4+s14], $0x80, s19, s14, $0xb8;
	[tilespmem:$0x1D000] =	vst v63  }
0x25: {  	p0 =	sne.s32 s18, $0x9E00;
	_ =	swait.ge [sflag:s12], $0x4000  }
.Ltmp0:
0x26: {  	[sflag:s12] =	ssyncset.done $0x0;
	(pc) =	sbr.rel @p0 .LBB2_2-.Ltmp0, $4  }
0x27: {  	s18 =	sadd.s32 $0x2800, s19;
	[sflag:s12] =	ssyncadd.s32 $0xFFFFC000  }
0x28: {  	[spmem:s2] =	stream.indirect.scatter.add.f32 [tilespmem:s15], [sflag:$0x1], $0x80, s18, s14, $0xb8;
	[tilespmem:$0x1D000] =	vst v63  }
0x29: {  	_ =	swait.ge [sflag:s12], $0x4000  }
0x2a: {  	s18 =	smov.u32 s20;
	[sflag:s12] =	ssyncset.done $0x0  }
0x2b: {  	s17 =	sshra.s32 s17, $0x2;
	[sflag:s12] =	ssyncadd.s32 $0xFFFFC000  }
0x2c: {  	[tilespmem:s15], [sflag:$0x1] =	stream.indirect.gather [hbm4b:s4+s14], $0x80, s17, s14, $0xb8;
	[tilespmem:$0x1D000] =	vst v63  }
0x2d: {  	_ =	swait.ge [sflag:s12], $0x4000  }
0x2e: {  	[sflag:s12] =	ssyncset.done $0x0  }
0x2f: {  	s17 =	sadd.s32 $0x2800, s17;
	[sflag:s12] =	ssyncadd.s32 $0xFFFFC000  }
0x30: {  	[spmem:s2] =	stream.indirect.scatter.add.f32 [tilespmem:s15], [sflag:$0x1], $0x80, s17, s14, $0xb8;
	[tilespmem:$0x1D000] =	vst v63  }
0x31: {  	_ =	swait.ge [sflag:s12], $0x4000  }
0x32: {  	s16 =	sadd.s32 $0x1, s16;
	[sflag:s12] =	ssyncset.done $0x0  }
0x33: {  	p0 =	sne.s32 s16, s10;
	[sflag:s12] =	ssyncadd.s32 $0xFFFFC000  }
.Ltmp1:
0x34: {  	[bflag:$0x0] =	sbarrier.arrive $0xFFFF;
	(pc) =	sbr.rel @p0 .LBB2_1-.Ltmp1, $4  }
0x35: {  	[hbm:s9], [sflag:s6] =	dma.local [spmem:s11], $0x2800  }
0x36: {  	_ =	swait.ge [sflag:s12], $0x2800  }
0x37: {  	[sflag:s12] =	ssyncset.done $0x0  }
0x38: {  	[sflag:s12] =	ssyncadd.s32 $0xFFFFD800  }
0x39: {  	_ =	sfence.sel $0x180000  }
0x3a: {  	[bflag:$0x0] =	sbarrier.arrive $0xFFFF  }
0x3b: {  	p0 =	sne.s32 s0, $0x0;
	_ =	strace $0x90000050  }
0x3c: {  	s0 =	sadd.s32 @!p0 $0x100000, s1;
	[bflag:$0x2] =	sbarrier.arrive $0xFFFF  }
0x3d: {  	[sflag:s0] =	ssyncadd.tile.s32 @!p0 $0x1;
	_ =	shalt  }
.Lfunc_end2:
_tile_overlayer_lowered:
.L_overlay_start_2:
0x3e: {  	(tag) =	ssettag $0x2  }
0x3f: {  	s0 =	rddreg [dreg:$0x0];
	s2 =	stileid.u32  }
0x40: {  	s1 =	rddreg [dreg:$0x1];
	p0 =	sne.s32 s2, $0x0  }
0x41: {  	s3 =	rddreg [dreg:$0x2];
	[bflag:$0x3] =	sbarrier.arrive $0xFFFF;
	s2 =	simm.s32 @!p0 $0x1C01  }
0x42: {  	[timem:s3], [sflag:s2] =	dma.local @!p0 [hbm:s0], s1  }
0x43: {  	s0 =	simm.s32 @!p0 $0x1  }
0x44: {  	_ =	swait.ge @!p0 [sflag:s0], s1  }
0x45: {  	s1 =	ssub.s32 @!p0 $0x0, s1;
	[sflag:s0] =	ssyncset.done @!p0 $0x0  }
0x46: {  	[sflag:s0] =	ssyncadd.s32 @!p0 s1  }
0x47: {  	[bflag:$0x3] =	sbarrier.arrive $0xFFFF  }
0x48: {  	_ =	shalt  }

// kernel: kernel.31.cloned.1.call-start
scs
__scs_entry_jumppad:
0x0: {  	(pc) =	sbr.rel $0x88, $3  }
0x1: {  	(tag) =	ssettag $0x0;
	lr =	simm.s32 $0x1  }
0x2: {  	[smem:$0x3F8D] =	sst lr;
	_ =	strace $0xD0000000  }
0x3: {  	_ = 	snop  }
0x4: {  	_ = 	snop  }
0x5: {  	_ = 	snop  }
0x6: {  	_ = 	snop  }
0x7: {  	_ = 	snop  }
__scs_overlays_trampoline_lowered:
0x8: {  	[smem:$0x3F9C] =	sst s0  }
0x9: {  	[smem:$0x3F9D] =	sst s1  }
0xa: {  	[smem:$0x3F9E] =	sst s2  }
0xb: {  	[smem:$0x3F9F] =	sst s3  }
0xc: {  	[smem:$0x3FA0] =	sst s4  }
0xd: {  	[smem:$0x3FA1] =	sst s5  }
0xe: {  	[smem:$0x3FA2] =	sst s6  }
0xf: {  	[smem:$0x3FA3] =	sst s7  }
0x10: {  	[smem:$0x3FA4] =	sst s8  }
0x11: {  	[smem:$0x3FA5] =	sst s9;
	s0 =	simm.s32 @!p0 $0x0  }
0x12: {  	s1 =	sld [smem:$0x3F8B];
	s0 =	simm.s32 @p0 $0x1  }
0x13: {  	[smem:$0x3FA6] =	sst s0;
	s0 =	simm.s32 @!p1 $0x0  }
0x14: {  	s2 =	sld [smem:$0x3F8A];
	s0 =	simm.s32 @p1 $0x1  }
0x15: {  	[smem:$0x3FA7] =	sst s0;
	s0 =	simm.s32 @!p2 $0x0  }
0x16: {  	s3 =	sld [smem:$0x3FDB];
	s0 =	simm.s32 @p2 $0x1  }
0x17: {  	s4 =	simm.s32 $0x1BF5;
	[smem:$0x3FA9] =	sst s0  }
0x18: {  	s0 =	sld [smem:$0x3F8C];
	_ =	swait.ge [sflag:s4], $0x0  }
0x19: {  	s7 =	sld [smem:$0x3F8D]  }
0x1a: {  	s8 =	sadd.s32 $0xFFFFE003, lr  }
0x1b: {  	s9 =	sadd.s32 $0xFFFFFEF7, lr;
	s5 =	simm.s32 $0xFFFFFFFF;
	p2 =	slt.u32 s8, $0xFFFFF086  }
0x1c: {  	p1 =	slt.u32 s9, $0xF7A;
	s5 =	simm.s32 @!p2 $0x0  }
0x1d: {  	s5 =	simm.s32 @p1 $0x1;
	p0 =	seq.s32 s7, s2  }
0x1e: {  	s7 =	smul.u32 @!p0 $0xF7A, s2;
	p2 =	seq.s32 @!p0 s5, $0x0  }
0x1f: {  	s9 =	smul.u32 $0xF7A, s1;
	s8 =	simm.s32 @!p0 $0x1BF5;
	p2 =	por !p2, p0  }
0x20: {  	[sflag:s8] =	ssyncset.s32 @!p0 $0xFFFFF086;
	s6 =	sadd.s32 @!p0 s3, s7;
	s7 =	simm.s32 @!p0 $0x108  }
0x21: {  	s3 =	sadd.s32 s3, s9;
	s6 =	sadd.s32 @!p0 $0x88, s6;
	s7 =	simm.s32 @p2 $0x1082  }
0x22: {  	[simem:s7], [sflag:s8] =	dma.local @!p0 [hbm:s6], $0xF7A  }
0x23: {  	s9 =	sor.u32 $0xD0000000, s2;
	s6 =	simm.s32 $0x108;
	_ =	swait.ge @!p0 [sflag:s8], $0x0  }
0x24: {  	s3 =	sadd.s32 $0x88, s3;
	s6 =	simm.s32 @!p1 $0x1082;
	[sflag:s4] =	ssyncset.s32 $0xFFFFF086  }
0x25: {  	[simem:s6], [sflag:s4] =	dma.local [hbm:s3], $0xF7A  }
0x26: {  	[smem:$0x3F8D] =	sst s1;
	(tag) =	ssettag s2;
	_ =	strace s9  }
0x27: {  	s1 =	sld [smem:$0x3F9D]  }
0x28: {  	s2 =	sld [smem:$0x3F9E]  }
0x29: {  	s4 =	sld [smem:$0x3FA0]  }
0x2a: {  	p0 =	seq.s32 s5, $0x0;
	s5 =	sld [smem:$0x3FA1]  }
0x2b: {  	s6 =	sld [smem:$0x3FA2]  }
0x2c: {  	s7 =	sld [smem:$0x3FA3]  }
0x2d: {  	s3 =	simm.s32 $0x108;
	s8 =	sld [smem:$0x3FA4]  }
0x2e: {  	s3 =	simm.s32 @!p0 $0x1082;
	s9 =	sld [smem:$0x3FA5]  }
0x2f: {  	lr =	sadd.s32 s0, s3;
	s0 =	sld [smem:$0x3F9C]  }
0x30: {  	s3 =	sld [smem:$0x3F9F]  }
0x31: {  	[smem:$0x3FA8] =	sst s10  }
0x32: {  	s10 =	sld [smem:$0x3FA6];
	_ =	sdelay $0x3  }
0x33: {  	p0 =	seq.s32 s10, $0x1;
	s10 =	sld [smem:$0x3FA8];
	_ =	sdelay $0x3  }
0x34: {  	[smem:$0x3FA8] =	sst s10  }
0x35: {  	s10 =	sld [smem:$0x3FA7];
	_ =	sdelay $0x3  }
0x36: {  	p1 =	seq.s32 s10, $0x1;
	s10 =	sld [smem:$0x3FA8];
	_ =	sdelay $0x3  }
0x37: {  	[smem:$0x3FA8] =	sst s10  }
0x38: {  	s10 =	sld [smem:$0x3FA9]  }
0x39: {  	_ = 	snop;
	(pc) =	sbr.ind lr, $3  }
0x3a: {  	_ = 	snop  }
0x3b: {  	_ = 	snop  }
0x3c: {  	p2 =	seq.s32 s10, $0x1;
	s10 =	sld [smem:$0x3FA8]  }
0x3d: {  	_ =	shalt  }
0x3e: {  	_ =	shalt  }
0x3f: {  	_ =	shalt  }
0x40: {  	_ =	shalt  }
0x41: {  	_ =	shalt  }
0x42: {  	_ =	shalt  }
0x43: {  	_ =	shalt  }
0x44: {  	_ =	shalt  }
0x45: {  	_ =	shalt  }
0x46: {  	_ =	shalt  }
0x47: {  	_ =	shalt  }
0x48: {  	_ =	shalt  }
0x49: {  	_ =	shalt  }
0x4a: {  	_ =	shalt  }
0x4b: {  	_ =	shalt  }
0x4c: {  	_ =	shalt  }
0x4d: {  	_ =	shalt  }
0x4e: {  	_ =	shalt  }
0x4f: {  	_ =	shalt  }
0x50: {  	_ =	shalt  }
0x51: {  	_ =	shalt  }
0x52: {  	_ =	shalt  }
0x53: {  	_ =	shalt  }
0x54: {  	_ =	shalt  }
0x55: {  	_ =	shalt  }
0x56: {  	_ =	shalt  }
0x57: {  	_ =	shalt  }
0x58: {  	_ =	shalt  }
0x59: {  	_ =	shalt  }
0x5a: {  	_ =	shalt  }
0x5b: {  	_ =	shalt  }
0x5c: {  	_ =	shalt  }
0x5d: {  	_ =	shalt  }
0x5e: {  	_ =	shalt  }
0x5f: {  	_ =	shalt  }
0x60: {  	_ =	shalt  }
0x61: {  	_ =	shalt  }
0x62: {  	_ =	shalt  }
0x63: {  	_ =	shalt  }
0x64: {  	_ =	shalt  }
0x65: {  	_ =	shalt  }
0x66: {  	_ =	shalt  }
0x67: {  	_ =	shalt  }
0x68: {  	_ =	shalt  }
0x69: {  	_ =	shalt  }
0x6a: {  	_ =	shalt  }
0x6b: {  	_ =	shalt  }
0x6c: {  	_ =	shalt  }
0x6d: {  	_ =	shalt  }
0x6e: {  	_ =	shalt  }
0x6f: {  	_ =	shalt  }
0x70: {  	_ =	shalt  }
0x71: {  	_ =	shalt  }
0x72: {  	_ =	shalt  }
0x73: {  	_ =	shalt  }
0x74: {  	_ =	shalt  }
0x75: {  	_ =	shalt  }
0x76: {  	_ =	shalt  }
0x77: {  	_ =	shalt  }
0x78: {  	_ =	shalt  }
0x79: {  	_ =	shalt  }
0x7a: {  	_ =	shalt  }
0x7b: {  	_ =	shalt  }
0x7c: {  	_ =	shalt  }
0x7d: {  	_ =	shalt  }
0x7e: {  	_ =	shalt  }
0x7f: {  	_ =	shalt  }
0x80: {  	_ =	shalt  }
0x81: {  	_ =	shalt  }
0x82: {  	_ =	shalt  }
0x83: {  	_ =	shalt  }
0x84: {  	_ =	shalt  }
0x85: {  	_ =	shalt  }
0x86: {  	_ =	shalt  }
0x87: {  	_ =	shalt  }
.Lfunc_end0:
.L_simem_size_0:
called_computation.4_lowered:
.L_overlay_start_0:
0x88: {  	s2 =	sld [smem:$0x3FD9]  }
0x89: {  	s3 =	sld [smem:$0x3FFE];
	_ =	sdelay $0x1  }
0x8a: {  	s1 =	srdreg.scid  }
0x8b: {  	s0 =	sand.u32 $0x1, s1  }
0x8c: {  	s16 =	sshll.u32 s0, $0xA;
	s2 =	sadd.s32 s3, s2  }
0x8d: {  	s2 =	sadd.s32 s2, s16  }
0x8e: {  	[smem:$0x3FB4] =	sst s2  }
0x8f: {  	_ = 	snop  }
0x90: {  	(tm) =	ssettm $0x1  }
0x91: {  	s17 =	sld [smem:$0x3FFB];
	_ =	sdelay $0x3  }
0x92: {  	_ =	strace s17  }
0x93: {  	s2 =	sld [smem:$0x3FFC];
	_ =	sdelay $0x3  }
0x94: {  	_ =	strace s2  }
0x95: {  	s2 =	sld [smem:$0x3FFD];
	_ =	sdelay $0x3  }
0x96: {  	_ =	strace s2  }
0x97: {  	_ =	strace $0x8FFFFFFF  }
0x98: {  	s18 =	sld [smem:$0x3FDB];
	_ =	sdelay $0x1  }
0x99: {  	s19 =	simm.s32 $_scs_section_size  }
0x9a: {  	s4 =	simm.s32 $_size__tile_overlayer_lowered;
	s5 =	simm.s32 $_tile_overlayer_lowered  }
0x9b: {  	s22 =	simm.s32 $0x1BFF;
	s21 =	sshll.u32 s5, $0x1;
	s2 =	sadd.s32 s19, s18  }
0x9c: {  	s6 =	simm.s32 $0x0;
	s20 =	sshll.u32 s4, $0x1;
	s4 =	sadd.s32 s21, s2  }
0x9d: {  	[timem:s6], [sflag:s22] =	dma.local [hbm:s4], s20  }
0x9e: {  	_ =	swait.ge [sflag:s22], s20  }
0x9f: {  	s3 =	ssub.s32 $0x0, s20;
	[sflag:s22] =	ssyncset.done $0x0  }
0xa0: {  	[sflag:s22] =	ssyncadd.s32 s3;
	_ =	sdelay $0x1  }
0xa1: {  	s23 =	simm.s32 $0x1B8B  }
0xa2: {  	_ =	swait.ge [sflag:s23], $0x1  }
0xa3: {  	[sflag:s23] =	ssyncset.done $0x0  }
0xa4: {  	s25 =	simm.s32 $0x1B8E;
	s24 =	sld [smem:$0x3FFE];
	[sflag:s23] =	ssyncadd.s32 $0xFFFFFFFF  }
0xa5: {  	s26 =	simm.s32 $execute0_lowered;
	[smem:$0x3FD2] =	sst s25  }
0xa6: {  	s4 =	sshll.u32 s26, $0x1;
	_ =	strace $0x80000052;
	[dreg:$0x1] =	wrdreg $0xFFFFFFFF  }
0xa7: {  	s28 =	simm.s32 $_size_execute0_lowered;
	s2 =	sadd.s32 s2, s4;
	[dreg:$0x0] =	wrdreg $0x0  }
0xa8: {  	s4 =	sshll.u32 s28, $0x1;
	[dreg:$0x2] =	wrdreg s2  }
0xa9: {  	[dreg:$0x3] =	wrdreg s4  }
0xaa: {  	[dreg:$0x4] =	wrdreg $0xC0  }
0xab: {  	_ =	task [dreg:s6], $0x5FFFF  }
0xac: {  	[dreg:$0x1] =	wrdreg $0xFFFFFFFF  }
0xad: {  	[dreg:$0x0] =	wrdreg $0x60  }
0xae: {  	[dreg:$0x2] =	wrdreg s24  }
0xaf: {  	[dreg:$0x3] =	wrdreg $0x90000  }
0xb0: {  	[dreg:$0x4] =	wrdreg $0x9  }
0xb1: {  	_ =	task.clear_ibuf [dreg:s6], $0x5FFFF;
	_ =	strace $0x90000052  }
0xb2: {  	s29 =	simm.s32 $0x9;
	_ =	strace $0x80000054  }
0xb3: {  	_ =	swait.ge [sflag:s29], $0x1  }
0xb4: {  	[sflag:s29] =	ssyncadd.s32 $0xFFFFFFFF  }
0xb5: {  	_ =	strace $0x90000054  }
0xb6: {  	_ =	sfence  }
0xb7: {  	s30 =	sld [smem:$0x0];
	_ =	sdelay $0x2  }
0xb8: {  	s31 =	sshll.u32 s1, $0xD;
	s1 =	sshrl.u32 s1, $0x2  }
0xb9: {  	s3 =	sand.u32 $0x4000, s31;
	s1 =	sadd.s32 s1, s30  }
0xba: {  	s0 =	sor.u32 s3, s0;
	s1 =	sshll.u32 s1, $0x11  }
0xbb: {  	s0 =	sor.u32 s1, s0  }
0xbc: {  	s0 =	sadd.s32 $0x8F2B, s0  }
0xbd: {  	[sflag:s0] =	ssyncadd.remote.s32 $0x1  }
0xbe: {  	_ =	sfence.sel $0xFFFF  }
0xbf: {  	[dreg:$0x0] =	wrdreg $0xFFFFFFFF;
	(pc) =	sbr.abs _section_cstart, $3  }
0xc0: {  	[dreg:$0x1] =	wrdreg $0xFFFFFFFF  }
0xc1: {  	_ =	task.clear_ibuf [dreg:s6], $0x2FFFF;
	_ =	strace $0x9FFFFFFF  }
0xc2: {  	(tm) =	ssettm $0x7FFFFFFF  }
0xc3: {  	_ =	shalt  }
tec
execute0_lowered:
.L_overlay_start_1:
0x0: {  	(tag) =	ssettag $0x1  }
0x1: {  	s0 =	srdreg.scid;
	s6 =	rddreg [dreg:$0x0]  }
0x2: {  	s2 =	rddreg [dreg:$0x1];
	s3 =	simm.s32 $0x0;
	s14 =	simm.s32 $0x80  }
0x3: {  	s15 =	simm.s32 $0x5000;
	s5 =	sand.u32 $0x1, s0;
	s0 =	stileid.u32  }
0x4: {  	s16 =	simm.s32 $0x0;
	[smem:$0x7FF] =	sst s3;
	s8 =	smul.u32 $0x140000, s5  }
0x5: {  	s4 =	sadd.s32 $0x13400, s6;
	s1 =	sshll.u32 s5, $0x4;
	s9 =	smul.u32 $0x14000, s0  }
0x6: {  	s26 =	ssub.s32 $0x2, s5;
	s28 =	smul.u32 $0x50000, s0;
	s5 =	sadd.s32 $0x10C00, s6  }
0x7: {  	s31 =	sshll.u32 s0, $0x6;
	s1 =	sor.u32 s0, s1;
	s29 =	sshrl.u32 s26, $0x1  }
0x8: {  	s7 =	smul.u32 $0x500, s1;
	s1 =	rddreg [dreg:$0x2];
	_ =	strace $0x80000053  }
0x9: {  	s25 =	sadd.s32 s9, s8;
	s12 =	ssub.s32 s26, s29;
	s30 =	sshrl.u32 s28, $0x2  }
0xa: {  	s13 =	sadd.s32 s30, s2;
	s10 =	sadd.s32 s7, s6;
	s7 =	sshrl.u32 s25, $0x3  }
0xb: {  	s11 =	sadd.s32 s7, s6;
	s6 =	sor.u32 $0x1C01, s31;
	s7 =	sadd.s32 $0x6C00, s10  }
0xc: {  	s8 =	sadd.s32 $0x8B400, s10;
	s10 =	smax.u32 s12, $0x1;
	s12 =	simm.s32 $0x1  }
0xd: {  	s9 =	sadd.s32 $0x3B400, s11;
	s11 =	sshrl.u32 s13, $0x3;
	s13 =	simm.s32 $0x2800  }
.LBB2_1:
0xe: {  	[spmem:s11], [sflag:s6] =	dma.local [hbm:s5], $0x2800  }
0xf: {  	_ =	swait.ge [sflag:s12], $0x2800  }
0x10: {  	[sflag:s12] =	ssyncset.done $0x0  }
0x11: {  	[sflag:s12] =	ssyncadd.s32 $0xFFFFD800  }
0x12: {  	[tilespmem:s3], [sflag:$0x1] =	stream.linear.gather [hbm4b:s7+s3], $0x2800, $0x38;
	[tilespmem:$0x1D000] =	vst v63  }
0x13: {  	_ =	swait.ge [sflag:s12], $0x2800  }
0x14: {  	[sflag:s12] =	ssyncset.done $0x0  }
0x15: {  	[sflag:s12] =	ssyncadd.s32 $0xFFFFD800  }
0x16: {  	[tilespmem:s13], [sflag:$0x1] =	stream.linear.gather [hbm4b:s8+s3], $0x2800, $0x38;
	[tilespmem:$0x1D000] =	vst v63  }
0x17: {  	_ =	swait.ge [sflag:s12], $0x2800  }
0x18: {  	[sflag:s12] =	ssyncset.done $0x0  }
0x19: {  	[sflag:s12] =	ssyncadd.s32 $0xFFFFD800  }
0x1a: {  	s17 =	simm.s32 $0x0;
	[bflag:$0x0] =	sbarrier.arrive $0xFFFF  }
0x1b: {  	[tilespmem:s15], [sflag:$0x1] =	stream.indirect.gather [hbm4b:s4+s14], $0x80, s17, s14, $0xb8;
	[tilespmem:$0x1D000] =	vst v63  }
0x1c: {  	_ =	swait.ge [sflag:s12], $0x4000  }
0x1d: {  	[sflag:s12] =	ssyncset.done $0x0  }
0x1e: {  	s31 =	simm.s32 $0x2800;
	[sflag:s12] =	ssyncadd.s32 $0xFFFFC000  }
0x1f: {  	[spmem:s2] =	stream.indirect.scatter.add.f32 [tilespmem:s15], [sflag:$0x1], $0x80, s31, s14, $0xb8;
	[tilespmem:$0x1D000] =	vst v63  }
0x20: {  	_ =	swait.ge [sflag:s12], $0x4000  }
0x21: {  	s18 =	simm.s32 $0x400;
	s17 =	simm.s32 $0x200;
	[sflag:s12] =	ssyncset.done $0x0  }
.LBB2_2:
0x22: {  	s19 =	sshra.s32 s17, $0x2  }
0x23: {  	[sflag:s12] =	ssyncadd.s32 $0xFFFFC000;
	s17 =	smov.u32 s18;
	s20 =	sadd.s32 $0x200, s18  }
0x24: {  	[tilespmem:s15], [sflag:$0x1] =	stream.indirect.gather [hbm4b:s4+s14], $0x80, s19, s14, $0xb8;
	[tilespmem:$0x1D000] =	vst v63  }
0x25: {  	p0 =	sne.s32 s18, $0x9E00;
	_ =	swait.ge [sflag:s12], $0x4000  }
.Ltmp0:
0x26: {  	[sflag:s12] =	ssyncset.done $0x0;
	(pc) =	sbr.rel @p0 .LBB2_2-.Ltmp0, $4  }
0x27: {  	s18 =	sadd.s32 $0x2800, s19;
	[sflag:s12] =	ssyncadd.s32 $0xFFFFC000  }
0x28: {  	[spmem:s2] =	stream.indirect.scatter.add.f32 [tilespmem:s15], [sflag:$0x1], $0x80, s18, s14, $0xb8;
	[tilespmem:$0x1D000] =	vst v63  }
0x29: {  	_ =	swait.ge [sflag:s12], $0x4000  }
0x2a: {  	s18 =	smov.u32 s20;
	[sflag:s12] =	ssyncset.done $0x0  }
0x2b: {  	s17 =	sshra.s32 s17, $0x2;
	[sflag:s12] =	ssyncadd.s32 $0xFFFFC000  }
0x2c: {  	[tilespmem:s15], [sflag:$0x1] =	stream.indirect.gather [hbm4b:s4+s14], $0x80, s17, s14, $0xb8;
	[tilespmem:$0x1D000] =	vst v63  }
0x2d: {  	_ =	swait.ge [sflag:s12], $0x4000  }
0x2e: {  	[sflag:s12] =	ssyncset.done $0x0  }
0x2f: {  	s17 =	sadd.s32 $0x2800, s17;
	[sflag:s12] =	ssyncadd.s32 $0xFFFFC000  }
0x30: {  	[spmem:s2] =	stream.indirect.scatter.add.f32 [tilespmem:s15], [sflag:$0x1], $0x80, s17, s14, $0xb8;
	[tilespmem:$0x1D000] =	vst v63  }
0x31: {  	_ =	swait.ge [sflag:s12], $0x4000  }
0x32: {  	s16 =	sadd.s32 $0x1, s16;
	[sflag:s12] =	ssyncset.done $0x0  }
0x33: {  	p0 =	sne.s32 s16, s10;
	[sflag:s12] =	ssyncadd.s32 $0xFFFFC000  }
.Ltmp1:
0x34: {  	[bflag:$0x0] =	sbarrier.arrive $0xFFFF;
	(pc) =	sbr.rel @p0 .LBB2_1-.Ltmp1, $4  }
0x35: {  	[hbm:s9], [sflag:s6] =	dma.local [spmem:s11], $0x2800  }
0x36: {  	_ =	swait.ge [sflag:s12], $0x2800  }
0x37: {  	[sflag:s12] =	ssyncset.done $0x0  }
0x38: {  	[sflag:s12] =	ssyncadd.s32 $0xFFFFD800  }
0x39: {  	_ =	sfence.sel $0x180000  }
0x3a: {  	[bflag:$0x0] =	sbarrier.arrive $0xFFFF  }
0x3b: {  	p0 =	sne.s32 s0, $0x0;
	_ =	strace $0x90000053  }
0x3c: {  	s0 =	sadd.s32 @!p0 $0x100000, s1;
	[bflag:$0x2] =	sbarrier.arrive $0xFFFF  }
0x3d: {  	[sflag:s0] =	ssyncadd.tile.s32 @!p0 $0x1;
	_ =	shalt  }
.Lfunc_end2:
_tile_overlayer_lowered:
.L_overlay_start_2:
0x3e: {  	(tag) =	ssettag $0x2  }
0x3f: {  	s0 =	rddreg [dreg:$0x0];
	s2 =	stileid.u32  }
0x40: {  	s1 =	rddreg [dreg:$0x1];
	p0 =	sne.s32 s2, $0x0  }
0x41: {  	s3 =	rddreg [dreg:$0x2];
	[bflag:$0x3] =	sbarrier.arrive $0xFFFF;
	s2 =	simm.s32 @!p0 $0x1C01  }
0x42: {  	[timem:s3], [sflag:s2] =	dma.local @!p0 [hbm:s0], s1  }
0x43: {  	s0 =	simm.s32 @!p0 $0x1  }
0x44: {  	_ =	swait.ge @!p0 [sflag:s0], s1  }
0x45: {  	s1 =	ssub.s32 @!p0 $0x0, s1;
	[sflag:s0] =	ssyncset.done @!p0 $0x0  }
0x46: {  	[sflag:s0] =	ssyncadd.s32 @!p0 s1  }
0x47: {  	[bflag:$0x3] =	sbarrier.arrive $0xFFFF  }
0x48: {  	_ =	shalt  }

// kernel: kernel.34.cloned.1.call-start
scs
__scs_entry_jumppad:
0x0: {  	(pc) =	sbr.rel $0x88, $3  }
0x1: {  	(tag) =	ssettag $0x0;
	lr =	simm.s32 $0x1  }
0x2: {  	[smem:$0x3F8D] =	sst lr;
	_ =	strace $0xD0000000  }
0x3: {  	_ = 	snop  }
0x4: {  	_ = 	snop  }
0x5: {  	_ = 	snop  }
0x6: {  	_ = 	snop  }
0x7: {  	_ = 	snop  }
__scs_overlays_trampoline_lowered:
0x8: {  	[smem:$0x3F9C] =	sst s0  }
0x9: {  	[smem:$0x3F9D] =	sst s1  }
0xa: {  	[smem:$0x3F9E] =	sst s2  }
0xb: {  	[smem:$0x3F9F] =	sst s3  }
0xc: {  	[smem:$0x3FA0] =	sst s4  }
0xd: {  	[smem:$0x3FA1] =	sst s5  }
0xe: {  	[smem:$0x3FA2] =	sst s6  }
0xf: {  	[smem:$0x3FA3] =	sst s7  }
0x10: {  	[smem:$0x3FA4] =	sst s8  }
0x11: {  	[smem:$0x3FA5] =	sst s9;
	s0 =	simm.s32 @!p0 $0x0  }
0x12: {  	s1 =	sld [smem:$0x3F8B];
	s0 =	simm.s32 @p0 $0x1  }
0x13: {  	[smem:$0x3FA6] =	sst s0;
	s0 =	simm.s32 @!p1 $0x0  }
0x14: {  	s2 =	sld [smem:$0x3F8A];
	s0 =	simm.s32 @p1 $0x1  }
0x15: {  	[smem:$0x3FA7] =	sst s0;
	s0 =	simm.s32 @!p2 $0x0  }
0x16: {  	s3 =	sld [smem:$0x3FDB];
	s0 =	simm.s32 @p2 $0x1  }
0x17: {  	s4 =	simm.s32 $0x1BF5;
	[smem:$0x3FA9] =	sst s0  }
0x18: {  	s0 =	sld [smem:$0x3F8C];
	_ =	swait.ge [sflag:s4], $0x0  }
0x19: {  	s7 =	sld [smem:$0x3F8D]  }
0x1a: {  	s8 =	sadd.s32 $0xFFFFE003, lr  }
0x1b: {  	s9 =	sadd.s32 $0xFFFFFEF7, lr;
	s5 =	simm.s32 $0xFFFFFFFF;
	p2 =	slt.u32 s8, $0xFFFFF086  }
0x1c: {  	p1 =	slt.u32 s9, $0xF7A;
	s5 =	simm.s32 @!p2 $0x0  }
0x1d: {  	s5 =	simm.s32 @p1 $0x1;
	p0 =	seq.s32 s7, s2  }
0x1e: {  	s7 =	smul.u32 @!p0 $0xF7A, s2;
	p2 =	seq.s32 @!p0 s5, $0x0  }
0x1f: {  	s9 =	smul.u32 $0xF7A, s1;
	s8 =	simm.s32 @!p0 $0x1BF5;
	p2 =	por !p2, p0  }
0x20: {  	[sflag:s8] =	ssyncset.s32 @!p0 $0xFFFFF086;
	s6 =	sadd.s32 @!p0 s3, s7;
	s7 =	simm.s32 @!p0 $0x108  }
0x21: {  	s3 =	sadd.s32 s3, s9;
	s6 =	sadd.s32 @!p0 $0x88, s6;
	s7 =	simm.s32 @p2 $0x1082  }
0x22: {  	[simem:s7], [sflag:s8] =	dma.local @!p0 [hbm:s6], $0xF7A  }
0x23: {  	s9 =	sor.u32 $0xD0000000, s2;
	s6 =	simm.s32 $0x108;
	_ =	swait.ge @!p0 [sflag:s8], $0x0  }
0x24: {  	s3 =	sadd.s32 $0x88, s3;
	s6 =	simm.s32 @!p1 $0x1082;
	[sflag:s4] =	ssyncset.s32 $0xFFFFF086  }
0x25: {  	[simem:s6], [sflag:s4] =	dma.local [hbm:s3], $0xF7A  }
0x26: {  	[smem:$0x3F8D] =	sst s1;
	(tag) =	ssettag s2;
	_ =	strace s9  }
0x27: {  	s1 =	sld [smem:$0x3F9D]  }
0x28: {  	s2 =	sld [smem:$0x3F9E]  }
0x29: {  	s4 =	sld [smem:$0x3FA0]  }
0x2a: {  	p0 =	seq.s32 s5, $0x0;
	s5 =	sld [smem:$0x3FA1]  }
0x2b: {  	s6 =	sld [smem:$0x3FA2]  }
0x2c: {  	s7 =	sld [smem:$0x3FA3]  }
0x2d: {  	s3 =	simm.s32 $0x108;
	s8 =	sld [smem:$0x3FA4]  }
0x2e: {  	s3 =	simm.s32 @!p0 $0x1082;
	s9 =	sld [smem:$0x3FA5]  }
0x2f: {  	lr =	sadd.s32 s0, s3;
	s0 =	sld [smem:$0x3F9C]  }
0x30: {  	s3 =	sld [smem:$0x3F9F]  }
0x31: {  	[smem:$0x3FA8] =	sst s10  }
0x32: {  	s10 =	sld [smem:$0x3FA6];
	_ =	sdelay $0x3  }
0x33: {  	p0 =	seq.s32 s10, $0x1;
	s10 =	sld [smem:$0x3FA8];
	_ =	sdelay $0x3  }
0x34: {  	[smem:$0x3FA8] =	sst s10  }
0x35: {  	s10 =	sld [smem:$0x3FA7];
	_ =	sdelay $0x3  }
0x36: {  	p1 =	seq.s32 s10, $0x1;
	s10 =	sld [smem:$0x3FA8];
	_ =	sdelay $0x3  }
0x37: {  	[smem:$0x3FA8] =	sst s10  }
0x38: {  	s10 =	sld [smem:$0x3FA9]  }
0x39: {  	_ = 	snop;
	(pc) =	sbr.ind lr, $3  }
0x3a: {  	_ = 	snop  }
0x3b: {  	_ = 	snop  }
0x3c: {  	p2 =	seq.s32 s10, $0x1;
	s10 =	sld [smem:$0x3FA8]  }
0x3d: {  	_ =	shalt  }
0x3e: {  	_ =	shalt  }
0x3f: {  	_ =	shalt  }
0x40: {  	_ =	shalt  }
0x41: {  	_ =	shalt  }
0x42: {  	_ =	shalt  }
0x43: {  	_ =	shalt  }
0x44: {  	_ =	shalt  }
0x45: {  	_ =	shalt  }
0x46: {  	_ =	shalt  }
0x47: {  	_ =	shalt  }
0x48: {  	_ =	shalt  }
0x49: {  	_ =	shalt  }
0x4a: {  	_ =	shalt  }
0x4b: {  	_ =	shalt  }
0x4c: {  	_ =	shalt  }
0x4d: {  	_ =	shalt  }
0x4e: {  	_ =	shalt  }
0x4f: {  	_ =	shalt  }
0x50: {  	_ =	shalt  }
0x51: {  	_ =	shalt  }
0x52: {  	_ =	shalt  }
0x53: {  	_ =	shalt  }
0x54: {  	_ =	shalt  }
0x55: {  	_ =	shalt  }
0x56: {  	_ =	shalt  }
0x57: {  	_ =	shalt  }
0x58: {  	_ =	shalt  }
0x59: {  	_ =	shalt  }
0x5a: {  	_ =	shalt  }
0x5b: {  	_ =	shalt  }
0x5c: {  	_ =	shalt  }
0x5d: {  	_ =	shalt  }
0x5e: {  	_ =	shalt  }
0x5f: {  	_ =	shalt  }
0x60: {  	_ =	shalt  }
0x61: {  	_ =	shalt  }
0x62: {  	_ =	shalt  }
0x63: {  	_ =	shalt  }
0x64: {  	_ =	shalt  }
0x65: {  	_ =	shalt  }
0x66: {  	_ =	shalt  }
0x67: {  	_ =	shalt  }
0x68: {  	_ =	shalt  }
0x69: {  	_ =	shalt  }
0x6a: {  	_ =	shalt  }
0x6b: {  	_ =	shalt  }
0x6c: {  	_ =	shalt  }
0x6d: {  	_ =	shalt  }
0x6e: {  	_ =	shalt  }
0x6f: {  	_ =	shalt  }
0x70: {  	_ =	shalt  }
0x71: {  	_ =	shalt  }
0x72: {  	_ =	shalt  }
0x73: {  	_ =	shalt  }
0x74: {  	_ =	shalt  }
0x75: {  	_ =	shalt  }
0x76: {  	_ =	shalt  }
0x77: {  	_ =	shalt  }
0x78: {  	_ =	shalt  }
0x79: {  	_ =	shalt  }
0x7a: {  	_ =	shalt  }
0x7b: {  	_ =	shalt  }
0x7c: {  	_ =	shalt  }
0x7d: {  	_ =	shalt  }
0x7e: {  	_ =	shalt  }
0x7f: {  	_ =	shalt  }
0x80: {  	_ =	shalt  }
0x81: {  	_ =	shalt  }
0x82: {  	_ =	shalt  }
0x83: {  	_ =	shalt  }
0x84: {  	_ =	shalt  }
0x85: {  	_ =	shalt  }
0x86: {  	_ =	shalt  }
0x87: {  	_ =	shalt  }
.Lfunc_end0:
.L_simem_size_0:
called_computation.5_lowered:
.L_overlay_start_0:
0x88: {  	s2 =	sld [smem:$0x3FD9]  }
0x89: {  	s3 =	sld [smem:$0x3FFE];
	_ =	sdelay $0x1  }
0x8a: {  	s1 =	srdreg.scid  }
0x8b: {  	s0 =	sand.u32 $0x1, s1  }
0x8c: {  	s16 =	sshll.u32 s0, $0xA;
	s2 =	sadd.s32 s3, s2  }
0x8d: {  	s2 =	sadd.s32 s2, s16  }
0x8e: {  	[smem:$0x3FB4] =	sst s2  }
0x8f: {  	_ = 	snop  }
0x90: {  	(tm) =	ssettm $0x1  }
0x91: {  	s17 =	sld [smem:$0x3FFB];
	_ =	sdelay $0x3  }
0x92: {  	_ =	strace s17  }
0x93: {  	s2 =	sld [smem:$0x3FFC];
	_ =	sdelay $0x3  }
0x94: {  	_ =	strace s2  }
0x95: {  	s2 =	sld [smem:$0x3FFD];
	_ =	sdelay $0x3  }
0x96: {  	_ =	strace s2  }
0x97: {  	_ =	strace $0x8FFFFFFF  }
0x98: {  	s18 =	sld [smem:$0x3FDB];
	_ =	sdelay $0x1  }
0x99: {  	s19 =	simm.s32 $_scs_section_size  }
0x9a: {  	s4 =	simm.s32 $_size__tile_overlayer_lowered;
	s5 =	simm.s32 $_tile_overlayer_lowered  }
0x9b: {  	s22 =	simm.s32 $0x1BFF;
	s21 =	sshll.u32 s5, $0x1;
	s2 =	sadd.s32 s19, s18  }
0x9c: {  	s6 =	simm.s32 $0x0;
	s20 =	sshll.u32 s4, $0x1;
	s4 =	sadd.s32 s21, s2  }
0x9d: {  	[timem:s6], [sflag:s22] =	dma.local [hbm:s4], s20  }
0x9e: {  	_ =	swait.ge [sflag:s22], s20  }
0x9f: {  	s3 =	ssub.s32 $0x0, s20;
	[sflag:s22] =	ssyncset.done $0x0  }
0xa0: {  	[sflag:s22] =	ssyncadd.s32 s3;
	_ =	sdelay $0x1  }
0xa1: {  	s23 =	simm.s32 $0x1B8B  }
0xa2: {  	_ =	swait.ge [sflag:s23], $0x1  }
0xa3: {  	[sflag:s23] =	ssyncset.done $0x0  }
0xa4: {  	s25 =	simm.s32 $0x1B8E;
	s24 =	sld [smem:$0x3FFE];
	[sflag:s23] =	ssyncadd.s32 $0xFFFFFFFF  }
0xa5: {  	s26 =	simm.s32 $execute0_lowered;
	[smem:$0x3FD2] =	sst s25  }
0xa6: {  	s4 =	sshll.u32 s26, $0x1;
	_ =	strace $0x80000055;
	[dreg:$0x1] =	wrdreg $0xFFFFFFFF  }
0xa7: {  	s28 =	simm.s32 $_size_execute0_lowered;
	s2 =	sadd.s32 s2, s4;
	[dreg:$0x0] =	wrdreg $0x0  }
0xa8: {  	s4 =	sshll.u32 s28, $0x1;
	[dreg:$0x2] =	wrdreg s2  }
0xa9: {  	[dreg:$0x3] =	wrdreg s4  }
0xaa: {  	[dreg:$0x4] =	wrdreg $0xC0  }
0xab: {  	_ =	task [dreg:s6], $0x5FFFF  }
0xac: {  	[dreg:$0x1] =	wrdreg $0xFFFFFFFF  }
0xad: {  	[dreg:$0x0] =	wrdreg $0x60  }
0xae: {  	[dreg:$0x2] =	wrdreg s24  }
0xaf: {  	[dreg:$0x3] =	wrdreg $0x90000  }
0xb0: {  	[dreg:$0x4] =	wrdreg $0x9  }
0xb1: {  	_ =	task.clear_ibuf [dreg:s6], $0x5FFFF;
	_ =	strace $0x90000055  }
0xb2: {  	s29 =	simm.s32 $0x9;
	_ =	strace $0x80000057  }
0xb3: {  	_ =	swait.ge [sflag:s29], $0x1  }
0xb4: {  	[sflag:s29] =	ssyncadd.s32 $0xFFFFFFFF  }
0xb5: {  	_ =	strace $0x90000057  }
0xb6: {  	_ =	sfence  }
0xb7: {  	s30 =	sld [smem:$0x0];
	_ =	sdelay $0x2  }
0xb8: {  	s31 =	sshll.u32 s1, $0xD;
	s1 =	sshrl.u32 s1, $0x2  }
0xb9: {  	s3 =	sand.u32 $0x4000, s31;
	s1 =	sadd.s32 s1, s30  }
0xba: {  	s0 =	sor.u32 s3, s0;
	s1 =	sshll.u32 s1, $0x11  }
0xbb: {  	s0 =	sor.u32 s1, s0  }
0xbc: {  	s0 =	sadd.s32 $0x8F2B, s0  }
0xbd: {  	[sflag:s0] =	ssyncadd.remote.s32 $0x1  }
0xbe: {  	_ =	sfence.sel $0xFFFF  }
0xbf: {  	[dreg:$0x0] =	wrdreg $0xFFFFFFFF;
	(pc) =	sbr.abs _section_cstart, $3  }
0xc0: {  	[dreg:$0x1] =	wrdreg $0xFFFFFFFF  }
0xc1: {  	_ =	task.clear_ibuf [dreg:s6], $0x2FFFF;
	_ =	strace $0x9FFFFFFF  }
0xc2: {  	(tm) =	ssettm $0x7FFFFFFF  }
0xc3: {  	_ =	shalt  }
tec
execute0_lowered:
.L_overlay_start_1:
0x0: {  	(tag) =	ssettag $0x1  }
0x1: {  	s0 =	srdreg.scid;
	s6 =	rddreg [dreg:$0x0]  }
0x2: {  	s2 =	rddreg [dreg:$0x1];
	s3 =	simm.s32 $0x0;
	s14 =	simm.s32 $0x80  }
0x3: {  	s15 =	simm.s32 $0x5000;
	s5 =	sand.u32 $0x1, s0;
	s0 =	stileid.u32  }
0x4: {  	s16 =	simm.s32 $0x0;
	[smem:$0x7FF] =	sst s3;
	s8 =	smul.u32 $0x140000, s5  }
0x5: {  	s4 =	sadd.s32 $0x13400, s6;
	s1 =	sshll.u32 s5, $0x4;
	s9 =	smul.u32 $0x14000, s0  }
0x6: {  	s26 =	ssub.s32 $0x2, s5;
	s28 =	smul.u32 $0x50000, s0;
	s5 =	sadd.s32 $0x10C00, s6  }
0x7: {  	s31 =	sshll.u32 s0, $0x6;
	s1 =	sor.u32 s0, s1;
	s29 =	sshrl.u32 s26, $0x1  }
0x8: {  	s7 =	smul.u32 $0x500, s1;
	s1 =	rddreg [dreg:$0x2];
	_ =	strace $0x80000056  }
0x9: {  	s25 =	sadd.s32 s9, s8;
	s12 =	ssub.s32 s26, s29;
	s30 =	sshrl.u32 s28, $0x2  }
0xa: {  	s13 =	sadd.s32 s30, s2;
	s10 =	sadd.s32 s7, s6;
	s7 =	sshrl.u32 s25, $0x3  }
0xb: {  	s11 =	sadd.s32 s7, s6;
	s6 =	sor.u32 $0x1C01, s31;
	s7 =	sadd.s32 $0x6C00, s10  }
0xc: {  	s8 =	sadd.s32 $0x8B400, s10;
	s10 =	smax.u32 s12, $0x1;
	s12 =	simm.s32 $0x1  }
0xd: {  	s9 =	sadd.s32 $0x95400, s11;
	s11 =	sshrl.u32 s13, $0x3;
	s13 =	simm.s32 $0x2800  }
.LBB2_1:
0xe: {  	[spmem:s11], [sflag:s6] =	dma.local [hbm:s5], $0x2800  }
0xf: {  	_ =	swait.ge [sflag:s12], $0x2800  }
0x10: {  	[sflag:s12] =	ssyncset.done $0x0  }
0x11: {  	[sflag:s12] =	ssyncadd.s32 $0xFFFFD800  }
0x12: {  	[tilespmem:s3], [sflag:$0x1] =	stream.linear.gather [hbm4b:s7+s3], $0x2800, $0x38;
	[tilespmem:$0x1D000] =	vst v63  }
0x13: {  	_ =	swait.ge [sflag:s12], $0x2800  }
0x14: {  	[sflag:s12] =	ssyncset.done $0x0  }
0x15: {  	[sflag:s12] =	ssyncadd.s32 $0xFFFFD800  }
0x16: {  	[tilespmem:s13], [sflag:$0x1] =	stream.linear.gather [hbm4b:s8+s3], $0x2800, $0x38;
	[tilespmem:$0x1D000] =	vst v63  }
0x17: {  	_ =	swait.ge [sflag:s12], $0x2800  }
0x18: {  	[sflag:s12] =	ssyncset.done $0x0  }
0x19: {  	[sflag:s12] =	ssyncadd.s32 $0xFFFFD800  }
0x1a: {  	s17 =	simm.s32 $0x0;
	[bflag:$0x0] =	sbarrier.arrive $0xFFFF  }
0x1b: {  	[tilespmem:s15], [sflag:$0x1] =	stream.indirect.gather [hbm4b:s4+s14], $0x80, s17, s14, $0xb8;
	[tilespmem:$0x1D000] =	vst v63  }
0x1c: {  	_ =	swait.ge [sflag:s12], $0x4000  }
0x1d: {  	[sflag:s12] =	ssyncset.done $0x0  }
0x1e: {  	s31 =	simm.s32 $0x2800;
	[sflag:s12] =	ssyncadd.s32 $0xFFFFC000  }
0x1f: {  	[spmem:s2] =	stream.indirect.scatter.add.f32 [tilespmem:s15], [sflag:$0x1], $0x80, s31, s14, $0xb8;
	[tilespmem:$0x1D000] =	vst v63  }
0x20: {  	_ =	swait.ge [sflag:s12], $0x4000  }
0x21: {  	s18 =	simm.s32 $0x400;
	s17 =	simm.s32 $0x200;
	[sflag:s12] =	ssyncset.done $0x0  }
.LBB2_2:
0x22: {  	s19 =	sshra.s32 s17, $0x2  }
0x23: {  	[sflag:s12] =	ssyncadd.s32 $0xFFFFC000;
	s17 =	smov.u32 s18;
	s20 =	sadd.s32 $0x200, s18  }
0x24: {  	[tilespmem:s15], [sflag:$0x1] =	stream.indirect.gather [hbm4b:s4+s14], $0x80, s19, s14, $0xb8;
	[tilespmem:$0x1D000] =	vst v63  }
0x25: {  	p0 =	sne.s32 s18, $0x9E00;
	_ =	swait.ge [sflag:s12], $0x4000  }
.Ltmp0:
0x26: {  	[sflag:s12] =	ssyncset.done $0x0;
	(pc) =	sbr.rel @p0 .LBB2_2-.Ltmp0, $4  }
0x27: {  	s18 =	sadd.s32 $0x2800, s19;
	[sflag:s12] =	ssyncadd.s32 $0xFFFFC000  }
0x28: {  	[spmem:s2] =	stream.indirect.scatter.add.f32 [tilespmem:s15], [sflag:$0x1], $0x80, s18, s14, $0xb8;
	[tilespmem:$0x1D000] =	vst v63  }
0x29: {  	_ =	swait.ge [sflag:s12], $0x4000  }
0x2a: {  	s18 =	smov.u32 s20;
	[sflag:s12] =	ssyncset.done $0x0  }
0x2b: {  	s17 =	sshra.s32 s17, $0x2;
	[sflag:s12] =	ssyncadd.s32 $0xFFFFC000  }
0x2c: {  	[tilespmem:s15], [sflag:$0x1] =	stream.indirect.gather [hbm4b:s4+s14], $0x80, s17, s14, $0xb8;
	[tilespmem:$0x1D000] =	vst v63  }
0x2d: {  	_ =	swait.ge [sflag:s12], $0x4000  }
0x2e: {  	[sflag:s12] =	ssyncset.done $0x0  }
0x2f: {  	s17 =	sadd.s32 $0x2800, s17;
	[sflag:s12] =	ssyncadd.s32 $0xFFFFC000  }
0x30: {  	[spmem:s2] =	stream.indirect.scatter.add.f32 [tilespmem:s15], [sflag:$0x1], $0x80, s17, s14, $0xb8;
	[tilespmem:$0x1D000] =	vst v63  }
0x31: {  	_ =	swait.ge [sflag:s12], $0x4000  }
0x32: {  	s16 =	sadd.s32 $0x1, s16;
	[sflag:s12] =	ssyncset.done $0x0  }
0x33: {  	p0 =	sne.s32 s16, s10;
	[sflag:s12] =	ssyncadd.s32 $0xFFFFC000  }
.Ltmp1:
0x34: {  	[bflag:$0x0] =	sbarrier.arrive $0xFFFF;
	(pc) =	sbr.rel @p0 .LBB2_1-.Ltmp1, $4  }
0x35: {  	[hbm:s9], [sflag:s6] =	dma.local [spmem:s11], $0x2800  }
0x36: {  	_ =	swait.ge [sflag:s12], $0x2800  }
0x37: {  	[sflag:s12] =	ssyncset.done $0x0  }
0x38: {  	[sflag:s12] =	ssyncadd.s32 $0xFFFFD800  }
0x39: {  	_ =	sfence.sel $0x180000  }
0x3a: {  	[bflag:$0x0] =	sbarrier.arrive $0xFFFF  }
0x3b: {  	p0 =	sne.s32 s0, $0x0;
	_ =	strace $0x90000056  }
0x3c: {  	s0 =	sadd.s32 @!p0 $0x100000, s1;
	[bflag:$0x2] =	sbarrier.arrive $0xFFFF  }
0x3d: {  	[sflag:s0] =	ssyncadd.tile.s32 @!p0 $0x1;
	_ =	shalt  }
.Lfunc_end2:
_tile_overlayer_lowered:
.L_overlay_start_2:
0x3e: {  	(tag) =	ssettag $0x2  }
0x3f: {  	s0 =	rddreg [dreg:$0x0];
	s2 =	stileid.u32  }
0x40: {  	s1 =	rddreg [dreg:$0x1];
	p0 =	sne.s32 s2, $0x0  }
0x41: {  	s3 =	rddreg [dreg:$0x2];
	[bflag:$0x3] =	sbarrier.arrive $0xFFFF;
	s2 =	simm.s32 @!p0 $0x1C01  }
0x42: {  	[timem:s3], [sflag:s2] =	dma.local @!p0 [hbm:s0], s1  }
0x43: {  	s0 =	simm.s32 @!p0 $0x1  }
0x44: {  	_ =	swait.ge @!p0 [sflag:s0], s1  }
0x45: {  	s1 =	ssub.s32 @!p0 $0x0, s1;
	[sflag:s0] =	ssyncset.done @!p0 $0x0  }
0x46: {  	[sflag:s0] =	ssyncadd.s32 @!p0 s1  }
0x47: {  	[bflag:$0x3] =	sbarrier.arrive $0xFFFF  }
0x48: {  	_ =	shalt  }

// kernel: kernel.37.cloned.1.call-start
scs
__scs_entry_jumppad:
0x0: {  	(pc) =	sbr.rel $0x88, $3  }
0x1: {  	(tag) =	ssettag $0x0;
	lr =	simm.s32 $0x1  }
0x2: {  	[smem:$0x3F8D] =	sst lr;
	_ =	strace $0xD0000000  }
0x3: {  	_ = 	snop  }
0x4: {  	_ = 	snop  }
0x5: {  	_ = 	snop  }
0x6: {  	_ = 	snop  }
0x7: {  	_ = 	snop  }
__scs_overlays_trampoline_lowered:
0x8: {  	[smem:$0x3F9C] =	sst s0  }
0x9: {  	[smem:$0x3F9D] =	sst s1  }
0xa: {  	[smem:$0x3F9E] =	sst s2  }
0xb: {  	[smem:$0x3F9F] =	sst s3  }
0xc: {  	[smem:$0x3FA0] =	sst s4  }
0xd: {  	[smem:$0x3FA1] =	sst s5  }
0xe: {  	[smem:$0x3FA2] =	sst s6  }
0xf: {  	[smem:$0x3FA3] =	sst s7  }
0x10: {  	[smem:$0x3FA4] =	sst s8  }
0x11: {  	[smem:$0x3FA5] =	sst s9;
	s0 =	simm.s32 @!p0 $0x0  }
0x12: {  	s1 =	sld [smem:$0x3F8B];
	s0 =	simm.s32 @p0 $0x1  }
0x13: {  	[smem:$0x3FA6] =	sst s0;
	s0 =	simm.s32 @!p1 $0x0  }
0x14: {  	s2 =	sld [smem:$0x3F8A];
	s0 =	simm.s32 @p1 $0x1  }
0x15: {  	[smem:$0x3FA7] =	sst s0;
	s0 =	simm.s32 @!p2 $0x0  }
0x16: {  	s3 =	sld [smem:$0x3FDB];
	s0 =	simm.s32 @p2 $0x1  }
0x17: {  	s4 =	simm.s32 $0x1BF5;
	[smem:$0x3FA9] =	sst s0  }
0x18: {  	s0 =	sld [smem:$0x3F8C];
	_ =	swait.ge [sflag:s4], $0x0  }
0x19: {  	s7 =	sld [smem:$0x3F8D]  }
0x1a: {  	s8 =	sadd.s32 $0xFFFFE003, lr  }
0x1b: {  	s9 =	sadd.s32 $0xFFFFFEF7, lr;
	s5 =	simm.s32 $0xFFFFFFFF;
	p2 =	slt.u32 s8, $0xFFFFF086  }
0x1c: {  	p1 =	slt.u32 s9, $0xF7A;
	s5 =	simm.s32 @!p2 $0x0  }
0x1d: {  	s5 =	simm.s32 @p1 $0x1;
	p0 =	seq.s32 s7, s2  }
0x1e: {  	s7 =	smul.u32 @!p0 $0xF7A, s2;
	p2 =	seq.s32 @!p0 s5, $0x0  }
0x1f: {  	s9 =	smul.u32 $0xF7A, s1;
	s8 =	simm.s32 @!p0 $0x1BF5;
	p2 =	por !p2, p0  }
0x20: {  	[sflag:s8] =	ssyncset.s32 @!p0 $0xFFFFF086;
	s6 =	sadd.s32 @!p0 s3, s7;
	s7 =	simm.s32 @!p0 $0x108  }
0x21: {  	s3 =	sadd.s32 s3, s9;
	s6 =	sadd.s32 @!p0 $0x88, s6;
	s7 =	simm.s32 @p2 $0x1082  }
0x22: {  	[simem:s7], [sflag:s8] =	dma.local @!p0 [hbm:s6], $0xF7A  }
0x23: {  	s9 =	sor.u32 $0xD0000000, s2;
	s6 =	simm.s32 $0x108;
	_ =	swait.ge @!p0 [sflag:s8], $0x0  }
0x24: {  	s3 =	sadd.s32 $0x88, s3;
	s6 =	simm.s32 @!p1 $0x1082;
	[sflag:s4] =	ssyncset.s32 $0xFFFFF086  }
0x25: {  	[simem:s6], [sflag:s4] =	dma.local [hbm:s3], $0xF7A  }
0x26: {  	[smem:$0x3F8D] =	sst s1;
	(tag) =	ssettag s2;
	_ =	strace s9  }
0x27: {  	s1 =	sld [smem:$0x3F9D]  }
0x28: {  	s2 =	sld [smem:$0x3F9E]  }
0x29: {  	s4 =	sld [smem:$0x3FA0]  }
0x2a: {  	p0 =	seq.s32 s5, $0x0;
	s5 =	sld [smem:$0x3FA1]  }
0x2b: {  	s6 =	sld [smem:$0x3FA2]  }
0x2c: {  	s7 =	sld [smem:$0x3FA3]  }
0x2d: {  	s3 =	simm.s32 $0x108;
	s8 =	sld [smem:$0x3FA4]  }
0x2e: {  	s3 =	simm.s32 @!p0 $0x1082;
	s9 =	sld [smem:$0x3FA5]  }
0x2f: {  	lr =	sadd.s32 s0, s3;
	s0 =	sld [smem:$0x3F9C]  }
0x30: {  	s3 =	sld [smem:$0x3F9F]  }
0x31: {  	[smem:$0x3FA8] =	sst s10  }
0x32: {  	s10 =	sld [smem:$0x3FA6];
	_ =	sdelay $0x3  }
0x33: {  	p0 =	seq.s32 s10, $0x1;
	s10 =	sld [smem:$0x3FA8];
	_ =	sdelay $0x3  }
0x34: {  	[smem:$0x3FA8] =	sst s10  }
0x35: {  	s10 =	sld [smem:$0x3FA7];
	_ =	sdelay $0x3  }
0x36: {  	p1 =	seq.s32 s10, $0x1;
	s10 =	sld [smem:$0x3FA8];
	_ =	sdelay $0x3  }
0x37: {  	[smem:$0x3FA8] =	sst s10  }
0x38: {  	s10 =	sld [smem:$0x3FA9]  }
0x39: {  	_ = 	snop;
	(pc) =	sbr.ind lr, $3  }
0x3a: {  	_ = 	snop  }
0x3b: {  	_ = 	snop  }
0x3c: {  	p2 =	seq.s32 s10, $0x1;
	s10 =	sld [smem:$0x3FA8]  }
0x3d: {  	_ =	shalt  }
0x3e: {  	_ =	shalt  }
0x3f: {  	_ =	shalt  }
0x40: {  	_ =	shalt  }
0x41: {  	_ =	shalt  }
0x42: {  	_ =	shalt  }
0x43: {  	_ =	shalt  }
0x44: {  	_ =	shalt  }
0x45: {  	_ =	shalt  }
0x46: {  	_ =	shalt  }
0x47: {  	_ =	shalt  }
0x48: {  	_ =	shalt  }
0x49: {  	_ =	shalt  }
0x4a: {  	_ =	shalt  }
0x4b: {  	_ =	shalt  }
0x4c: {  	_ =	shalt  }
0x4d: {  	_ =	shalt  }
0x4e: {  	_ =	shalt  }
0x4f: {  	_ =	shalt  }
0x50: {  	_ =	shalt  }
0x51: {  	_ =	shalt  }
0x52: {  	_ =	shalt  }
0x53: {  	_ =	shalt  }
0x54: {  	_ =	shalt  }
0x55: {  	_ =	shalt  }
0x56: {  	_ =	shalt  }
0x57: {  	_ =	shalt  }
0x58: {  	_ =	shalt  }
0x59: {  	_ =	shalt  }
0x5a: {  	_ =	shalt  }
0x5b: {  	_ =	shalt  }
0x5c: {  	_ =	shalt  }
0x5d: {  	_ =	shalt  }
0x5e: {  	_ =	shalt  }
0x5f: {  	_ =	shalt  }
0x60: {  	_ =	shalt  }
0x61: {  	_ =	shalt  }
0x62: {  	_ =	shalt  }
0x63: {  	_ =	shalt  }
0x64: {  	_ =	shalt  }
0x65: {  	_ =	shalt  }
0x66: {  	_ =	shalt  }
0x67: {  	_ =	shalt  }
0x68: {  	_ =	shalt  }
0x69: {  	_ =	shalt  }
0x6a: {  	_ =	shalt  }
0x6b: {  	_ =	shalt  }
0x6c: {  	_ =	shalt  }
0x6d: {  	_ =	shalt  }
0x6e: {  	_ =	shalt  }
0x6f: {  	_ =	shalt  }
0x70: {  	_ =	shalt  }
0x71: {  	_ =	shalt  }
0x72: {  	_ =	shalt  }
0x73: {  	_ =	shalt  }
0x74: {  	_ =	shalt  }
0x75: {  	_ =	shalt  }
0x76: {  	_ =	shalt  }
0x77: {  	_ =	shalt  }
0x78: {  	_ =	shalt  }
0x79: {  	_ =	shalt  }
0x7a: {  	_ =	shalt  }
0x7b: {  	_ =	shalt  }
0x7c: {  	_ =	shalt  }
0x7d: {  	_ =	shalt  }
0x7e: {  	_ =	shalt  }
0x7f: {  	_ =	shalt  }
0x80: {  	_ =	shalt  }
0x81: {  	_ =	shalt  }
0x82: {  	_ =	shalt  }
0x83: {  	_ =	shalt  }
0x84: {  	_ =	shalt  }
0x85: {  	_ =	shalt  }
0x86: {  	_ =	shalt  }
0x87: {  	_ =	shalt  }
.Lfunc_end0:
.L_simem_size_0:
called_computation.6_lowered:
.L_overlay_start_0:
0x88: {  	s2 =	sld [smem:$0x3FD9]  }
0x89: {  	s3 =	sld [smem:$0x3FFE];
	_ =	sdelay $0x1  }
0x8a: {  	s1 =	srdreg.scid  }
0x8b: {  	s0 =	sand.u32 $0x1, s1  }
0x8c: {  	s16 =	sshll.u32 s0, $0xA;
	s2 =	sadd.s32 s3, s2  }
0x8d: {  	s2 =	sadd.s32 s2, s16  }
0x8e: {  	[smem:$0x3FB4] =	sst s2  }
0x8f: {  	_ = 	snop  }
0x90: {  	(tm) =	ssettm $0x1  }
0x91: {  	s17 =	sld [smem:$0x3FFB];
	_ =	sdelay $0x3  }
0x92: {  	_ =	strace s17  }
0x93: {  	s2 =	sld [smem:$0x3FFC];
	_ =	sdelay $0x3  }
0x94: {  	_ =	strace s2  }
0x95: {  	s2 =	sld [smem:$0x3FFD];
	_ =	sdelay $0x3  }
0x96: {  	_ =	strace s2  }
0x97: {  	_ =	strace $0x8FFFFFFF  }
0x98: {  	s18 =	sld [smem:$0x3FDB];
	_ =	sdelay $0x1  }
0x99: {  	s19 =	simm.s32 $_scs_section_size  }
0x9a: {  	s4 =	simm.s32 $_size__tile_overlayer_lowered;
	s5 =	simm.s32 $_tile_overlayer_lowered  }
0x9b: {  	s22 =	simm.s32 $0x1BFF;
	s21 =	sshll.u32 s5, $0x1;
	s2 =	sadd.s32 s19, s18  }
0x9c: {  	s6 =	simm.s32 $0x0;
	s20 =	sshll.u32 s4, $0x1;
	s4 =	sadd.s32 s21, s2  }
0x9d: {  	[timem:s6], [sflag:s22] =	dma.local [hbm:s4], s20  }
0x9e: {  	_ =	swait.ge [sflag:s22], s20  }
0x9f: {  	s3 =	ssub.s32 $0x0, s20;
	[sflag:s22] =	ssyncset.done $0x0  }
0xa0: {  	[sflag:s22] =	ssyncadd.s32 s3;
	_ =	sdelay $0x1  }
0xa1: {  	s23 =	simm.s32 $0x1B8B  }
0xa2: {  	_ =	swait.ge [sflag:s23], $0x1  }
0xa3: {  	[sflag:s23] =	ssyncset.done $0x0  }
0xa4: {  	s25 =	simm.s32 $0x1B8E;
	s24 =	sld [smem:$0x3FFE];
	[sflag:s23] =	ssyncadd.s32 $0xFFFFFFFF  }
0xa5: {  	s26 =	simm.s32 $execute0_lowered;
	[smem:$0x3FD2] =	sst s25  }
0xa6: {  	s4 =	sshll.u32 s26, $0x1;
	_ =	strace $0x80000058;
	[dreg:$0x1] =	wrdreg $0xFFFFFFFF  }
0xa7: {  	s28 =	simm.s32 $_size_execute0_lowered;
	s2 =	sadd.s32 s2, s4;
	[dreg:$0x0] =	wrdreg $0x0  }
0xa8: {  	s4 =	sshll.u32 s28, $0x1;
	[dreg:$0x2] =	wrdreg s2  }
0xa9: {  	[dreg:$0x3] =	wrdreg s4  }
0xaa: {  	[dreg:$0x4] =	wrdreg $0xC0  }
0xab: {  	_ =	task [dreg:s6], $0x5FFFF  }
0xac: {  	[dreg:$0x1] =	wrdreg $0xFFFFFFFF  }
0xad: {  	[dreg:$0x0] =	wrdreg $0x60  }
0xae: {  	[dreg:$0x2] =	wrdreg s24  }
0xaf: {  	[dreg:$0x3] =	wrdreg $0x90000  }
0xb0: {  	[dreg:$0x4] =	wrdreg $0x9  }
0xb1: {  	_ =	task.clear_ibuf [dreg:s6], $0x5FFFF;
	_ =	strace $0x90000058  }
0xb2: {  	s29 =	simm.s32 $0x9;
	_ =	strace $0x8000005A  }
0xb3: {  	_ =	swait.ge [sflag:s29], $0x1  }
0xb4: {  	[sflag:s29] =	ssyncadd.s32 $0xFFFFFFFF  }
0xb5: {  	_ =	strace $0x9000005A  }
0xb6: {  	_ =	sfence  }
0xb7: {  	s30 =	sld [smem:$0x0];
	_ =	sdelay $0x2  }
0xb8: {  	s31 =	sshll.u32 s1, $0xD;
	s1 =	sshrl.u32 s1, $0x2  }
0xb9: {  	s3 =	sand.u32 $0x4000, s31;
	s1 =	sadd.s32 s1, s30  }
0xba: {  	s0 =	sor.u32 s3, s0;
	s1 =	sshll.u32 s1, $0x11  }
0xbb: {  	s0 =	sor.u32 s1, s0  }
0xbc: {  	s0 =	sadd.s32 $0x8F2B, s0  }
0xbd: {  	[sflag:s0] =	ssyncadd.remote.s32 $0x1  }
0xbe: {  	_ =	sfence.sel $0xFFFF  }
0xbf: {  	[dreg:$0x0] =	wrdreg $0xFFFFFFFF;
	(pc) =	sbr.abs _section_cstart, $3  }
0xc0: {  	[dreg:$0x1] =	wrdreg $0xFFFFFFFF  }
0xc1: {  	_ =	task.clear_ibuf [dreg:s6], $0x2FFFF;
	_ =	strace $0x9FFFFFFF  }
0xc2: {  	(tm) =	ssettm $0x7FFFFFFF  }
0xc3: {  	_ =	shalt  }
tec
execute0_lowered:
.L_overlay_start_1:
0x0: {  	(tag) =	ssettag $0x1  }
0x1: {  	s0 =	srdreg.scid;
	s6 =	rddreg [dreg:$0x0]  }
0x2: {  	s2 =	rddreg [dreg:$0x1];
	s3 =	simm.s32 $0x0;
	s14 =	simm.s32 $0x80  }
0x3: {  	s15 =	simm.s32 $0x5000;
	s5 =	sand.u32 $0x1, s0;
	s0 =	stileid.u32  }
0x4: {  	s16 =	simm.s32 $0x0;
	[smem:$0x7FF] =	sst s3;
	s8 =	smul.u32 $0x140000, s5  }
0x5: {  	s4 =	sadd.s32 $0x13400, s6;
	s1 =	sshll.u32 s5, $0x4;
	s9 =	smul.u32 $0x14000, s0  }
0x6: {  	s26 =	ssub.s32 $0x2, s5;
	s28 =	smul.u32 $0x50000, s0;
	s5 =	sadd.s32 $0x10C00, s6  }
0x7: {  	s31 =	sshll.u32 s0, $0x6;
	s1 =	sor.u32 s0, s1;
	s29 =	sshrl.u32 s26, $0x1  }
0x8: {  	s7 =	smul.u32 $0x500, s1;
	s1 =	rddreg [dreg:$0x2];
	_ =	strace $0x80000059  }
0x9: {  	s25 =	sadd.s32 s9, s8;
	s12 =	ssub.s32 s26, s29;
	s30 =	sshrl.u32 s28, $0x2  }
0xa: {  	s13 =	sadd.s32 s30, s2;
	s10 =	sadd.s32 s7, s6;
	s7 =	sshrl.u32 s25, $0x3  }
0xb: {  	s11 =	sadd.s32 s7, s6;
	s6 =	sor.u32 $0x1C01, s31;
	s7 =	sadd.s32 $0x6C00, s10  }
0xc: {  	s8 =	sadd.s32 $0x8B400, s10;
	s10 =	smax.u32 s12, $0x1;
	s12 =	simm.s32 $0x1  }
0xd: {  	s9 =	sadd.s32 $0x95400, s11;
	s11 =	sshrl.u32 s13, $0x3;
	s13 =	simm.s32 $0x2800  }
.LBB2_1:
0xe: {  	[spmem:s11], [sflag:s6] =	dma.local [hbm:s5], $0x2800  }
0xf: {  	_ =	swait.ge [sflag:s12], $0x2800  }
0x10: {  	[sflag:s12] =	ssyncset.done $0x0  }
0x11: {  	[sflag:s12] =	ssyncadd.s32 $0xFFFFD800  }
0x12: {  	[tilespmem:s3], [sflag:$0x1] =	stream.linear.gather [hbm4b:s7+s3], $0x2800, $0x38;
	[tilespmem:$0x1D000] =	vst v63  }
0x13: {  	_ =	swait.ge [sflag:s12], $0x2800  }
0x14: {  	[sflag:s12] =	ssyncset.done $0x0  }
0x15: {  	[sflag:s12] =	ssyncadd.s32 $0xFFFFD800  }
0x16: {  	[tilespmem:s13], [sflag:$0x1] =	stream.linear.gather [hbm4b:s8+s3], $0x2800, $0x38;
	[tilespmem:$0x1D000] =	vst v63  }
0x17: {  	_ =	swait.ge [sflag:s12], $0x2800  }
0x18: {  	[sflag:s12] =	ssyncset.done $0x0  }
0x19: {  	[sflag:s12] =	ssyncadd.s32 $0xFFFFD800  }
0x1a: {  	s17 =	simm.s32 $0x0;
	[bflag:$0x0] =	sbarrier.arrive $0xFFFF  }
0x1b: {  	[tilespmem:s15], [sflag:$0x1] =	stream.indirect.gather [hbm4b:s4+s14], $0x80, s17, s14, $0xb8;
	[tilespmem:$0x1D000] =	vst v63  }
0x1c: {  	_ =	swait.ge [sflag:s12], $0x4000  }
0x1d: {  	[sflag:s12] =	ssyncset.done $0x0  }
0x1e: {  	s31 =	simm.s32 $0x2800;
	[sflag:s12] =	ssyncadd.s32 $0xFFFFC000  }
0x1f: {  	[spmem:s2] =	stream.indirect.scatter.add.f32 [tilespmem:s15], [sflag:$0x1], $0x80, s31, s14, $0xb8;
	[tilespmem:$0x1D000] =	vst v63  }
0x20: {  	_ =	swait.ge [sflag:s12], $0x4000  }
0x21: {  	s18 =	simm.s32 $0x400;
	s17 =	simm.s32 $0x200;
	[sflag:s12] =	ssyncset.done $0x0  }
.LBB2_2:
0x22: {  	s19 =	sshra.s32 s17, $0x2  }
0x23: {  	[sflag:s12] =	ssyncadd.s32 $0xFFFFC000;
	s17 =	smov.u32 s18;
	s20 =	sadd.s32 $0x200, s18  }
0x24: {  	[tilespmem:s15], [sflag:$0x1] =	stream.indirect.gather [hbm4b:s4+s14], $0x80, s19, s14, $0xb8;
	[tilespmem:$0x1D000] =	vst v63  }
0x25: {  	p0 =	sne.s32 s18, $0x9E00;
	_ =	swait.ge [sflag:s12], $0x4000  }
.Ltmp0:
0x26: {  	[sflag:s12] =	ssyncset.done $0x0;
	(pc) =	sbr.rel @p0 .LBB2_2-.Ltmp0, $4  }
0x27: {  	s18 =	sadd.s32 $0x2800, s19;
	[sflag:s12] =	ssyncadd.s32 $0xFFFFC000  }
0x28: {  	[spmem:s2] =	stream.indirect.scatter.add.f32 [tilespmem:s15], [sflag:$0x1], $0x80, s18, s14, $0xb8;
	[tilespmem:$0x1D000] =	vst v63  }
0x29: {  	_ =	swait.ge [sflag:s12], $0x4000  }
0x2a: {  	s18 =	smov.u32 s20;
	[sflag:s12] =	ssyncset.done $0x0  }
0x2b: {  	s17 =	sshra.s32 s17, $0x2;
	[sflag:s12] =	ssyncadd.s32 $0xFFFFC000  }
0x2c: {  	[tilespmem:s15], [sflag:$0x1] =	stream.indirect.gather [hbm4b:s4+s14], $0x80, s17, s14, $0xb8;
	[tilespmem:$0x1D000] =	vst v63  }
0x2d: {  	_ =	swait.ge [sflag:s12], $0x4000  }
0x2e: {  	[sflag:s12] =	ssyncset.done $0x0  }
0x2f: {  	s17 =	sadd.s32 $0x2800, s17;
	[sflag:s12] =	ssyncadd.s32 $0xFFFFC000  }
0x30: {  	[spmem:s2] =	stream.indirect.scatter.add.f32 [tilespmem:s15], [sflag:$0x1], $0x80, s17, s14, $0xb8;
	[tilespmem:$0x1D000] =	vst v63  }
0x31: {  	_ =	swait.ge [sflag:s12], $0x4000  }
0x32: {  	s16 =	sadd.s32 $0x1, s16;
	[sflag:s12] =	ssyncset.done $0x0  }
0x33: {  	p0 =	sne.s32 s16, s10;
	[sflag:s12] =	ssyncadd.s32 $0xFFFFC000  }
.Ltmp1:
0x34: {  	[bflag:$0x0] =	sbarrier.arrive $0xFFFF;
	(pc) =	sbr.rel @p0 .LBB2_1-.Ltmp1, $4  }
0x35: {  	[hbm:s9], [sflag:s6] =	dma.local [spmem:s11], $0x2800  }
0x36: {  	_ =	swait.ge [sflag:s12], $0x2800  }
0x37: {  	[sflag:s12] =	ssyncset.done $0x0  }
0x38: {  	[sflag:s12] =	ssyncadd.s32 $0xFFFFD800  }
0x39: {  	_ =	sfence.sel $0x180000  }
0x3a: {  	[bflag:$0x0] =	sbarrier.arrive $0xFFFF  }
0x3b: {  	p0 =	sne.s32 s0, $0x0;
	_ =	strace $0x90000059  }
0x3c: {  	s0 =	sadd.s32 @!p0 $0x100000, s1;
	[bflag:$0x2] =	sbarrier.arrive $0xFFFF  }
0x3d: {  	[sflag:s0] =	ssyncadd.tile.s32 @!p0 $0x1;
	_ =	shalt  }
.Lfunc_end2:
_tile_overlayer_lowered:
.L_overlay_start_2:
0x3e: {  	(tag) =	ssettag $0x2  }
0x3f: {  	s0 =	rddreg [dreg:$0x0];
	s2 =	stileid.u32  }
0x40: {  	s1 =	rddreg [dreg:$0x1];
	p0 =	sne.s32 s2, $0x0  }
0x41: {  	s3 =	rddreg [dreg:$0x2];
	[bflag:$0x3] =	sbarrier.arrive $0xFFFF;
	s2 =	simm.s32 @!p0 $0x1C01  }
0x42: {  	[timem:s3], [sflag:s2] =	dma.local @!p0 [hbm:s0], s1  }
0x43: {  	s0 =	simm.s32 @!p0 $0x1  }
0x44: {  	_ =	swait.ge @!p0 [sflag:s0], s1  }
0x45: {  	s1 =	ssub.s32 @!p0 $0x0, s1;
	[sflag:s0] =	ssyncset.done @!p0 $0x0  }
0x46: {  	[sflag:s0] =	ssyncadd.s32 @!p0 s1  }
0x47: {  	[bflag:$0x3] =	sbarrier.arrive $0xFFFF  }
0x48: {  	_ =	shalt  }

</sc_bundles>
